<compile_context>
chip_gen: v7x
topology: tpu7x:2x2x1
jax: 0.10.2.dev20260603
libtpu: 0.0.44.dev20260713+nightly
codegen_flags: <defaults>
</compile_context>

<pallas_src>
import functools

import jax
import jax.numpy as jnp
from jax import lax
from jax.experimental import pallas as pl
from jax.experimental.pallas import tpu as pltpu
from jax.experimental.pallas import tpu_sc as plsc

N = 10000
E = 320000
D_IN = 128
HID = 64
OUT = 128
H1 = 5
H2 = 3

NTILES = 16
NCORES = 2
RB = 400
EPT = E // NTILES
BE = 80
NB = EPT // BE
NROWS = N // NTILES

_mesh = plsc.VectorSubcoreMesh(core_axis_name="c", subcore_axis_name="s")
_P = lax.Precision.HIGHEST
_SC_PARAMS = pltpu.CompilerParams(use_tc_tiling_on_sc=False,
                                  needs_layout_passes=False)


def _lrelu(x, s):
    return jnp.maximum(x, s * x)



def _prep_body(heads, ch, x_ref, w_ref, asm_ref, adm_ref,
               xp0_ref, xp1_ref, as_ref, ad_ref, ai0_ref, ai1_ref, si_ref):
    xp = jnp.dot(x_ref[...], w_ref[...], precision=_P,
                 preferred_element_type=jnp.float32)
    a_s = jnp.dot(xp, asm_ref[...], precision=_P,
                  preferred_element_type=jnp.float32)
    a_d = jnp.dot(xp, adm_ref[...], precision=_P,
                  preferred_element_type=jnp.float32)
    z = a_s + a_d
    exs = jnp.exp(_lrelu(z, 0.2))
    as_ref[...] = a_s
    ad_ref[...] = a_d
    si_ref[...] = exs
    half = heads * ch // 2
    xp0_ref[...] = xp[:, :half]
    xp1_ref[...] = xp[:, half:]
    acc = jnp.concatenate(
        [xp[:, h * ch:(h + 1) * ch] * exs[:, h:h + 1] for h in range(heads)],
        axis=1)
    ai0_ref[...] = acc[:, :half]
    ai1_ref[...] = acc[:, half:]


def _prep_layer(x, w, asm, adm, heads, ch):
    hc = heads * ch
    half = hc // 2
    k = x.shape[1]
    grid = N // RB
    outs = [
        jax.ShapeDtypeStruct((N, half), jnp.float32),
        jax.ShapeDtypeStruct((N, half), jnp.float32),
        jax.ShapeDtypeStruct((N, 16), jnp.float32),
        jax.ShapeDtypeStruct((N, 16), jnp.float32),
        jax.ShapeDtypeStruct((N, half), jnp.float32),
        jax.ShapeDtypeStruct((N, half), jnp.float32),
        jax.ShapeDtypeStruct((N, 16), jnp.float32),
    ]
    return pl.pallas_call(
        functools.partial(_prep_body, heads, ch),
        grid=(grid,),
        in_specs=[
            pl.BlockSpec((RB, k), lambda i: (i, 0)),
            pl.BlockSpec((k, hc), lambda i: (0, 0)),
            pl.BlockSpec((hc, 16), lambda i: (0, 0)),
            pl.BlockSpec((hc, 16), lambda i: (0, 0)),
        ],
        out_specs=[
            pl.BlockSpec((RB, half), lambda i: (i, 0)),
            pl.BlockSpec((RB, half), lambda i: (i, 0)),
            pl.BlockSpec((RB, 16), lambda i: (i, 0)),
            pl.BlockSpec((RB, 16), lambda i: (i, 0)),
            pl.BlockSpec((RB, half), lambda i: (i, 0)),
            pl.BlockSpec((RB, half), lambda i: (i, 0)),
            pl.BlockSpec((RB, 16), lambda i: (i, 0)),
        ],
        out_shape=outs,
    )(x, w, asm, adm)


def _norm1_body(acc0_ref, acc1_ref, s_ref, b_ref, h_ref):
    acc = jnp.concatenate([acc0_ref[...], acc1_ref[...]], axis=1)
    s = s_ref[...]
    cols = [acc[:, h * HID:(h + 1) * HID] / (s[:, h:h + 1] + 1e-16)
            for h in range(H1)]
    h = jnp.concatenate(cols, axis=1) + b_ref[...]
    h_ref[...] = _lrelu(h, 0.01)


def _norm1(acc0, acc1, s, b):
    grid = N // RB
    return pl.pallas_call(
        _norm1_body,
        grid=(grid,),
        in_specs=[
            pl.BlockSpec((RB, 160), lambda i: (i, 0)),
            pl.BlockSpec((RB, 160), lambda i: (i, 0)),
            pl.BlockSpec((RB, 16), lambda i: (i, 0)),
            pl.BlockSpec((1, 320), lambda i: (0, 0)),
        ],
        out_specs=pl.BlockSpec((RB, 320), lambda i: (i, 0)),
        out_shape=jax.ShapeDtypeStruct((N, 320), jnp.float32),
    )(acc0, acc1, s, b)


def _final_body(acc0_ref, acc1_ref, sa_ref, sb_ref, b_ref, o_ref):
    a0 = acc0_ref[...]
    a1 = acc1_ref[...]
    s = sa_ref[...] + sb_ref[...]
    r0 = a0[:, 0:128] / (s[:, 0:1] + 1e-16)
    r1 = jnp.concatenate([a0[:, 128:192], a1[:, 0:64]], axis=1) \
        / (s[:, 1:2] + 1e-16)
    r2 = a1[:, 64:192] / (s[:, 2:3] + 1e-16)
    out = (r0 + r1 + r2) / 3.0 + b_ref[...]
    o_ref[...] = _lrelu(out, 0.01)


def _final(acc0, acc1, sa, sb, b):
    grid = N // RB
    return pl.pallas_call(
        _final_body,
        grid=(grid,),
        in_specs=[
            pl.BlockSpec((RB, 192), lambda i: (i, 0)),
            pl.BlockSpec((RB, 192), lambda i: (i, 0)),
            pl.BlockSpec((RB, 16), lambda i: (i, 0)),
            pl.BlockSpec((RB, 16), lambda i: (i, 0)),
            pl.BlockSpec((1, 128), lambda i: (0, 0)),
        ],
        out_specs=pl.BlockSpec((RB, 128), lambda i: (i, 0)),
        out_shape=jax.ShapeDtypeStruct((N, 128), jnp.float32),
    )(acc0, acc1, sa, sb, b)



def _scale_rows(be, rows, exb, head_map):
    heads = sorted(set(head_map))

    @pl.loop(0, be)
    def _(e):
        e16 = jnp.full((16,), 0, jnp.int32) + e
        ebs = {h: plsc.load_gather(exb, [e16, jnp.full((16,), h, jnp.int32)])
               for h in heads}
        for j, h in enumerate(head_map):
            sl = (e, pl.ds(j * 16, 16))
            rows[sl] = rows[sl] * ebs[h]


def _compute_ex(be, g1, g2, exb):
    @pl.loop(0, be)
    def _(e):
        z = g1[e, :] + g2[e, :]
        exb[e, :] = jnp.exp(jnp.maximum(z, 0.2 * z))


def _edge_body(heads, ch, with_s, be, src_h, dst_h, as_h, ad_h, xp0_h, xp1_h,
               ai0_h, ai1_h, si_h, acc0_o, acc1_o, s_o,
               srcv, dstv, g1, g2, exb, rows, accs, ss, sem):
    half = heads * ch // 2
    nv = half // 16
    hm0 = [(j * 16) // ch for j in range(nv)]
    hm1 = [(half + j * 16) // ch for j in range(nv)]
    c = lax.axis_index("c")
    t = lax.axis_index("s")
    base = t * NROWS

    @pl.when(c == 0)
    def _():
        pltpu.sync_copy(ai0_h.at[pl.ds(base, NROWS)],
                        accs.at[pl.ds(base, NROWS)])
        if with_s:
            pltpu.sync_copy(si_h.at[pl.ds(base, NROWS)],
                            ss.at[pl.ds(base, NROWS)])

    @pl.when(c == 1)
    def _():
        pltpu.sync_copy(ai1_h.at[pl.ds(base, NROWS)],
                        accs.at[pl.ds(base, NROWS)])

    plsc.subcore_barrier()
    ebase = t * EPT

    @pl.loop(0, EPT // be)
    def _(i):
        off = ebase + i * be
        pltpu.sync_copy(src_h.at[pl.ds(off, be)], srcv.at[0])
        pltpu.sync_copy(dst_h.at[pl.ds(off, be)], dstv.at[0])
        cp1 = pltpu.async_copy(as_h.at[srcv.at[0]], g1, sem)
        cp2 = pltpu.async_copy(ad_h.at[dstv.at[0]], g2, sem)
        cp1.wait()
        cp2.wait()
        _compute_ex(be, g1, g2, exb)

        @pl.when(c == 0)
        def _():
            if with_s:
                pltpu.sync_copy(exb, ss.at[dstv.at[0]], add=True)
            pltpu.sync_copy(xp0_h.at[srcv.at[0]], rows)
            _scale_rows(be, rows, exb, hm0)

        @pl.when(c == 1)
        def _():
            pltpu.sync_copy(xp1_h.at[srcv.at[0]], rows)
            _scale_rows(be, rows, exb, hm1)

        pltpu.sync_copy(rows, accs.at[dstv.at[0]], add=True)

    plsc.subcore_barrier()

    @pl.when(c == 0)
    def _():
        pltpu.sync_copy(accs.at[pl.ds(base, NROWS)],
                        acc0_o.at[pl.ds(base, NROWS)])
        if with_s:
            pltpu.sync_copy(ss.at[pl.ds(base, NROWS)],
                            s_o.at[pl.ds(base, NROWS)])

    @pl.when(c == 1)
    def _():
        pltpu.sync_copy(accs.at[pl.ds(base, NROWS)],
                        acc1_o.at[pl.ds(base, NROWS)])


def _edge_phase(src, dst, a_s, a_d, xp0, xp1, ai0, ai1, si, heads, ch,
                with_s, be):
    half = heads * ch // 2
    outs = [
        jax.ShapeDtypeStruct((N, half), jnp.float32),
        jax.ShapeDtypeStruct((N, half), jnp.float32),
        jax.ShapeDtypeStruct((N, 16), jnp.float32),
    ]
    scratch = [
        pltpu.VMEM((1, be), jnp.int32),
        pltpu.VMEM((1, be), jnp.int32),
        pltpu.VMEM((be, 16), jnp.float32),
        pltpu.VMEM((be, 16), jnp.float32),
        pltpu.VMEM((be, 16), jnp.float32),
        pltpu.VMEM((be, half), jnp.float32),
        pltpu.VMEM_SHARED((N, half), jnp.float32),
        pltpu.VMEM_SHARED((N, 16) if with_s else (8, 16), jnp.float32),
        pltpu.SemaphoreType.DMA,
    ]
    kern = pl.kernel(
        functools.partial(_edge_body, heads, ch, with_s, be),
        out_type=outs,
        mesh=_mesh,
        scratch_types=scratch,
        compiler_params=_SC_PARAMS,
    )
    return kern(src, dst, a_s, a_d, xp0, xp1, ai0, ai1, si)


def _sonly_body(src_h, dst_h, as_h, ad_h, si0_h, si1_h, s0_o, s1_o,
                srcv, dstv, g1, g2, exb, ss, sem):
    c = lax.axis_index("c")
    t = lax.axis_index("s")
    base = t * NROWS

    @pl.when(c == 0)
    def _():
        pltpu.sync_copy(si0_h.at[pl.ds(base, NROWS)],
                        ss.at[pl.ds(base, NROWS)])

    @pl.when(c == 1)
    def _():
        pltpu.sync_copy(si1_h.at[pl.ds(base, NROWS)],
                        ss.at[pl.ds(base, NROWS)])

    plsc.subcore_barrier()
    wid = t * NCORES + c
    ept2 = E // (NTILES * NCORES)
    ebase = wid * ept2

    @pl.loop(0, ept2 // BE)
    def _(i):
        off = ebase + i * BE
        pltpu.sync_copy(src_h.at[pl.ds(off, BE)], srcv.at[0])
        pltpu.sync_copy(dst_h.at[pl.ds(off, BE)], dstv.at[0])
        cp1 = pltpu.async_copy(as_h.at[srcv.at[0]], g1, sem)
        cp2 = pltpu.async_copy(ad_h.at[dstv.at[0]], g2, sem)
        cp1.wait()
        cp2.wait()
        _compute_ex(BE, g1, g2, exb)
        pltpu.sync_copy(exb, ss.at[dstv.at[0]], add=True)

    plsc.subcore_barrier()

    @pl.when(c == 0)
    def _():
        pltpu.sync_copy(ss.at[pl.ds(base, NROWS)], s0_o.at[pl.ds(base, NROWS)])

    @pl.when(c == 1)
    def _():
        pltpu.sync_copy(ss.at[pl.ds(base, NROWS)], s1_o.at[pl.ds(base, NROWS)])


def _s_phase(src, dst, a_s, a_d, si, zeros16):
    kern = pl.kernel(
        _sonly_body,
        out_type=[
            jax.ShapeDtypeStruct((N, 16), jnp.float32),
            jax.ShapeDtypeStruct((N, 16), jnp.float32),
        ],
        mesh=_mesh,
        scratch_types=[
            pltpu.VMEM((1, BE), jnp.int32),
            pltpu.VMEM((1, BE), jnp.int32),
            pltpu.VMEM((BE, 16), jnp.float32),
            pltpu.VMEM((BE, 16), jnp.float32),
            pltpu.VMEM((BE, 16), jnp.float32),
            pltpu.VMEM_SHARED((N, 16), jnp.float32),
            pltpu.SemaphoreType.DMA,
        ],
        compiler_params=_SC_PARAMS,
    )
    return kern(src, dst, a_s, a_d, si, zeros16)



def _bbox_body(src_h, idx_h, out_o, idxv, rowsv, sem):
    c = lax.axis_index("c")
    t = lax.axis_index("s")
    wid = t * NCORES + c
    base = wid * 32
    pltpu.sync_copy(idx_h.at[pl.ds(base, 32)], idxv.at[0])
    pltpu.async_copy(src_h.at[idxv.at[0]], rowsv, sem).wait()
    pltpu.sync_copy(rowsv, out_o.at[pl.ds(base, 32)])


def _bbox_gather(x, idx_pad):
    kern = pl.kernel(
        _bbox_body,
        out_type=jax.ShapeDtypeStruct((1024, OUT), jnp.float32),
        mesh=_mesh,
        scratch_types=[
            pltpu.VMEM((1, 32), jnp.int32),
            pltpu.VMEM((32, OUT), jnp.float32),
            pltpu.SemaphoreType.DMA,
        ],
        compiler_params=_SC_PARAMS,
    )
    return kern(x, idx_pad)



def _block_diag(a, heads, ch):
    A = jnp.zeros((heads * ch, 16), jnp.float32)
    for h in range(heads):
        A = A.at[h * ch:(h + 1) * ch, h].set(a[0, h])
    return A


def kernel(x, edge_index, bbox, W1, a_src1, a_dst1, b1, W2, a_src2, a_dst2,
           b2):
    As1 = _block_diag(a_src1, H1, HID)
    Ad1 = _block_diag(a_dst1, H1, HID)
    As2 = _block_diag(a_src2, H2, OUT)
    Ad2 = _block_diag(a_dst2, H2, OUT)
    src = edge_index[0]
    dst = edge_index[1]
    bbox_pad = jnp.concatenate([bbox, jnp.zeros((24,), jnp.int32)])

    xp0, xp1, a_s, a_d, ai0, ai1, si = _prep_layer(x, W1, As1, Ad1, H1, HID)
    acc0, acc1, s1 = _edge_phase(src, dst, a_s, a_d, xp0, xp1, ai0, ai1, si,
                                 H1, HID, True, 80)
    h = _norm1(acc0, acc1, s1, b1.reshape(1, 320))

    xp0, xp1, a_s, a_d, ai0, ai1, si = _prep_layer(h, W2, As2, Ad2, H2, OUT)
    acc0, acc1, _ = _edge_phase(src, dst, a_s, a_d, xp0, xp1, ai0, ai1, si,
                                H2, OUT, False, 40)
    zeros16 = jnp.zeros((N, 16), jnp.float32)
    sa, sb = _s_phase(src, dst, a_s, a_d, si, zeros16)
    out_full = _final(acc0, acc1, sa, sb, b2.reshape(1, 128))

    out_pad = _bbox_gather(out_full, bbox_pad)
    return out_pad[:1000]

# --- scband reference (transcript-rebuilt; emitter-appended) ---
"""Pipeline reference for scband-gcn-39058432590432 (READ-ONLY COPY).

The authoritative reference and input builder live on the scoring server;
editing this copy changes nothing except your own understanding.
"""

import jax, jax.numpy as jnp
import numpy as np

N = 10000
E = 320000
D_IN = 128
HID = 64
OUT = 128
H1 = 5
H2 = 3


def setup_inputs(seed: int = 0) -> dict:
    key = jax.random.key(seed)
    ks = jax.random.split(key, 12)
    x = jax.random.normal(ks[0], (N, D_IN), dtype=jnp.float32)
    edge_index = jax.random.randint(ks[1], (2, E), 0, N, dtype=jnp.int32)
    bbox = jax.random.randint(ks[2], (1000,), 0, N, dtype=jnp.int32)
    W1 = jax.random.normal(ks[3], (D_IN, H1 * HID), dtype=jnp.float32) * 0.05
    a_src1 = jax.random.normal(ks[4], (1, H1, HID), dtype=jnp.float32) * 0.05
    a_dst1 = jax.random.normal(ks[5], (1, H1, HID), dtype=jnp.float32) * 0.05
    b1 = jnp.zeros((H1 * HID,), dtype=jnp.float32)
    W2 = jax.random.normal(ks[6], (H1 * HID, H2 * OUT), dtype=jnp.float32) * 0.05
    a_src2 = jax.random.normal(ks[7], (1, H2, OUT), dtype=jnp.float32) * 0.05
    a_dst2 = jax.random.normal(ks[8], (1, H2, OUT), dtype=jnp.float32) * 0.05
    b2 = jnp.zeros((OUT,), dtype=jnp.float32)
    return {"x": x, "edge_index": edge_index, "bbox": bbox,
            "W1": W1, "a_src1": a_src1, "a_dst1": a_dst1, "b1": b1,
            "W2": W2, "a_src2": a_src2, "a_dst2": a_dst2, "b2": b2}


def gat_conv(x, edge_index, W, a_src, a_dst, b, heads, ch, concat):
    n = x.shape[0]
    xp = (x @ W).reshape(n, heads, ch)
    alpha_src = jnp.sum(xp * a_src, axis=-1)  # [N, H]
    alpha_dst = jnp.sum(xp * a_dst, axis=-1)  # [N, H]
    loop = jnp.arange(n, dtype=edge_index.dtype)
    src = jnp.concatenate([edge_index[0], loop])
    dst = jnp.concatenate([edge_index[1], loop])
    e = jax.nn.leaky_relu(alpha_src[src] + alpha_dst[dst], 0.2)  # [E+N, H]
    m = jax.ops.segment_max(e, dst, num_segments=n)
    ex = jnp.exp(e - m[dst])
    s = jax.ops.segment_sum(ex, dst, num_segments=n)
    alpha = ex / (s[dst] + 1e-16)
    out = jax.ops.segment_sum(xp[src] * alpha[:, :, None], dst, num_segments=n)
    if concat:
        out = out.reshape(n, heads * ch)
    else:
        out = jnp.mean(out, axis=1)
    return out + b


def reference(x, edge_index, bbox, W1, a_src1, a_dst1, b1, W2, a_src2, a_dst2, b2):
    h = gat_conv(x, edge_index, W1, a_src1, a_dst1, b1, H1, HID, True)
    h = jax.nn.leaky_relu(h, 0.01)
    # dropout inactive in eval mode
    h = gat_conv(h, edge_index, W2, a_src2, a_dst2, b2, H2, OUT, False)
    h = jax.nn.leaky_relu(h, 0.01)
    return h[bbox]

if __name__ == "__main__":
    import jax
    _d = setup_inputs()
    print(jax.jit(kernel)(*tuple(_d.values())))

</pallas_src>

<mosaic_0001>
#map = affine_map<(d0, d1) -> (0)>
#map1 = affine_map<(d0, d1) -> (0, 0)>
module attributes {stable_mosaic.version = 14 : i64} {
  func.func @_sonly_body(%arg0: i32, %arg1: i32, %arg2: memref<320000xi32, #tpu.memory_space<hbm>>, %arg3: memref<320000xi32, #tpu.memory_space<hbm>>, %arg4: memref<10000x16xf32, #tpu.memory_space<hbm>>, %arg5: memref<10000x16xf32, #tpu.memory_space<hbm>>, %arg6: memref<10000x16xf32, #tpu.memory_space<hbm>>, %arg7: memref<10000x16xf32, #tpu.memory_space<hbm>>, %arg8: memref<10000x16xf32, #tpu.memory_space<hbm>>, %arg9: memref<10000x16xf32, #tpu.memory_space<hbm>>, %arg10: memref<1x80xi32, #tpu.memory_space<vmem>>, %arg11: memref<1x80xi32, #tpu.memory_space<vmem>>, %arg12: memref<80x16xf32, #tpu.memory_space<vmem>>, %arg13: memref<80x16xf32, #tpu.memory_space<vmem>>, %arg14: memref<80x16xf32, #tpu.memory_space<vmem>>, %arg15: memref<10000x16xf32, #tpu.memory_space<vmem_shared>>, %arg16: memref<!tpu.dma_semaphore, #tpu.memory_space<semaphore_mem>>) attributes {dimension_semantics = [#tpu.dimension_semantics<core_parallel>, #tpu.dimension_semantics<subcore_parallel>], iteration_bounds = array<i64: 2, 16>, scalar_prefetch = 0 : i64, scratch_operands = 7 : i64, tpu.core_type = #tpu.core_type<sc_vector_subcore>, window_params = [{transform_indices = #map}, {transform_indices = #map}, {transform_indices = #map1}, {transform_indices = #map1}, {transform_indices = #map1}, {transform_indices = #map1}, {transform_indices = #map1}, {transform_indices = #map1}]} {
    %mul3A = arith.constant 625 : i32
    %mul3A_0 = arith.muli %arg1, %mul3A : i32
    %eq3A = arith.constant 0 : i32
    %eq3A_1 = arith.cmpi eq, %arg0, %eq3A : i32
    %convert_element_type3A = arith.extui %eq3A_1 : i1 to i32
    %cond3A = arith.constant 0 : i32
    %cond3A_2 = arith.cmpi ne, %convert_element_type3A, %cond3A : i32
    scf.if %cond3A_2 {
      "tpu.region"() ({
        %run_scoped3A = tpu.sem_alloc : memref<!tpu.dma_semaphore, #tpu.memory_space<semaphore_mem>>
        %dma_start3A = arith.constant 0 : i32
        %dma_start3A_27 = tpu.memref_slice %arg15[%mul3A_0, %dma_start3A] : memref<10000x16xf32, #tpu.memory_space<vmem_shared>> -> memref<625x16xf32, #tpu.memory_space<vmem_shared>>
        %dma_start3A_28 = arith.constant 0 : i32
        %dma_start3A_29 = tpu.memref_slice %arg6[%mul3A_0, %dma_start3A_28] : memref<10000x16xf32, #tpu.memory_space<hbm>> -> memref<625x16xf32, #tpu.memory_space<hbm>>
        tpu.enqueue_dma source(%dma_start3A_29 : memref<625x16xf32, #tpu.memory_space<hbm>>) target(%dma_start3A_27 : memref<625x16xf32, #tpu.memory_space<vmem_shared>>) target_semaphore(%run_scoped3A : memref<!tpu.dma_semaphore, #tpu.memory_space<semaphore_mem>>)
        %dma_wait3A = arith.constant 0 : i32
        %dma_wait3A_30 = tpu.memref_slice %arg15[%mul3A_0, %dma_wait3A] : memref<10000x16xf32, #tpu.memory_space<vmem_shared>> -> memref<625x16xf32, #tpu.memory_space<vmem_shared>>
        %dma_wait3A_31 = arith.constant 0 : i32
        %dma_wait3A_32 = tpu.memref_slice %arg6[%mul3A_0, %dma_wait3A_31] : memref<10000x16xf32, #tpu.memory_space<hbm>> -> memref<625x16xf32, #tpu.memory_space<hbm>>
        tpu.wait_dma2 semaphore(%run_scoped3A : memref<!tpu.dma_semaphore, #tpu.memory_space<semaphore_mem>>) src(%dma_wait3A_32 : memref<625x16xf32, #tpu.memory_space<hbm>>) dst(%dma_wait3A_30 : memref<625x16xf32, #tpu.memory_space<vmem_shared>>)
        tpu.yield
      }) : () -> ()
    } else {
    }
    %eq3A_3 = arith.constant 1 : i32
    %eq3A_4 = arith.cmpi eq, %arg0, %eq3A_3 : i32
    %convert_element_type3A_5 = arith.extui %eq3A_4 : i1 to i32
    %cond3A_6 = arith.constant 0 : i32
    %cond3A_7 = arith.cmpi ne, %convert_element_type3A_5, %cond3A_6 : i32
    scf.if %cond3A_7 {
      "tpu.region"() ({
        %run_scoped3A = tpu.sem_alloc : memref<!tpu.dma_semaphore, #tpu.memory_space<semaphore_mem>>
        %dma_start3A = arith.constant 0 : i32
        %dma_start3A_27 = tpu.memref_slice %arg15[%mul3A_0, %dma_start3A] : memref<10000x16xf32, #tpu.memory_space<vmem_shared>> -> memref<625x16xf32, #tpu.memory_space<vmem_shared>>
        %dma_start3A_28 = arith.constant 0 : i32
        %dma_start3A_29 = tpu.memref_slice %arg7[%mul3A_0, %dma_start3A_28] : memref<10000x16xf32, #tpu.memory_space<hbm>> -> memref<625x16xf32, #tpu.memory_space<hbm>>
        tpu.enqueue_dma source(%dma_start3A_29 : memref<625x16xf32, #tpu.memory_space<hbm>>) target(%dma_start3A_27 : memref<625x16xf32, #tpu.memory_space<vmem_shared>>) target_semaphore(%run_scoped3A : memref<!tpu.dma_semaphore, #tpu.memory_space<semaphore_mem>>)
        %dma_wait3A = arith.constant 0 : i32
        %dma_wait3A_30 = tpu.memref_slice %arg15[%mul3A_0, %dma_wait3A] : memref<10000x16xf32, #tpu.memory_space<vmem_shared>> -> memref<625x16xf32, #tpu.memory_space<vmem_shared>>
        %dma_wait3A_31 = arith.constant 0 : i32
        %dma_wait3A_32 = tpu.memref_slice %arg7[%mul3A_0, %dma_wait3A_31] : memref<10000x16xf32, #tpu.memory_space<hbm>> -> memref<625x16xf32, #tpu.memory_space<hbm>>
        tpu.wait_dma2 semaphore(%run_scoped3A : memref<!tpu.dma_semaphore, #tpu.memory_space<semaphore_mem>>) src(%dma_wait3A_32 : memref<625x16xf32, #tpu.memory_space<hbm>>) dst(%dma_wait3A_30 : memref<625x16xf32, #tpu.memory_space<vmem_shared>>)
        tpu.yield
      }) : () -> ()
    } else {
    }
    %barrier3A = arith.constant 0 : index
    tpu.barrier barrier_id(%barrier3A)
    %mul3A_8 = arith.constant 2 : i32
    %mul3A_9 = arith.muli %arg1, %mul3A_8 : i32
    %add3A = arith.addi %mul3A_9, %arg0 : i32
    %mul3A_10 = arith.constant 10000 : i32
    %mul3A_11 = arith.muli %add3A, %mul3A_10 : i32
    %scan3A = arith.constant 0 : i32
    %scan3A_12 = arith.constant 125 : i32
    %scan3A_13 = arith.addi %scan3A, %scan3A_12 : i32
    %scan3A_14 = arith.constant 1 : i32
    scf.for %scan3A_27 = %scan3A to %scan3A_13 step %scan3A_14  : i32 {
      %mul3A_28 = arith.constant 1 : i32
      %mul3A_29 = arith.muli %scan3A_27, %mul3A_28 : i32
      %add3A_30 = arith.constant 0 : i32
      %add3A_31 = arith.addi %add3A_30, %mul3A_29 : i32
      %mul3A_32 = arith.constant 80 : i32
      %mul3A_33 = arith.muli %add3A_31, %mul3A_32 : i32
      %add3A_34 = arith.addi %mul3A_11, %mul3A_33 : i32
      %run_scoped3A = arith.constant 0 : i32
      "tpu.region"() ({
        %run_scoped3A_68 = tpu.sem_alloc : memref<!tpu.dma_semaphore, #tpu.memory_space<semaphore_mem>>
        %dma_start3A_69 = arith.constant 0 : i32
        %dma_start3A_70 = tpu.memref_slice %arg10[%run_scoped3A, %dma_start3A_69] : memref<1x80xi32, #tpu.memory_space<vmem>> -> memref<1x80xi32, #tpu.memory_space<vmem>>
        %dma_start3A_71 = tpu.memref_squeeze %dma_start3A_70 : memref<1x80xi32, #tpu.memory_space<vmem>> -> memref<80xi32, #tpu.memory_space<vmem>>
        %dma_start3A_72 = tpu.memref_slice %arg2[%add3A_34] : memref<320000xi32, #tpu.memory_space<hbm>> -> memref<80xi32, #tpu.memory_space<hbm>>
        %dma_start3A_73 = arith.constant 0 : i32
        %dma_start3A_74 = tpu.memref_slice %arg10[%run_scoped3A, %dma_start3A_73] : memref<1x80xi32, #tpu.memory_space<vmem>> -> memref<1x80xi32, #tpu.memory_space<vmem>>
        %dma_start3A_75 = tpu.memref_squeeze %dma_start3A_74 : memref<1x80xi32, #tpu.memory_space<vmem>> -> memref<80xi32, #tpu.memory_space<vmem>>
        %dma_start3A_76 = tpu.memref_slice %arg2[%add3A_34] : memref<320000xi32, #tpu.memory_space<hbm>> -> memref<80xi32, #tpu.memory_space<hbm>>
        tpu.enqueue_dma source(%dma_start3A_76 : memref<80xi32, #tpu.memory_space<hbm>>) target(%dma_start3A_75 : memref<80xi32, #tpu.memory_space<vmem>>) target_semaphore(%run_scoped3A_68 : memref<!tpu.dma_semaphore, #tpu.memory_space<semaphore_mem>>)
        %dma_wait3A_77 = arith.constant 0 : i32
        %dma_wait3A_78 = tpu.memref_slice %arg10[%run_scoped3A, %dma_wait3A_77] : memref<1x80xi32, #tpu.memory_space<vmem>> -> memref<1x80xi32, #tpu.memory_space<vmem>>
        %dma_wait3A_79 = tpu.memref_squeeze %dma_wait3A_78 : memref<1x80xi32, #tpu.memory_space<vmem>> -> memref<80xi32, #tpu.memory_space<vmem>>
        %dma_wait3A_80 = tpu.memref_slice %arg2[%add3A_34] : memref<320000xi32, #tpu.memory_space<hbm>> -> memref<80xi32, #tpu.memory_space<hbm>>
        %dma_wait3A_81 = arith.constant 0 : i32
        %dma_wait3A_82 = tpu.memref_slice %arg10[%run_scoped3A, %dma_wait3A_81] : memref<1x80xi32, #tpu.memory_space<vmem>> -> memref<1x80xi32, #tpu.memory_space<vmem>>
        %dma_wait3A_83 = tpu.memref_squeeze %dma_wait3A_82 : memref<1x80xi32, #tpu.memory_space<vmem>> -> memref<80xi32, #tpu.memory_space<vmem>>
        %dma_wait3A_84 = tpu.memref_slice %arg2[%add3A_34] : memref<320000xi32, #tpu.memory_space<hbm>> -> memref<80xi32, #tpu.memory_space<hbm>>
        tpu.wait_dma2 semaphore(%run_scoped3A_68 : memref<!tpu.dma_semaphore, #tpu.memory_space<semaphore_mem>>) src(%dma_wait3A_84 : memref<80xi32, #tpu.memory_space<hbm>>) dst(%dma_wait3A_83 : memref<80xi32, #tpu.memory_space<vmem>>)
        tpu.yield
      }) : () -> ()
      %run_scoped3A_35 = arith.constant 0 : i32
      "tpu.region"() ({
        %run_scoped3A_68 = tpu.sem_alloc : memref<!tpu.dma_semaphore, #tpu.memory_space<semaphore_mem>>
        %dma_start3A_69 = arith.constant 0 : i32
        %dma_start3A_70 = tpu.memref_slice %arg11[%run_scoped3A_35, %dma_start3A_69] : memref<1x80xi32, #tpu.memory_space<vmem>> -> memref<1x80xi32, #tpu.memory_space<vmem>>
        %dma_start3A_71 = tpu.memref_squeeze %dma_start3A_70 : memref<1x80xi32, #tpu.memory_space<vmem>> -> memref<80xi32, #tpu.memory_space<vmem>>
        %dma_start3A_72 = tpu.memref_slice %arg3[%add3A_34] : memref<320000xi32, #tpu.memory_space<hbm>> -> memref<80xi32, #tpu.memory_space<hbm>>
        %dma_start3A_73 = arith.constant 0 : i32
        %dma_start3A_74 = tpu.memref_slice %arg11[%run_scoped3A_35, %dma_start3A_73] : memref<1x80xi32, #tpu.memory_space<vmem>> -> memref<1x80xi32, #tpu.memory_space<vmem>>
        %dma_start3A_75 = tpu.memref_squeeze %dma_start3A_74 : memref<1x80xi32, #tpu.memory_space<vmem>> -> memref<80xi32, #tpu.memory_space<vmem>>
        %dma_start3A_76 = tpu.memref_slice %arg3[%add3A_34] : memref<320000xi32, #tpu.memory_space<hbm>> -> memref<80xi32, #tpu.memory_space<hbm>>
        tpu.enqueue_dma source(%dma_start3A_76 : memref<80xi32, #tpu.memory_space<hbm>>) target(%dma_start3A_75 : memref<80xi32, #tpu.memory_space<vmem>>) target_semaphore(%run_scoped3A_68 : memref<!tpu.dma_semaphore, #tpu.memory_space<semaphore_mem>>)
        %dma_wait3A_77 = arith.constant 0 : i32
        %dma_wait3A_78 = tpu.memref_slice %arg11[%run_scoped3A_35, %dma_wait3A_77] : memref<1x80xi32, #tpu.memory_space<vmem>> -> memref<1x80xi32, #tpu.memory_space<vmem>>
        %dma_wait3A_79 = tpu.memref_squeeze %dma_wait3A_78 : memref<1x80xi32, #tpu.memory_space<vmem>> -> memref<80xi32, #tpu.memory_space<vmem>>
        %dma_wait3A_80 = tpu.memref_slice %arg3[%add3A_34] : memref<320000xi32, #tpu.memory_space<hbm>> -> memref<80xi32, #tpu.memory_space<hbm>>
        %dma_wait3A_81 = arith.constant 0 : i32
        %dma_wait3A_82 = tpu.memref_slice %arg11[%run_scoped3A_35, %dma_wait3A_81] : memref<1x80xi32, #tpu.memory_space<vmem>> -> memref<1x80xi32, #tpu.memory_space<vmem>>
        %dma_wait3A_83 = tpu.memref_squeeze %dma_wait3A_82 : memref<1x80xi32, #tpu.memory_space<vmem>> -> memref<80xi32, #tpu.memory_space<vmem>>
        %dma_wait3A_84 = tpu.memref_slice %arg3[%add3A_34] : memref<320000xi32, #tpu.memory_space<hbm>> -> memref<80xi32, #tpu.memory_space<hbm>>
        tpu.wait_dma2 semaphore(%run_scoped3A_68 : memref<!tpu.dma_semaphore, #tpu.memory_space<semaphore_mem>>) src(%dma_wait3A_84 : memref<80xi32, #tpu.memory_space<hbm>>) dst(%dma_wait3A_83 : memref<80xi32, #tpu.memory_space<vmem>>)
        tpu.yield
      }) : () -> ()
      %dma_start3A = arith.constant 0 : i32
      %dma_start3A_36 = arith.constant 0 : i32
      %dma_start3A_37 = tpu.memref_slice %arg10[%dma_start3A, %dma_start3A_36] : memref<1x80xi32, #tpu.memory_space<vmem>> -> memref<1x80xi32, #tpu.memory_space<vmem>>
      %dma_start3A_38 = tpu.memref_squeeze %dma_start3A_37 : memref<1x80xi32, #tpu.memory_space<vmem>> -> memref<80xi32, #tpu.memory_space<vmem>>
      %dma_start3A_39 = arith.constant 0 : i32
      %dma_start3A_40 = arith.constant 0 : i32
      %dma_start3A_41 = tpu.memref_slice %arg4[%dma_start3A_39, %dma_start3A_40] : memref<10000x16xf32, #tpu.memory_space<hbm>> -> memref<10000x16xf32, #tpu.memory_space<hbm>>
      tpu.enqueue_indirect_dma source(%dma_start3A_41 : memref<10000x16xf32, #tpu.memory_space<hbm>>) target(%arg12 : memref<80x16xf32, #tpu.memory_space<vmem>>) offsets(%dma_start3A_38 : memref<80xi32, #tpu.memory_space<vmem>>) semaphore(%arg16 : memref<!tpu.dma_semaphore, #tpu.memory_space<semaphore_mem>>)
      %dma_start3A_42 = arith.constant 0 : i32
      %dma_start3A_43 = arith.constant 0 : i32
      %dma_start3A_44 = tpu.memref_slice %arg11[%dma_start3A_42, %dma_start3A_43] : memref<1x80xi32, #tpu.memory_space<vmem>> -> memref<1x80xi32, #tpu.memory_space<vmem>>
      %dma_start3A_45 = tpu.memref_squeeze %dma_start3A_44 : memref<1x80xi32, #tpu.memory_space<vmem>> -> memref<80xi32, #tpu.memory_space<vmem>>
      %dma_start3A_46 = arith.constant 0 : i32
      %dma_start3A_47 = arith.constant 0 : i32
      %dma_start3A_48 = tpu.memref_slice %arg5[%dma_start3A_46, %dma_start3A_47] : memref<10000x16xf32, #tpu.memory_space<hbm>> -> memref<10000x16xf32, #tpu.memory_space<hbm>>
      tpu.enqueue_indirect_dma source(%dma_start3A_48 : memref<10000x16xf32, #tpu.memory_space<hbm>>) target(%arg13 : memref<80x16xf32, #tpu.memory_space<vmem>>) offsets(%dma_start3A_45 : memref<80xi32, #tpu.memory_space<vmem>>) semaphore(%arg16 : memref<!tpu.dma_semaphore, #tpu.memory_space<semaphore_mem>>)
      %dma_wait3A = arith.constant 0 : i32
      %dma_wait3A_49 = arith.constant 0 : i32
      %dma_wait3A_50 = tpu.memref_slice %arg10[%dma_wait3A, %dma_wait3A_49] : memref<1x80xi32, #tpu.memory_space<vmem>> -> memref<1x80xi32, #tpu.memory_space<vmem>>
      %dma_wait3A_51 = tpu.memref_squeeze %dma_wait3A_50 : memref<1x80xi32, #tpu.memory_space<vmem>> -> memref<80xi32, #tpu.memory_space<vmem>>
      %dma_wait3A_52 = arith.constant 0 : i32
      %dma_wait3A_53 = arith.constant 0 : i32
      %dma_wait3A_54 = tpu.memref_slice %arg4[%dma_wait3A_52, %dma_wait3A_53] : memref<10000x16xf32, #tpu.memory_space<hbm>> -> memref<10000x16xf32, #tpu.memory_space<hbm>>
      tpu.wait_indirect_dma semaphore(%arg16 : memref<!tpu.dma_semaphore, #tpu.memory_space<semaphore_mem>>) src(%dma_wait3A_54 : memref<10000x16xf32, #tpu.memory_space<hbm>>) dst(%arg12 : memref<80x16xf32, #tpu.memory_space<vmem>>)
      %dma_wait3A_55 = arith.constant 0 : i32
      %dma_wait3A_56 = arith.constant 0 : i32
      %dma_wait3A_57 = tpu.memref_slice %arg11[%dma_wait3A_55, %dma_wait3A_56] : memref<1x80xi32, #tpu.memory_space<vmem>> -> memref<1x80xi32, #tpu.memory_space<vmem>>
      %dma_wait3A_58 = tpu.memref_squeeze %dma_wait3A_57 : memref<1x80xi32, #tpu.memory_space<vmem>> -> memref<80xi32, #tpu.memory_space<vmem>>
      %dma_wait3A_59 = arith.constant 0 : i32
      %dma_wait3A_60 = arith.constant 0 : i32
      %dma_wait3A_61 = tpu.memref_slice %arg5[%dma_wait3A_59, %dma_wait3A_60] : memref<10000x16xf32, #tpu.memory_space<hbm>> -> memref<10000x16xf32, #tpu.memory_space<hbm>>
      tpu.wait_indirect_dma semaphore(%arg16 : memref<!tpu.dma_semaphore, #tpu.memory_space<semaphore_mem>>) src(%dma_wait3A_61 : memref<10000x16xf32, #tpu.memory_space<hbm>>) dst(%arg13 : memref<80x16xf32, #tpu.memory_space<vmem>>)
      %scan3A_62 = arith.constant 0 : i32
      %scan3A_63 = arith.constant 80 : i32
      %scan3A_64 = arith.addi %scan3A_62, %scan3A_63 : i32
      %scan3A_65 = arith.constant 1 : i32
      scf.for %scan3A_68 = %scan3A_62 to %scan3A_64 step %scan3A_65  : i32 {
        %mul3A_69 = arith.constant 1 : i32
        %mul3A_70 = arith.muli %scan3A_68, %mul3A_69 : i32
        %add3A_71 = arith.constant 0 : i32
        %add3A_72 = arith.addi %add3A_71, %mul3A_70 : i32
        %get3A = arith.index_cast %add3A_72 : i32 to index
        %get3A_73 = arith.constant 0 : index
        %get3A_74 = tpu.vector_load %arg12[%get3A, %get3A_73] {strides = array<i32>} : memref<80x16xf32, #tpu.memory_space<vmem>>, vector<16xf32>,
        %get3A_75 = arith.index_cast %add3A_72 : i32 to index
        %get3A_76 = arith.constant 0 : index
        %get3A_77 = tpu.vector_load %arg13[%get3A_75, %get3A_76] {strides = array<i32>} : memref<80x16xf32, #tpu.memory_space<vmem>>, vector<16xf32>,
        %add3A_78 = arith.addf %get3A_74, %get3A_77 : vector<16xf32>
        %mul3A_79 = arith.constant 2.000000e-01 : f32
        %mul3A_80 = vector.broadcast %mul3A_79 : f32 to vector<16xf32>
        %mul3A_81 = arith.mulf %mul3A_80, %add3A_78 : vector<16xf32>
        %max3A = arith.maximumf %add3A_78, %mul3A_81 : vector<16xf32>
        %exp3A = math.exp %max3A : vector<16xf32>
        %swap3A = arith.index_cast %add3A_72 : i32 to index
        %swap3A_82 = arith.constant 0 : index
        %swap3A_83 = tpu.vector_load %arg14[%swap3A, %swap3A_82] {strides = array<i32>} : memref<80x16xf32, #tpu.memory_space<vmem>>, vector<16xf32>,
        tpu.vector_store %arg14[%swap3A, %swap3A_82], %exp3A {strides = array<i32>} : memref<80x16xf32, #tpu.memory_space<vmem>>, vector<16xf32>,
      }
      %scan3A_66 = arith.constant 80 : i32
      %run_scoped3A_67 = arith.constant 0 : i32
      "tpu.region"() ({
        %run_scoped3A_68 = tpu.sem_alloc : memref<!tpu.dma_semaphore, #tpu.memory_space<semaphore_mem>>
        %dma_start3A_69 = arith.constant 0 : i32
        %dma_start3A_70 = tpu.memref_slice %arg11[%run_scoped3A_67, %dma_start3A_69] : memref<1x80xi32, #tpu.memory_space<vmem>> -> memref<1x80xi32, #tpu.memory_space<vmem>>
        %dma_start3A_71 = tpu.memref_squeeze %dma_start3A_70 : memref<1x80xi32, #tpu.memory_space<vmem>> -> memref<80xi32, #tpu.memory_space<vmem>>
        %dma_start3A_72 = arith.constant 0 : i32
        %dma_start3A_73 = arith.constant 0 : i32
        %dma_start3A_74 = tpu.memref_slice %arg15[%dma_start3A_72, %dma_start3A_73] : memref<10000x16xf32, #tpu.memory_space<vmem_shared>> -> memref<10000x16xf32, #tpu.memory_space<vmem_shared>>
        tpu.enqueue_indirect_dma source(%arg14 : memref<80x16xf32, #tpu.memory_space<vmem>>) target(%dma_start3A_74 : memref<10000x16xf32, #tpu.memory_space<vmem_shared>>) offsets(%dma_start3A_71 : memref<80xi32, #tpu.memory_space<vmem>>) semaphore(%run_scoped3A_68 : memref<!tpu.dma_semaphore, #tpu.memory_space<semaphore_mem>>) {add = true}
        %dma_wait3A_75 = arith.constant 0 : i32
        %dma_wait3A_76 = tpu.memref_slice %arg11[%run_scoped3A_67, %dma_wait3A_75] : memref<1x80xi32, #tpu.memory_space<vmem>> -> memref<1x80xi32, #tpu.memory_space<vmem>>
        %dma_wait3A_77 = tpu.memref_squeeze %dma_wait3A_76 : memref<1x80xi32, #tpu.memory_space<vmem>> -> memref<80xi32, #tpu.memory_space<vmem>>
        %dma_wait3A_78 = arith.constant 0 : i32
        %dma_wait3A_79 = arith.constant 0 : i32
        %dma_wait3A_80 = tpu.memref_slice %arg15[%dma_wait3A_78, %dma_wait3A_79] : memref<10000x16xf32, #tpu.memory_space<vmem_shared>> -> memref<10000x16xf32, #tpu.memory_space<vmem_shared>>
        tpu.wait_indirect_dma semaphore(%run_scoped3A_68 : memref<!tpu.dma_semaphore, #tpu.memory_space<semaphore_mem>>) src(%arg14 : memref<80x16xf32, #tpu.memory_space<vmem>>) dst(%dma_wait3A_80 : memref<10000x16xf32, #tpu.memory_space<vmem_shared>>)
        tpu.yield
      }) : () -> ()
    }
    %scan3A_15 = arith.constant 125 : i32
    %barrier3A_16 = arith.constant 0 : index
    tpu.barrier barrier_id(%barrier3A_16)
    %eq3A_17 = arith.constant 0 : i32
    %eq3A_18 = arith.cmpi eq, %arg0, %eq3A_17 : i32
    %convert_element_type3A_19 = arith.extui %eq3A_18 : i1 to i32
    %cond3A_20 = arith.constant 0 : i32
    %cond3A_21 = arith.cmpi ne, %convert_element_type3A_19, %cond3A_20 : i32
    scf.if %cond3A_21 {
      "tpu.region"() ({
        %run_scoped3A = tpu.sem_alloc : memref<!tpu.dma_semaphore, #tpu.memory_space<semaphore_mem>>
        %dma_start3A = arith.constant 0 : i32
        %dma_start3A_27 = tpu.memref_slice %arg8[%mul3A_0, %dma_start3A] : memref<10000x16xf32, #tpu.memory_space<hbm>> -> memref<625x16xf32, #tpu.memory_space<hbm>>
        %dma_start3A_28 = arith.constant 0 : i32
        %dma_start3A_29 = tpu.memref_slice %arg15[%mul3A_0, %dma_start3A_28] : memref<10000x16xf32, #tpu.memory_space<vmem_shared>> -> memref<625x16xf32, #tpu.memory_space<vmem_shared>>
        tpu.enqueue_dma source(%dma_start3A_29 : memref<625x16xf32, #tpu.memory_space<vmem_shared>>) target(%dma_start3A_27 : memref<625x16xf32, #tpu.memory_space<hbm>>) target_semaphore(%run_scoped3A : memref<!tpu.dma_semaphore, #tpu.memory_space<semaphore_mem>>)
        %dma_wait3A = arith.constant 0 : i32
        %dma_wait3A_30 = tpu.memref_slice %arg8[%mul3A_0, %dma_wait3A] : memref<10000x16xf32, #tpu.memory_space<hbm>> -> memref<625x16xf32, #tpu.memory_space<hbm>>
        %dma_wait3A_31 = arith.constant 0 : i32
        %dma_wait3A_32 = tpu.memref_slice %arg15[%mul3A_0, %dma_wait3A_31] : memref<10000x16xf32, #tpu.memory_space<vmem_shared>> -> memref<625x16xf32, #tpu.memory_space<vmem_shared>>
        tpu.wait_dma2 semaphore(%run_scoped3A : memref<!tpu.dma_semaphore, #tpu.memory_space<semaphore_mem>>) src(%dma_wait3A_32 : memref<625x16xf32, #tpu.memory_space<vmem_shared>>) dst(%dma_wait3A_30 : memref<625x16xf32, #tpu.memory_space<hbm>>)
        tpu.yield
      }) : () -> ()
    } else {
    }
    %eq3A_22 = arith.constant 1 : i32
    %eq3A_23 = arith.cmpi eq, %arg0, %eq3A_22 : i32
    %convert_element_type3A_24 = arith.extui %eq3A_23 : i1 to i32
    %cond3A_25 = arith.constant 0 : i32
    %cond3A_26 = arith.cmpi ne, %convert_element_type3A_24, %cond3A_25 : i32
    scf.if %cond3A_26 {
      "tpu.region"() ({
        %run_scoped3A = tpu.sem_alloc : memref<!tpu.dma_semaphore, #tpu.memory_space<semaphore_mem>>
        %dma_start3A = arith.constant 0 : i32
        %dma_start3A_27 = tpu.memref_slice %arg9[%mul3A_0, %dma_start3A] : memref<10000x16xf32, #tpu.memory_space<hbm>> -> memref<625x16xf32, #tpu.memory_space<hbm>>
        %dma_start3A_28 = arith.constant 0 : i32
        %dma_start3A_29 = tpu.memref_slice %arg15[%mul3A_0, %dma_start3A_28] : memref<10000x16xf32, #tpu.memory_space<vmem_shared>> -> memref<625x16xf32, #tpu.memory_space<vmem_shared>>
        tpu.enqueue_dma source(%dma_start3A_29 : memref<625x16xf32, #tpu.memory_space<vmem_shared>>) target(%dma_start3A_27 : memref<625x16xf32, #tpu.memory_space<hbm>>) target_semaphore(%run_scoped3A : memref<!tpu.dma_semaphore, #tpu.memory_space<semaphore_mem>>)
        %dma_wait3A = arith.constant 0 : i32
        %dma_wait3A_30 = tpu.memref_slice %arg9[%mul3A_0, %dma_wait3A] : memref<10000x16xf32, #tpu.memory_space<hbm>> -> memref<625x16xf32, #tpu.memory_space<hbm>>
        %dma_wait3A_31 = arith.constant 0 : i32
        %dma_wait3A_32 = tpu.memref_slice %arg15[%mul3A_0, %dma_wait3A_31] : memref<10000x16xf32, #tpu.memory_space<vmem_shared>> -> memref<625x16xf32, #tpu.memory_space<vmem_shared>>
        tpu.wait_dma2 semaphore(%run_scoped3A : memref<!tpu.dma_semaphore, #tpu.memory_space<semaphore_mem>>) src(%dma_wait3A_32 : memref<625x16xf32, #tpu.memory_space<vmem_shared>>) dst(%dma_wait3A_30 : memref<625x16xf32, #tpu.memory_space<hbm>>)
        tpu.yield
      }) : () -> ()
    } else {
    }
    return
  }
}

#map = affine_map<(d0, d1) -> (0)>
#map1 = affine_map<(d0, d1) -> (0, 0)>
module attributes {stable_mosaic.version = 14 : i64} {
  func.func @_edge_body(%arg0: i32, %arg1: i32, %arg2: memref<320000xi32, #tpu.memory_space<hbm>>, %arg3: memref<320000xi32, #tpu.memory_space<hbm>>, %arg4: memref<10000x16xf32, #tpu.memory_space<hbm>>, %arg5: memref<10000x16xf32, #tpu.memory_space<hbm>>, %arg6: memref<10000x160xf32, #tpu.memory_space<hbm>>, %arg7: memref<10000x160xf32, #tpu.memory_space<hbm>>, %arg8: memref<10000x160xf32, #tpu.memory_space<hbm>>, %arg9: memref<10000x160xf32, #tpu.memory_space<hbm>>, %arg10: memref<10000x16xf32, #tpu.memory_space<hbm>>, %arg11: memref<10000x160xf32, #tpu.memory_space<hbm>>, %arg12: memref<10000x160xf32, #tpu.memory_space<hbm>>, %arg13: memref<10000x16xf32, #tpu.memory_space<hbm>>, %arg14: memref<1x80xi32, #tpu.memory_space<vmem>>, %arg15: memref<1x80xi32, #tpu.memory_space<vmem>>, %arg16: memref<80x16xf32, #tpu.memory_space<vmem>>, %arg17: memref<80x16xf32, #tpu.memory_space<vmem>>, %arg18: memref<80x16xf32, #tpu.memory_space<vmem>>, %arg19: memref<80x160xf32, #tpu.memory_space<vmem>>, %arg20: memref<10000x160xf32, #tpu.memory_space<vmem_shared>>, %arg21: memref<10000x16xf32, #tpu.memory_space<vmem_shared>>, %arg22: memref<!tpu.dma_semaphore, #tpu.memory_space<semaphore_mem>>) attributes {dimension_semantics = [#tpu.dimension_semantics<core_parallel>, #tpu.dimension_semantics<subcore_parallel>], iteration_bounds = array<i64: 2, 16>, scalar_prefetch = 0 : i64, scratch_operands = 9 : i64, tpu.core_type = #tpu.core_type<sc_vector_subcore>, window_params = [{transform_indices = #map}, {transform_indices = #map}, {transform_indices = #map1}, {transform_indices = #map1}, {transform_indices = #map1}, {transform_indices = #map1}, {transform_indices = #map1}, {transform_indices = #map1}, {transform_indices = #map1}, {transform_indices = #map1}, {transform_indices = #map1}, {transform_indices = #map1}]} {
    %mul3A = arith.constant 625 : i32
    %mul3A_0 = arith.muli %arg1, %mul3A : i32
    %eq3A = arith.constant 0 : i32
    %eq3A_1 = arith.cmpi eq, %arg0, %eq3A : i32
    %convert_element_type3A = arith.extui %eq3A_1 : i1 to i32
    %cond3A = arith.constant 0 : i32
    %cond3A_2 = arith.cmpi ne, %convert_element_type3A, %cond3A : i32
    scf.if %cond3A_2 {
      "tpu.region"() ({
        %run_scoped3A = tpu.sem_alloc : memref<!tpu.dma_semaphore, #tpu.memory_space<semaphore_mem>>
        %dma_start3A = arith.constant 0 : i32
        %dma_start3A_25 = tpu.memref_slice %arg20[%mul3A_0, %dma_start3A] : memref<10000x160xf32, #tpu.memory_space<vmem_shared>> -> memref<625x160xf32, #tpu.memory_space<vmem_shared>>
        %dma_start3A_26 = arith.constant 0 : i32
        %dma_start3A_27 = tpu.memref_slice %arg8[%mul3A_0, %dma_start3A_26] : memref<10000x160xf32, #tpu.memory_space<hbm>> -> memref<625x160xf32, #tpu.memory_space<hbm>>
        tpu.enqueue_dma source(%dma_start3A_27 : memref<625x160xf32, #tpu.memory_space<hbm>>) target(%dma_start3A_25 : memref<625x160xf32, #tpu.memory_space<vmem_shared>>) target_semaphore(%run_scoped3A : memref<!tpu.dma_semaphore, #tpu.memory_space<semaphore_mem>>)
        %dma_wait3A = arith.constant 0 : i32
        %dma_wait3A_28 = tpu.memref_slice %arg20[%mul3A_0, %dma_wait3A] : memref<10000x160xf32, #tpu.memory_space<vmem_shared>> -> memref<625x160xf32, #tpu.memory_space<vmem_shared>>
        %dma_wait3A_29 = arith.constant 0 : i32
        %dma_wait3A_30 = tpu.memref_slice %arg8[%mul3A_0, %dma_wait3A_29] : memref<10000x160xf32, #tpu.memory_space<hbm>> -> memref<625x160xf32, #tpu.memory_space<hbm>>
        tpu.wait_dma2 semaphore(%run_scoped3A : memref<!tpu.dma_semaphore, #tpu.memory_space<semaphore_mem>>) src(%dma_wait3A_30 : memref<625x160xf32, #tpu.memory_space<hbm>>) dst(%dma_wait3A_28 : memref<625x160xf32, #tpu.memory_space<vmem_shared>>)
        tpu.yield
      }) : () -> ()
      "tpu.region"() ({
        %run_scoped3A = tpu.sem_alloc : memref<!tpu.dma_semaphore, #tpu.memory_space<semaphore_mem>>
        %dma_start3A = arith.constant 0 : i32
        %dma_start3A_25 = tpu.memref_slice %arg21[%mul3A_0, %dma_start3A] : memref<10000x16xf32, #tpu.memory_space<vmem_shared>> -> memref<625x16xf32, #tpu.memory_space<vmem_shared>>
        %dma_start3A_26 = arith.constant 0 : i32
        %dma_start3A_27 = tpu.memref_slice %arg10[%mul3A_0, %dma_start3A_26] : memref<10000x16xf32, #tpu.memory_space<hbm>> -> memref<625x16xf32, #tpu.memory_space<hbm>>
        tpu.enqueue_dma source(%dma_start3A_27 : memref<625x16xf32, #tpu.memory_space<hbm>>) target(%dma_start3A_25 : memref<625x16xf32, #tpu.memory_space<vmem_shared>>) target_semaphore(%run_scoped3A : memref<!tpu.dma_semaphore, #tpu.memory_space<semaphore_mem>>)
        %dma_wait3A = arith.constant 0 : i32
        %dma_wait3A_28 = tpu.memref_slice %arg21[%mul3A_0, %dma_wait3A] : memref<10000x16xf32, #tpu.memory_space<vmem_shared>> -> memref<625x16xf32, #tpu.memory_space<vmem_shared>>
        %dma_wait3A_29 = arith.constant 0 : i32
        %dma_wait3A_30 = tpu.memref_slice %arg10[%mul3A_0, %dma_wait3A_29] : memref<10000x16xf32, #tpu.memory_space<hbm>> -> memref<625x16xf32, #tpu.memory_space<hbm>>
        tpu.wait_dma2 semaphore(%run_scoped3A : memref<!tpu.dma_semaphore, #tpu.memory_space<semaphore_mem>>) src(%dma_wait3A_30 : memref<625x16xf32, #tpu.memory_space<hbm>>) dst(%dma_wait3A_28 : memref<625x16xf32, #tpu.memory_space<vmem_shared>>)
        tpu.yield
      }) : () -> ()
    } else {
    }
    %eq3A_3 = arith.constant 1 : i32
    %eq3A_4 = arith.cmpi eq, %arg0, %eq3A_3 : i32
    %convert_element_type3A_5 = arith.extui %eq3A_4 : i1 to i32
    %cond3A_6 = arith.constant 0 : i32
    %cond3A_7 = arith.cmpi ne, %convert_element_type3A_5, %cond3A_6 : i32
    scf.if %cond3A_7 {
      "tpu.region"() ({
        %run_scoped3A = tpu.sem_alloc : memref<!tpu.dma_semaphore, #tpu.memory_space<semaphore_mem>>
        %dma_start3A = arith.constant 0 : i32
        %dma_start3A_25 = tpu.memref_slice %arg20[%mul3A_0, %dma_start3A] : memref<10000x160xf32, #tpu.memory_space<vmem_shared>> -> memref<625x160xf32, #tpu.memory_space<vmem_shared>>
        %dma_start3A_26 = arith.constant 0 : i32
        %dma_start3A_27 = tpu.memref_slice %arg9[%mul3A_0, %dma_start3A_26] : memref<10000x160xf32, #tpu.memory_space<hbm>> -> memref<625x160xf32, #tpu.memory_space<hbm>>
        tpu.enqueue_dma source(%dma_start3A_27 : memref<625x160xf32, #tpu.memory_space<hbm>>) target(%dma_start3A_25 : memref<625x160xf32, #tpu.memory_space<vmem_shared>>) target_semaphore(%run_scoped3A : memref<!tpu.dma_semaphore, #tpu.memory_space<semaphore_mem>>)
        %dma_wait3A = arith.constant 0 : i32
        %dma_wait3A_28 = tpu.memref_slice %arg20[%mul3A_0, %dma_wait3A] : memref<10000x160xf32, #tpu.memory_space<vmem_shared>> -> memref<625x160xf32, #tpu.memory_space<vmem_shared>>
        %dma_wait3A_29 = arith.constant 0 : i32
        %dma_wait3A_30 = tpu.memref_slice %arg9[%mul3A_0, %dma_wait3A_29] : memref<10000x160xf32, #tpu.memory_space<hbm>> -> memref<625x160xf32, #tpu.memory_space<hbm>>
        tpu.wait_dma2 semaphore(%run_scoped3A : memref<!tpu.dma_semaphore, #tpu.memory_space<semaphore_mem>>) src(%dma_wait3A_30 : memref<625x160xf32, #tpu.memory_space<hbm>>) dst(%dma_wait3A_28 : memref<625x160xf32, #tpu.memory_space<vmem_shared>>)
        tpu.yield
      }) : () -> ()
    } else {
    }
    %barrier3A = arith.constant 0 : index
    tpu.barrier barrier_id(%barrier3A)
    %mul3A_8 = arith.constant 20000 : i32
    %mul3A_9 = arith.muli %arg1, %mul3A_8 : i32
    %scan3A = arith.constant 0 : i32
    %scan3A_10 = arith.constant 250 : i32
    %scan3A_11 = arith.addi %scan3A, %scan3A_10 : i32
    %scan3A_12 = arith.constant 1 : i32
    scf.for %scan3A_25 = %scan3A to %scan3A_11 step %scan3A_12  : i32 {
      %mul3A_26 = arith.constant 1 : i32
      %mul3A_27 = arith.muli %scan3A_25, %mul3A_26 : i32
      %add3A = arith.constant 0 : i32
      %add3A_28 = arith.addi %add3A, %mul3A_27 : i32
      %mul3A_29 = arith.constant 80 : i32
      %mul3A_30 = arith.muli %add3A_28, %mul3A_29 : i32
      %add3A_31 = arith.addi %mul3A_9, %mul3A_30 : i32
      %run_scoped3A = arith.constant 0 : i32
      "tpu.region"() ({
        %run_scoped3A_75 = tpu.sem_alloc : memref<!tpu.dma_semaphore, #tpu.memory_space<semaphore_mem>>
        %dma_start3A_76 = arith.constant 0 : i32
        %dma_start3A_77 = tpu.memref_slice %arg14[%run_scoped3A, %dma_start3A_76] : memref<1x80xi32, #tpu.memory_space<vmem>> -> memref<1x80xi32, #tpu.memory_space<vmem>>
        %dma_start3A_78 = tpu.memref_squeeze %dma_start3A_77 : memref<1x80xi32, #tpu.memory_space<vmem>> -> memref<80xi32, #tpu.memory_space<vmem>>
        %dma_start3A_79 = tpu.memref_slice %arg2[%add3A_31] : memref<320000xi32, #tpu.memory_space<hbm>> -> memref<80xi32, #tpu.memory_space<hbm>>
        %dma_start3A_80 = arith.constant 0 : i32
        %dma_start3A_81 = tpu.memref_slice %arg14[%run_scoped3A, %dma_start3A_80] : memref<1x80xi32, #tpu.memory_space<vmem>> -> memref<1x80xi32, #tpu.memory_space<vmem>>
        %dma_start3A_82 = tpu.memref_squeeze %dma_start3A_81 : memref<1x80xi32, #tpu.memory_space<vmem>> -> memref<80xi32, #tpu.memory_space<vmem>>
        %dma_start3A_83 = tpu.memref_slice %arg2[%add3A_31] : memref<320000xi32, #tpu.memory_space<hbm>> -> memref<80xi32, #tpu.memory_space<hbm>>
        tpu.enqueue_dma source(%dma_start3A_83 : memref<80xi32, #tpu.memory_space<hbm>>) target(%dma_start3A_82 : memref<80xi32, #tpu.memory_space<vmem>>) target_semaphore(%run_scoped3A_75 : memref<!tpu.dma_semaphore, #tpu.memory_space<semaphore_mem>>)
        %dma_wait3A_84 = arith.constant 0 : i32
        %dma_wait3A_85 = tpu.memref_slice %arg14[%run_scoped3A, %dma_wait3A_84] : memref<1x80xi32, #tpu.memory_space<vmem>> -> memref<1x80xi32, #tpu.memory_space<vmem>>
        %dma_wait3A_86 = tpu.memref_squeeze %dma_wait3A_85 : memref<1x80xi32, #tpu.memory_space<vmem>> -> memref<80xi32, #tpu.memory_space<vmem>>
        %dma_wait3A_87 = tpu.memref_slice %arg2[%add3A_31] : memref<320000xi32, #tpu.memory_space<hbm>> -> memref<80xi32, #tpu.memory_space<hbm>>
        %dma_wait3A_88 = arith.constant 0 : i32
        %dma_wait3A_89 = tpu.memref_slice %arg14[%run_scoped3A, %dma_wait3A_88] : memref<1x80xi32, #tpu.memory_space<vmem>> -> memref<1x80xi32, #tpu.memory_space<vmem>>
        %dma_wait3A_90 = tpu.memref_squeeze %dma_wait3A_89 : memref<1x80xi32, #tpu.memory_space<vmem>> -> memref<80xi32, #tpu.memory_space<vmem>>
        %dma_wait3A_91 = tpu.memref_slice %arg2[%add3A_31] : memref<320000xi32, #tpu.memory_space<hbm>> -> memref<80xi32, #tpu.memory_space<hbm>>
        tpu.wait_dma2 semaphore(%run_scoped3A_75 : memref<!tpu.dma_semaphore, #tpu.memory_space<semaphore_mem>>) src(%dma_wait3A_91 : memref<80xi32, #tpu.memory_space<hbm>>) dst(%dma_wait3A_90 : memref<80xi32, #tpu.memory_space<vmem>>)
        tpu.yield
      }) : () -> ()
      %run_scoped3A_32 = arith.constant 0 : i32
      "tpu.region"() ({
        %run_scoped3A_75 = tpu.sem_alloc : memref<!tpu.dma_semaphore, #tpu.memory_space<semaphore_mem>>
        %dma_start3A_76 = arith.constant 0 : i32
        %dma_start3A_77 = tpu.memref_slice %arg15[%run_scoped3A_32, %dma_start3A_76] : memref<1x80xi32, #tpu.memory_space<vmem>> -> memref<1x80xi32, #tpu.memory_space<vmem>>
        %dma_start3A_78 = tpu.memref_squeeze %dma_start3A_77 : memref<1x80xi32, #tpu.memory_space<vmem>> -> memref<80xi32, #tpu.memory_space<vmem>>
        %dma_start3A_79 = tpu.memref_slice %arg3[%add3A_31] : memref<320000xi32, #tpu.memory_space<hbm>> -> memref<80xi32, #tpu.memory_space<hbm>>
        %dma_start3A_80 = arith.constant 0 : i32
        %dma_start3A_81 = tpu.memref_slice %arg15[%run_scoped3A_32, %dma_start3A_80] : memref<1x80xi32, #tpu.memory_space<vmem>> -> memref<1x80xi32, #tpu.memory_space<vmem>>
        %dma_start3A_82 = tpu.memref_squeeze %dma_start3A_81 : memref<1x80xi32, #tpu.memory_space<vmem>> -> memref<80xi32, #tpu.memory_space<vmem>>
        %dma_start3A_83 = tpu.memref_slice %arg3[%add3A_31] : memref<320000xi32, #tpu.memory_space<hbm>> -> memref<80xi32, #tpu.memory_space<hbm>>
        tpu.enqueue_dma source(%dma_start3A_83 : memref<80xi32, #tpu.memory_space<hbm>>) target(%dma_start3A_82 : memref<80xi32, #tpu.memory_space<vmem>>) target_semaphore(%run_scoped3A_75 : memref<!tpu.dma_semaphore, #tpu.memory_space<semaphore_mem>>)
        %dma_wait3A_84 = arith.constant 0 : i32
        %dma_wait3A_85 = tpu.memref_slice %arg15[%run_scoped3A_32, %dma_wait3A_84] : memref<1x80xi32, #tpu.memory_space<vmem>> -> memref<1x80xi32, #tpu.memory_space<vmem>>
        %dma_wait3A_86 = tpu.memref_squeeze %dma_wait3A_85 : memref<1x80xi32, #tpu.memory_space<vmem>> -> memref<80xi32, #tpu.memory_space<vmem>>
        %dma_wait3A_87 = tpu.memref_slice %arg3[%add3A_31] : memref<320000xi32, #tpu.memory_space<hbm>> -> memref<80xi32, #tpu.memory_space<hbm>>
        %dma_wait3A_88 = arith.constant 0 : i32
        %dma_wait3A_89 = tpu.memref_slice %arg15[%run_scoped3A_32, %dma_wait3A_88] : memref<1x80xi32, #tpu.memory_space<vmem>> -> memref<1x80xi32, #tpu.memory_space<vmem>>
        %dma_wait3A_90 = tpu.memref_squeeze %dma_wait3A_89 : memref<1x80xi32, #tpu.memory_space<vmem>> -> memref<80xi32, #tpu.memory_space<vmem>>
        %dma_wait3A_91 = tpu.memref_slice %arg3[%add3A_31] : memref<320000xi32, #tpu.memory_space<hbm>> -> memref<80xi32, #tpu.memory_space<hbm>>
        tpu.wait_dma2 semaphore(%run_scoped3A_75 : memref<!tpu.dma_semaphore, #tpu.memory_space<semaphore_mem>>) src(%dma_wait3A_91 : memref<80xi32, #tpu.memory_space<hbm>>) dst(%dma_wait3A_90 : memref<80xi32, #tpu.memory_space<vmem>>)
        tpu.yield
      }) : () -> ()
      %dma_start3A = arith.constant 0 : i32
      %dma_start3A_33 = arith.constant 0 : i32
      %dma_start3A_34 = tpu.memref_slice %arg14[%dma_start3A, %dma_start3A_33] : memref<1x80xi32, #tpu.memory_space<vmem>> -> memref<1x80xi32, #tpu.memory_space<vmem>>
      %dma_start3A_35 = tpu.memref_squeeze %dma_start3A_34 : memref<1x80xi32, #tpu.memory_space<vmem>> -> memref<80xi32, #tpu.memory_space<vmem>>
      %dma_start3A_36 = arith.constant 0 : i32
      %dma_start3A_37 = arith.constant 0 : i32
      %dma_start3A_38 = tpu.memref_slice %arg4[%dma_start3A_36, %dma_start3A_37] : memref<10000x16xf32, #tpu.memory_space<hbm>> -> memref<10000x16xf32, #tpu.memory_space<hbm>>
      tpu.enqueue_indirect_dma source(%dma_start3A_38 : memref<10000x16xf32, #tpu.memory_space<hbm>>) target(%arg16 : memref<80x16xf32, #tpu.memory_space<vmem>>) offsets(%dma_start3A_35 : memref<80xi32, #tpu.memory_space<vmem>>) semaphore(%arg22 : memref<!tpu.dma_semaphore, #tpu.memory_space<semaphore_mem>>)
      %dma_start3A_39 = arith.constant 0 : i32
      %dma_start3A_40 = arith.constant 0 : i32
      %dma_start3A_41 = tpu.memref_slice %arg15[%dma_start3A_39, %dma_start3A_40] : memref<1x80xi32, #tpu.memory_space<vmem>> -> memref<1x80xi32, #tpu.memory_space<vmem>>
      %dma_start3A_42 = tpu.memref_squeeze %dma_start3A_41 : memref<1x80xi32, #tpu.memory_space<vmem>> -> memref<80xi32, #tpu.memory_space<vmem>>
      %dma_start3A_43 = arith.constant 0 : i32
      %dma_start3A_44 = arith.constant 0 : i32
      %dma_start3A_45 = tpu.memref_slice %arg5[%dma_start3A_43, %dma_start3A_44] : memref<10000x16xf32, #tpu.memory_space<hbm>> -> memref<10000x16xf32, #tpu.memory_space<hbm>>
      tpu.enqueue_indirect_dma source(%dma_start3A_45 : memref<10000x16xf32, #tpu.memory_space<hbm>>) target(%arg17 : memref<80x16xf32, #tpu.memory_space<vmem>>) offsets(%dma_start3A_42 : memref<80xi32, #tpu.memory_space<vmem>>) semaphore(%arg22 : memref<!tpu.dma_semaphore, #tpu.memory_space<semaphore_mem>>)
      %dma_wait3A = arith.constant 0 : i32
      %dma_wait3A_46 = arith.constant 0 : i32
      %dma_wait3A_47 = tpu.memref_slice %arg14[%dma_wait3A, %dma_wait3A_46] : memref<1x80xi32, #tpu.memory_space<vmem>> -> memref<1x80xi32, #tpu.memory_space<vmem>>
      %dma_wait3A_48 = tpu.memref_squeeze %dma_wait3A_47 : memref<1x80xi32, #tpu.memory_space<vmem>> -> memref<80xi32, #tpu.memory_space<vmem>>
      %dma_wait3A_49 = arith.constant 0 : i32
      %dma_wait3A_50 = arith.constant 0 : i32
      %dma_wait3A_51 = tpu.memref_slice %arg4[%dma_wait3A_49, %dma_wait3A_50] : memref<10000x16xf32, #tpu.memory_space<hbm>> -> memref<10000x16xf32, #tpu.memory_space<hbm>>
      tpu.wait_indirect_dma semaphore(%arg22 : memref<!tpu.dma_semaphore, #tpu.memory_space<semaphore_mem>>) src(%dma_wait3A_51 : memref<10000x16xf32, #tpu.memory_space<hbm>>) dst(%arg16 : memref<80x16xf32, #tpu.memory_space<vmem>>)
      %dma_wait3A_52 = arith.constant 0 : i32
      %dma_wait3A_53 = arith.constant 0 : i32
      %dma_wait3A_54 = tpu.memref_slice %arg15[%dma_wait3A_52, %dma_wait3A_53] : memref<1x80xi32, #tpu.memory_space<vmem>> -> memref<1x80xi32, #tpu.memory_space<vmem>>
      %dma_wait3A_55 = tpu.memref_squeeze %dma_wait3A_54 : memref<1x80xi32, #tpu.memory_space<vmem>> -> memref<80xi32, #tpu.memory_space<vmem>>
      %dma_wait3A_56 = arith.constant 0 : i32
      %dma_wait3A_57 = arith.constant 0 : i32
      %dma_wait3A_58 = tpu.memref_slice %arg5[%dma_wait3A_56, %dma_wait3A_57] : memref<10000x16xf32, #tpu.memory_space<hbm>> -> memref<10000x16xf32, #tpu.memory_space<hbm>>
      tpu.wait_indirect_dma semaphore(%arg22 : memref<!tpu.dma_semaphore, #tpu.memory_space<semaphore_mem>>) src(%dma_wait3A_58 : memref<10000x16xf32, #tpu.memory_space<hbm>>) dst(%arg17 : memref<80x16xf32, #tpu.memory_space<vmem>>)
      %scan3A_59 = arith.constant 0 : i32
      %scan3A_60 = arith.constant 80 : i32
      %scan3A_61 = arith.addi %scan3A_59, %scan3A_60 : i32
      %scan3A_62 = arith.constant 1 : i32
      scf.for %scan3A_75 = %scan3A_59 to %scan3A_61 step %scan3A_62  : i32 {
        %mul3A_76 = arith.constant 1 : i32
        %mul3A_77 = arith.muli %scan3A_75, %mul3A_76 : i32
        %add3A_78 = arith.constant 0 : i32
        %add3A_79 = arith.addi %add3A_78, %mul3A_77 : i32
        %get3A = arith.index_cast %add3A_79 : i32 to index
        %get3A_80 = arith.constant 0 : index
        %get3A_81 = tpu.vector_load %arg16[%get3A, %get3A_80] {strides = array<i32>} : memref<80x16xf32, #tpu.memory_space<vmem>>, vector<16xf32>,
        %get3A_82 = arith.index_cast %add3A_79 : i32 to index
        %get3A_83 = arith.constant 0 : index
        %get3A_84 = tpu.vector_load %arg17[%get3A_82, %get3A_83] {strides = array<i32>} : memref<80x16xf32, #tpu.memory_space<vmem>>, vector<16xf32>,
        %add3A_85 = arith.addf %get3A_81, %get3A_84 : vector<16xf32>
        %mul3A_86 = arith.constant 2.000000e-01 : f32
        %mul3A_87 = vector.broadcast %mul3A_86 : f32 to vector<16xf32>
        %mul3A_88 = arith.mulf %mul3A_87, %add3A_85 : vector<16xf32>
        %max3A = arith.maximumf %add3A_85, %mul3A_88 : vector<16xf32>
        %exp3A = math.exp %max3A : vector<16xf32>
        %swap3A = arith.index_cast %add3A_79 : i32 to index
        %swap3A_89 = arith.constant 0 : index
        %swap3A_90 = tpu.vector_load %arg18[%swap3A, %swap3A_89] {strides = array<i32>} : memref<80x16xf32, #tpu.memory_space<vmem>>, vector<16xf32>,
        tpu.vector_store %arg18[%swap3A, %swap3A_89], %exp3A {strides = array<i32>} : memref<80x16xf32, #tpu.memory_space<vmem>>, vector<16xf32>,
      }
      %scan3A_63 = arith.constant 80 : i32
      %eq3A_64 = arith.constant 0 : i32
      %eq3A_65 = arith.cmpi eq, %arg0, %eq3A_64 : i32
      %convert_element_type3A_66 = arith.extui %eq3A_65 : i1 to i32
      %cond3A_67 = arith.constant 0 : i32
      %cond3A_68 = arith.cmpi ne, %convert_element_type3A_66, %cond3A_67 : i32
      scf.if %cond3A_68 {
        %run_scoped3A_75 = arith.constant 0 : i32
        "tpu.region"() ({
          %run_scoped3A_82 = tpu.sem_alloc : memref<!tpu.dma_semaphore, #tpu.memory_space<semaphore_mem>>
          %dma_start3A_83 = arith.constant 0 : i32
          %dma_start3A_84 = tpu.memref_slice %arg15[%run_scoped3A_75, %dma_start3A_83] : memref<1x80xi32, #tpu.memory_space<vmem>> -> memref<1x80xi32, #tpu.memory_space<vmem>>
          %dma_start3A_85 = tpu.memref_squeeze %dma_start3A_84 : memref<1x80xi32, #tpu.memory_space<vmem>> -> memref<80xi32, #tpu.memory_space<vmem>>
          %dma_start3A_86 = arith.constant 0 : i32
          %dma_start3A_87 = arith.constant 0 : i32
          %dma_start3A_88 = tpu.memref_slice %arg21[%dma_start3A_86, %dma_start3A_87] : memref<10000x16xf32, #tpu.memory_space<vmem_shared>> -> memref<10000x16xf32, #tpu.memory_space<vmem_shared>>
          tpu.enqueue_indirect_dma source(%arg18 : memref<80x16xf32, #tpu.memory_space<vmem>>) target(%dma_start3A_88 : memref<10000x16xf32, #tpu.memory_space<vmem_shared>>) offsets(%dma_start3A_85 : memref<80xi32, #tpu.memory_space<vmem>>) semaphore(%run_scoped3A_82 : memref<!tpu.dma_semaphore, #tpu.memory_space<semaphore_mem>>) {add = true}
          %dma_wait3A_89 = arith.constant 0 : i32
          %dma_wait3A_90 = tpu.memref_slice %arg15[%run_scoped3A_75, %dma_wait3A_89] : memref<1x80xi32, #tpu.memory_space<vmem>> -> memref<1x80xi32, #tpu.memory_space<vmem>>
          %dma_wait3A_91 = tpu.memref_squeeze %dma_wait3A_90 : memref<1x80xi32, #tpu.memory_space<vmem>> -> memref<80xi32, #tpu.memory_space<vmem>>
          %dma_wait3A_92 = arith.constant 0 : i32
          %dma_wait3A_93 = arith.constant 0 : i32
          %dma_wait3A_94 = tpu.memref_slice %arg21[%dma_wait3A_92, %dma_wait3A_93] : memref<10000x16xf32, #tpu.memory_space<vmem_shared>> -> memref<10000x16xf32, #tpu.memory_space<vmem_shared>>
          tpu.wait_indirect_dma semaphore(%run_scoped3A_82 : memref<!tpu.dma_semaphore, #tpu.memory_space<semaphore_mem>>) src(%arg18 : memref<80x16xf32, #tpu.memory_space<vmem>>) dst(%dma_wait3A_94 : memref<10000x16xf32, #tpu.memory_space<vmem_shared>>)
          tpu.yield
        }) : () -> ()
        %run_scoped3A_76 = arith.constant 0 : i32
        "tpu.region"() ({
          %run_scoped3A_82 = tpu.sem_alloc : memref<!tpu.dma_semaphore, #tpu.memory_space<semaphore_mem>>
          %dma_start3A_83 = arith.constant 0 : i32
          %dma_start3A_84 = tpu.memref_slice %arg14[%run_scoped3A_76, %dma_start3A_83] : memref<1x80xi32, #tpu.memory_space<vmem>> -> memref<1x80xi32, #tpu.memory_space<vmem>>
          %dma_start3A_85 = tpu.memref_squeeze %dma_start3A_84 : memref<1x80xi32, #tpu.memory_space<vmem>> -> memref<80xi32, #tpu.memory_space<vmem>>
          %dma_start3A_86 = arith.constant 0 : i32
          %dma_start3A_87 = arith.constant 0 : i32
          %dma_start3A_88 = tpu.memref_slice %arg6[%dma_start3A_86, %dma_start3A_87] : memref<10000x160xf32, #tpu.memory_space<hbm>> -> memref<10000x160xf32, #tpu.memory_space<hbm>>
          tpu.enqueue_indirect_dma source(%dma_start3A_88 : memref<10000x160xf32, #tpu.memory_space<hbm>>) target(%arg19 : memref<80x160xf32, #tpu.memory_space<vmem>>) offsets(%dma_start3A_85 : memref<80xi32, #tpu.memory_space<vmem>>) semaphore(%run_scoped3A_82 : memref<!tpu.dma_semaphore, #tpu.memory_space<semaphore_mem>>)
          %dma_wait3A_89 = arith.constant 0 : i32
          %dma_wait3A_90 = tpu.memref_slice %arg14[%run_scoped3A_76, %dma_wait3A_89] : memref<1x80xi32, #tpu.memory_space<vmem>> -> memref<1x80xi32, #tpu.memory_space<vmem>>
          %dma_wait3A_91 = tpu.memref_squeeze %dma_wait3A_90 : memref<1x80xi32, #tpu.memory_space<vmem>> -> memref<80xi32, #tpu.memory_space<vmem>>
          %dma_wait3A_92 = arith.constant 0 : i32
          %dma_wait3A_93 = arith.constant 0 : i32
          %dma_wait3A_94 = tpu.memref_slice %arg6[%dma_wait3A_92, %dma_wait3A_93] : memref<10000x160xf32, #tpu.memory_space<hbm>> -> memref<10000x160xf32, #tpu.memory_space<hbm>>
          tpu.wait_indirect_dma semaphore(%run_scoped3A_82 : memref<!tpu.dma_semaphore, #tpu.memory_space<semaphore_mem>>) src(%dma_wait3A_94 : memref<10000x160xf32, #tpu.memory_space<hbm>>) dst(%arg19 : memref<80x160xf32, #tpu.memory_space<vmem>>)
          tpu.yield
        }) : () -> ()
        %scan3A_77 = arith.constant 0 : i32
        %scan3A_78 = arith.constant 80 : i32
        %scan3A_79 = arith.addi %scan3A_77, %scan3A_78 : i32
        %scan3A_80 = arith.constant 1 : i32
        scf.for %scan3A_82 = %scan3A_77 to %scan3A_79 step %scan3A_80  : i32 {
          %mul3A_83 = arith.constant 1 : i32
          %mul3A_84 = arith.muli %scan3A_82, %mul3A_83 : i32
          %add3A_85 = arith.constant 0 : i32
          %add3A_86 = arith.addi %add3A_85, %mul3A_84 : i32
          %broadcast_in_dim3A = arith.constant 0 : i32
          %broadcast_in_dim3A_87 = vector.broadcast %broadcast_in_dim3A : i32 to vector<16xi32>
          %add3A_88 = vector.broadcast %add3A_86 : i32 to vector<16xi32>
          %add3A_89 = arith.addi %broadcast_in_dim3A_87, %add3A_88 : vector<16xi32>
          %broadcast_in_dim3A_90 = arith.constant 0 : i32
          %broadcast_in_dim3A_91 = vector.broadcast %broadcast_in_dim3A_90 : i32 to vector<16xi32>
          %gather3A = tpu.vector_load_idx %arg18[%add3A_89, %broadcast_in_dim3A_91] : memref<80x16xf32, #tpu.memory_space<vmem>>[vector<16xi32>, vector<16xi32>], vector<16xf32>,
          %broadcast_in_dim3A_92 = arith.constant 1 : i32
          %broadcast_in_dim3A_93 = vector.broadcast %broadcast_in_dim3A_92 : i32 to vector<16xi32>
          %gather3A_94 = tpu.vector_load_idx %arg18[%add3A_89, %broadcast_in_dim3A_93] : memref<80x16xf32, #tpu.memory_space<vmem>>[vector<16xi32>, vector<16xi32>], vector<16xf32>,
          %broadcast_in_dim3A_95 = arith.constant 2 : i32
          %broadcast_in_dim3A_96 = vector.broadcast %broadcast_in_dim3A_95 : i32 to vector<16xi32>
          %gather3A_97 = tpu.vector_load_idx %arg18[%add3A_89, %broadcast_in_dim3A_96] : memref<80x16xf32, #tpu.memory_space<vmem>>[vector<16xi32>, vector<16xi32>], vector<16xf32>,
          %get3A = arith.index_cast %add3A_86 : i32 to index
          %get3A_98 = arith.constant 0 : index
          %get3A_99 = tpu.vector_load %arg19[%get3A, %get3A_98] {strides = array<i32>} : memref<80x160xf32, #tpu.memory_space<vmem>>, vector<16xf32>,
          %mul3A_100 = arith.mulf %get3A_99, %gather3A : vector<16xf32>
          %swap3A = arith.index_cast %add3A_86 : i32 to index
          %swap3A_101 = arith.constant 0 : index
          %swap3A_102 = tpu.vector_load %arg19[%swap3A, %swap3A_101] {strides = array<i32>} : memref<80x160xf32, #tpu.memory_space<vmem>>, vector<16xf32>,
          tpu.vector_store %arg19[%swap3A, %swap3A_101], %mul3A_100 {strides = array<i32>} : memref<80x160xf32, #tpu.memory_space<vmem>>, vector<16xf32>,
          %get3A_103 = arith.index_cast %add3A_86 : i32 to index
          %get3A_104 = arith.constant 16 : index
          %get3A_105 = tpu.vector_load %arg19[%get3A_103, %get3A_104] {strides = array<i32>} : memref<80x160xf32, #tpu.memory_space<vmem>>, vector<16xf32>,
          %mul3A_106 = arith.mulf %get3A_105, %gather3A : vector<16xf32>
          %swap3A_107 = arith.index_cast %add3A_86 : i32 to index
          %swap3A_108 = arith.constant 16 : index
          %swap3A_109 = tpu.vector_load %arg19[%swap3A_107, %swap3A_108] {strides = array<i32>} : memref<80x160xf32, #tpu.memory_space<vmem>>, vector<16xf32>,
          tpu.vector_store %arg19[%swap3A_107, %swap3A_108], %mul3A_106 {strides = array<i32>} : memref<80x160xf32, #tpu.memory_space<vmem>>, vector<16xf32>,
          %get3A_110 = arith.index_cast %add3A_86 : i32 to index
          %get3A_111 = arith.constant 32 : index
          %get3A_112 = tpu.vector_load %arg19[%get3A_110, %get3A_111] {strides = array<i32>} : memref<80x160xf32, #tpu.memory_space<vmem>>, vector<16xf32>,
          %mul3A_113 = arith.mulf %get3A_112, %gather3A : vector<16xf32>
          %swap3A_114 = arith.index_cast %add3A_86 : i32 to index
          %swap3A_115 = arith.constant 32 : index
          %swap3A_116 = tpu.vector_load %arg19[%swap3A_114, %swap3A_115] {strides = array<i32>} : memref<80x160xf32, #tpu.memory_space<vmem>>, vector<16xf32>,
          tpu.vector_store %arg19[%swap3A_114, %swap3A_115], %mul3A_113 {strides = array<i32>} : memref<80x160xf32, #tpu.memory_space<vmem>>, vector<16xf32>,
          %get3A_117 = arith.index_cast %add3A_86 : i32 to index
          %get3A_118 = arith.constant 48 : index
          %get3A_119 = tpu.vector_load %arg19[%get3A_117, %get3A_118] {strides = array<i32>} : memref<80x160xf32, #tpu.memory_space<vmem>>, vector<16xf32>,
          %mul3A_120 = arith.mulf %get3A_119, %gather3A : vector<16xf32>
          %swap3A_121 = arith.index_cast %add3A_86 : i32 to index
          %swap3A_122 = arith.constant 48 : index
          %swap3A_123 = tpu.vector_load %arg19[%swap3A_121, %swap3A_122] {strides = array<i32>} : memref<80x160xf32, #tpu.memory_space<vmem>>, vector<16xf32>,
          tpu.vector_store %arg19[%swap3A_121, %swap3A_122], %mul3A_120 {strides = array<i32>} : memref<80x160xf32, #tpu.memory_space<vmem>>, vector<16xf32>,
          %get3A_124 = arith.index_cast %add3A_86 : i32 to index
          %get3A_125 = arith.constant 64 : index
          %get3A_126 = tpu.vector_load %arg19[%get3A_124, %get3A_125] {strides = array<i32>} : memref<80x160xf32, #tpu.memory_space<vmem>>, vector<16xf32>,
          %mul3A_127 = arith.mulf %get3A_126, %gather3A_94 : vector<16xf32>
          %swap3A_128 = arith.index_cast %add3A_86 : i32 to index
          %swap3A_129 = arith.constant 64 : index
          %swap3A_130 = tpu.vector_load %arg19[%swap3A_128, %swap3A_129] {strides = array<i32>} : memref<80x160xf32, #tpu.memory_space<vmem>>, vector<16xf32>,
          tpu.vector_store %arg19[%swap3A_128, %swap3A_129], %mul3A_127 {strides = array<i32>} : memref<80x160xf32, #tpu.memory_space<vmem>>, vector<16xf32>,
          %get3A_131 = arith.index_cast %add3A_86 : i32 to index
          %get3A_132 = arith.constant 80 : index
          %get3A_133 = tpu.vector_load %arg19[%get3A_131, %get3A_132] {strides = array<i32>} : memref<80x160xf32, #tpu.memory_space<vmem>>, vector<16xf32>,
          %mul3A_134 = arith.mulf %get3A_133, %gather3A_94 : vector<16xf32>
          %swap3A_135 = arith.index_cast %add3A_86 : i32 to index
          %swap3A_136 = arith.constant 80 : index
          %swap3A_137 = tpu.vector_load %arg19[%swap3A_135, %swap3A_136] {strides = array<i32>} : memref<80x160xf32, #tpu.memory_space<vmem>>, vector<16xf32>,
          tpu.vector_store %arg19[%swap3A_135, %swap3A_136], %mul3A_134 {strides = array<i32>} : memref<80x160xf32, #tpu.memory_space<vmem>>, vector<16xf32>,
          %get3A_138 = arith.index_cast %add3A_86 : i32 to index
          %get3A_139 = arith.constant 96 : index
          %get3A_140 = tpu.vector_load %arg19[%get3A_138, %get3A_139] {strides = array<i32>} : memref<80x160xf32, #tpu.memory_space<vmem>>, vector<16xf32>,
          %mul3A_141 = arith.mulf %get3A_140, %gather3A_94 : vector<16xf32>
          %swap3A_142 = arith.index_cast %add3A_86 : i32 to index
          %swap3A_143 = arith.constant 96 : index
          %swap3A_144 = tpu.vector_load %arg19[%swap3A_142, %swap3A_143] {strides = array<i32>} : memref<80x160xf32, #tpu.memory_space<vmem>>, vector<16xf32>,
          tpu.vector_store %arg19[%swap3A_142, %swap3A_143], %mul3A_141 {strides = array<i32>} : memref<80x160xf32, #tpu.memory_space<vmem>>, vector<16xf32>,
          %get3A_145 = arith.index_cast %add3A_86 : i32 to index
          %get3A_146 = arith.constant 112 : index
          %get3A_147 = tpu.vector_load %arg19[%get3A_145, %get3A_146] {strides = array<i32>} : memref<80x160xf32, #tpu.memory_space<vmem>>, vector<16xf32>,
          %mul3A_148 = arith.mulf %get3A_147, %gather3A_94 : vector<16xf32>
          %swap3A_149 = arith.index_cast %add3A_86 : i32 to index
          %swap3A_150 = arith.constant 112 : index
          %swap3A_151 = tpu.vector_load %arg19[%swap3A_149, %swap3A_150] {strides = array<i32>} : memref<80x160xf32, #tpu.memory_space<vmem>>, vector<16xf32>,
          tpu.vector_store %arg19[%swap3A_149, %swap3A_150], %mul3A_148 {strides = array<i32>} : memref<80x160xf32, #tpu.memory_space<vmem>>, vector<16xf32>,
          %get3A_152 = arith.index_cast %add3A_86 : i32 to index
          %get3A_153 = arith.constant 128 : index
          %get3A_154 = tpu.vector_load %arg19[%get3A_152, %get3A_153] {strides = array<i32>} : memref<80x160xf32, #tpu.memory_space<vmem>>, vector<16xf32>,
          %mul3A_155 = arith.mulf %get3A_154, %gather3A_97 : vector<16xf32>
          %swap3A_156 = arith.index_cast %add3A_86 : i32 to index
          %swap3A_157 = arith.constant 128 : index
          %swap3A_158 = tpu.vector_load %arg19[%swap3A_156, %swap3A_157] {strides = array<i32>} : memref<80x160xf32, #tpu.memory_space<vmem>>, vector<16xf32>,
          tpu.vector_store %arg19[%swap3A_156, %swap3A_157], %mul3A_155 {strides = array<i32>} : memref<80x160xf32, #tpu.memory_space<vmem>>, vector<16xf32>,
          %get3A_159 = arith.index_cast %add3A_86 : i32 to index
          %get3A_160 = arith.constant 144 : index
          %get3A_161 = tpu.vector_load %arg19[%get3A_159, %get3A_160] {strides = array<i32>} : memref<80x160xf32, #tpu.memory_space<vmem>>, vector<16xf32>,
          %mul3A_162 = arith.mulf %get3A_161, %gather3A_97 : vector<16xf32>
          %swap3A_163 = arith.index_cast %add3A_86 : i32 to index
          %swap3A_164 = arith.constant 144 : index
          %swap3A_165 = tpu.vector_load %arg19[%swap3A_163, %swap3A_164] {strides = array<i32>} : memref<80x160xf32, #tpu.memory_space<vmem>>, vector<16xf32>,
          tpu.vector_store %arg19[%swap3A_163, %swap3A_164], %mul3A_162 {strides = array<i32>} : memref<80x160xf32, #tpu.memory_space<vmem>>, vector<16xf32>,
        }
        %scan3A_81 = arith.constant 80 : i32
      } else {
      }
      %eq3A_69 = arith.constant 1 : i32
      %eq3A_70 = arith.cmpi eq, %arg0, %eq3A_69 : i32
      %convert_element_type3A_71 = arith.extui %eq3A_70 : i1 to i32
      %cond3A_72 = arith.constant 0 : i32
      %cond3A_73 = arith.cmpi ne, %convert_element_type3A_71, %cond3A_72 : i32
      scf.if %cond3A_73 {
        %run_scoped3A_75 = arith.constant 0 : i32
        "tpu.region"() ({
          %run_scoped3A_81 = tpu.sem_alloc : memref<!tpu.dma_semaphore, #tpu.memory_space<semaphore_mem>>
          %dma_start3A_82 = arith.constant 0 : i32
          %dma_start3A_83 = tpu.memref_slice %arg14[%run_scoped3A_75, %dma_start3A_82] : memref<1x80xi32, #tpu.memory_space<vmem>> -> memref<1x80xi32, #tpu.memory_space<vmem>>
          %dma_start3A_84 = tpu.memref_squeeze %dma_start3A_83 : memref<1x80xi32, #tpu.memory_space<vmem>> -> memref<80xi32, #tpu.memory_space<vmem>>
          %dma_start3A_85 = arith.constant 0 : i32
          %dma_start3A_86 = arith.constant 0 : i32
          %dma_start3A_87 = tpu.memref_slice %arg7[%dma_start3A_85, %dma_start3A_86] : memref<10000x160xf32, #tpu.memory_space<hbm>> -> memref<10000x160xf32, #tpu.memory_space<hbm>>
          tpu.enqueue_indirect_dma source(%dma_start3A_87 : memref<10000x160xf32, #tpu.memory_space<hbm>>) target(%arg19 : memref<80x160xf32, #tpu.memory_space<vmem>>) offsets(%dma_start3A_84 : memref<80xi32, #tpu.memory_space<vmem>>) semaphore(%run_scoped3A_81 : memref<!tpu.dma_semaphore, #tpu.memory_space<semaphore_mem>>)
          %dma_wait3A_88 = arith.constant 0 : i32
          %dma_wait3A_89 = tpu.memref_slice %arg14[%run_scoped3A_75, %dma_wait3A_88] : memref<1x80xi32, #tpu.memory_space<vmem>> -> memref<1x80xi32, #tpu.memory_space<vmem>>
          %dma_wait3A_90 = tpu.memref_squeeze %dma_wait3A_89 : memref<1x80xi32, #tpu.memory_space<vmem>> -> memref<80xi32, #tpu.memory_space<vmem>>
          %dma_wait3A_91 = arith.constant 0 : i32
          %dma_wait3A_92 = arith.constant 0 : i32
          %dma_wait3A_93 = tpu.memref_slice %arg7[%dma_wait3A_91, %dma_wait3A_92] : memref<10000x160xf32, #tpu.memory_space<hbm>> -> memref<10000x160xf32, #tpu.memory_space<hbm>>
          tpu.wait_indirect_dma semaphore(%run_scoped3A_81 : memref<!tpu.dma_semaphore, #tpu.memory_space<semaphore_mem>>) src(%dma_wait3A_93 : memref<10000x160xf32, #tpu.memory_space<hbm>>) dst(%arg19 : memref<80x160xf32, #tpu.memory_space<vmem>>)
          tpu.yield
        }) : () -> ()
        %scan3A_76 = arith.constant 0 : i32
        %scan3A_77 = arith.constant 80 : i32
        %scan3A_78 = arith.addi %scan3A_76, %scan3A_77 : i32
        %scan3A_79 = arith.constant 1 : i32
        scf.for %scan3A_81 = %scan3A_76 to %scan3A_78 step %scan3A_79  : i32 {
          %mul3A_82 = arith.constant 1 : i32
          %mul3A_83 = arith.muli %scan3A_81, %mul3A_82 : i32
          %add3A_84 = arith.constant 0 : i32
          %add3A_85 = arith.addi %add3A_84, %mul3A_83 : i32
          %broadcast_in_dim3A = arith.constant 0 : i32
          %broadcast_in_dim3A_86 = vector.broadcast %broadcast_in_dim3A : i32 to vector<16xi32>
          %add3A_87 = vector.broadcast %add3A_85 : i32 to vector<16xi32>
          %add3A_88 = arith.addi %broadcast_in_dim3A_86, %add3A_87 : vector<16xi32>
          %broadcast_in_dim3A_89 = arith.constant 2 : i32
          %broadcast_in_dim3A_90 = vector.broadcast %broadcast_in_dim3A_89 : i32 to vector<16xi32>
          %gather3A = tpu.vector_load_idx %arg18[%add3A_88, %broadcast_in_dim3A_90] : memref<80x16xf32, #tpu.memory_space<vmem>>[vector<16xi32>, vector<16xi32>], vector<16xf32>,
          %broadcast_in_dim3A_91 = arith.constant 3 : i32
          %broadcast_in_dim3A_92 = vector.broadcast %broadcast_in_dim3A_91 : i32 to vector<16xi32>
          %gather3A_93 = tpu.vector_load_idx %arg18[%add3A_88, %broadcast_in_dim3A_92] : memref<80x16xf32, #tpu.memory_space<vmem>>[vector<16xi32>, vector<16xi32>], vector<16xf32>,
          %broadcast_in_dim3A_94 = arith.constant 4 : i32
          %broadcast_in_dim3A_95 = vector.broadcast %broadcast_in_dim3A_94 : i32 to vector<16xi32>
          %gather3A_96 = tpu.vector_load_idx %arg18[%add3A_88, %broadcast_in_dim3A_95] : memref<80x16xf32, #tpu.memory_space<vmem>>[vector<16xi32>, vector<16xi32>], vector<16xf32>,
          %get3A = arith.index_cast %add3A_85 : i32 to index
          %get3A_97 = arith.constant 0 : index
          %get3A_98 = tpu.vector_load %arg19[%get3A, %get3A_97] {strides = array<i32>} : memref<80x160xf32, #tpu.memory_space<vmem>>, vector<16xf32>,
          %mul3A_99 = arith.mulf %get3A_98, %gather3A : vector<16xf32>
          %swap3A = arith.index_cast %add3A_85 : i32 to index
          %swap3A_100 = arith.constant 0 : index
          %swap3A_101 = tpu.vector_load %arg19[%swap3A, %swap3A_100] {strides = array<i32>} : memref<80x160xf32, #tpu.memory_space<vmem>>, vector<16xf32>,
          tpu.vector_store %arg19[%swap3A, %swap3A_100], %mul3A_99 {strides = array<i32>} : memref<80x160xf32, #tpu.memory_space<vmem>>, vector<16xf32>,
          %get3A_102 = arith.index_cast %add3A_85 : i32 to index
          %get3A_103 = arith.constant 16 : index
          %get3A_104 = tpu.vector_load %arg19[%get3A_102, %get3A_103] {strides = array<i32>} : memref<80x160xf32, #tpu.memory_space<vmem>>, vector<16xf32>,
          %mul3A_105 = arith.mulf %get3A_104, %gather3A : vector<16xf32>
          %swap3A_106 = arith.index_cast %add3A_85 : i32 to index
          %swap3A_107 = arith.constant 16 : index
          %swap3A_108 = tpu.vector_load %arg19[%swap3A_106, %swap3A_107] {strides = array<i32>} : memref<80x160xf32, #tpu.memory_space<vmem>>, vector<16xf32>,
          tpu.vector_store %arg19[%swap3A_106, %swap3A_107], %mul3A_105 {strides = array<i32>} : memref<80x160xf32, #tpu.memory_space<vmem>>, vector<16xf32>,
          %get3A_109 = arith.index_cast %add3A_85 : i32 to index
          %get3A_110 = arith.constant 32 : index
          %get3A_111 = tpu.vector_load %arg19[%get3A_109, %get3A_110] {strides = array<i32>} : memref<80x160xf32, #tpu.memory_space<vmem>>, vector<16xf32>,
          %mul3A_112 = arith.mulf %get3A_111, %gather3A_93 : vector<16xf32>
          %swap3A_113 = arith.index_cast %add3A_85 : i32 to index
          %swap3A_114 = arith.constant 32 : index
          %swap3A_115 = tpu.vector_load %arg19[%swap3A_113, %swap3A_114] {strides = array<i32>} : memref<80x160xf32, #tpu.memory_space<vmem>>, vector<16xf32>,
          tpu.vector_store %arg19[%swap3A_113, %swap3A_114], %mul3A_112 {strides = array<i32>} : memref<80x160xf32, #tpu.memory_space<vmem>>, vector<16xf32>,
          %get3A_116 = arith.index_cast %add3A_85 : i32 to index
          %get3A_117 = arith.constant 48 : index
          %get3A_118 = tpu.vector_load %arg19[%get3A_116, %get3A_117] {strides = array<i32>} : memref<80x160xf32, #tpu.memory_space<vmem>>, vector<16xf32>,
          %mul3A_119 = arith.mulf %get3A_118, %gather3A_93 : vector<16xf32>
          %swap3A_120 = arith.index_cast %add3A_85 : i32 to index
          %swap3A_121 = arith.constant 48 : index
          %swap3A_122 = tpu.vector_load %arg19[%swap3A_120, %swap3A_121] {strides = array<i32>} : memref<80x160xf32, #tpu.memory_space<vmem>>, vector<16xf32>,
          tpu.vector_store %arg19[%swap3A_120, %swap3A_121], %mul3A_119 {strides = array<i32>} : memref<80x160xf32, #tpu.memory_space<vmem>>, vector<16xf32>,
          %get3A_123 = arith.index_cast %add3A_85 : i32 to index
          %get3A_124 = arith.constant 64 : index
          %get3A_125 = tpu.vector_load %arg19[%get3A_123, %get3A_124] {strides = array<i32>} : memref<80x160xf32, #tpu.memory_space<vmem>>, vector<16xf32>,
          %mul3A_126 = arith.mulf %get3A_125, %gather3A_93 : vector<16xf32>
          %swap3A_127 = arith.index_cast %add3A_85 : i32 to index
          %swap3A_128 = arith.constant 64 : index
          %swap3A_129 = tpu.vector_load %arg19[%swap3A_127, %swap3A_128] {strides = array<i32>} : memref<80x160xf32, #tpu.memory_space<vmem>>, vector<16xf32>,
          tpu.vector_store %arg19[%swap3A_127, %swap3A_128], %mul3A_126 {strides = array<i32>} : memref<80x160xf32, #tpu.memory_space<vmem>>, vector<16xf32>,
          %get3A_130 = arith.index_cast %add3A_85 : i32 to index
          %get3A_131 = arith.constant 80 : index
          %get3A_132 = tpu.vector_load %arg19[%get3A_130, %get3A_131] {strides = array<i32>} : memref<80x160xf32, #tpu.memory_space<vmem>>, vector<16xf32>,
          %mul3A_133 = arith.mulf %get3A_132, %gather3A_93 : vector<16xf32>
          %swap3A_134 = arith.index_cast %add3A_85 : i32 to index
          %swap3A_135 = arith.constant 80 : index
          %swap3A_136 = tpu.vector_load %arg19[%swap3A_134, %swap3A_135] {strides = array<i32>} : memref<80x160xf32, #tpu.memory_space<vmem>>, vector<16xf32>,
          tpu.vector_store %arg19[%swap3A_134, %swap3A_135], %mul3A_133 {strides = array<i32>} : memref<80x160xf32, #tpu.memory_space<vmem>>, vector<16xf32>,
          %get3A_137 = arith.index_cast %add3A_85 : i32 to index
          %get3A_138 = arith.constant 96 : index
          %get3A_139 = tpu.vector_load %arg19[%get3A_137, %get3A_138] {strides = array<i32>} : memref<80x160xf32, #tpu.memory_space<vmem>>, vector<16xf32>,
          %mul3A_140 = arith.mulf %get3A_139, %gather3A_96 : vector<16xf32>
          %swap3A_141 = arith.index_cast %add3A_85 : i32 to index
          %swap3A_142 = arith.constant 96 : index
          %swap3A_143 = tpu.vector_load %arg19[%swap3A_141, %swap3A_142] {strides = array<i32>} : memref<80x160xf32, #tpu.memory_space<vmem>>, vector<16xf32>,
          tpu.vector_store %arg19[%swap3A_141, %swap3A_142], %mul3A_140 {strides = array<i32>} : memref<80x160xf32, #tpu.memory_space<vmem>>, vector<16xf32>,
          %get3A_144 = arith.index_cast %add3A_85 : i32 to index
          %get3A_145 = arith.constant 112 : index
          %get3A_146 = tpu.vector_load %arg19[%get3A_144, %get3A_145] {strides = array<i32>} : memref<80x160xf32, #tpu.memory_space<vmem>>, vector<16xf32>,
          %mul3A_147 = arith.mulf %get3A_146, %gather3A_96 : vector<16xf32>
          %swap3A_148 = arith.index_cast %add3A_85 : i32 to index
          %swap3A_149 = arith.constant 112 : index
          %swap3A_150 = tpu.vector_load %arg19[%swap3A_148, %swap3A_149] {strides = array<i32>} : memref<80x160xf32, #tpu.memory_space<vmem>>, vector<16xf32>,
          tpu.vector_store %arg19[%swap3A_148, %swap3A_149], %mul3A_147 {strides = array<i32>} : memref<80x160xf32, #tpu.memory_space<vmem>>, vector<16xf32>,
          %get3A_151 = arith.index_cast %add3A_85 : i32 to index
          %get3A_152 = arith.constant 128 : index
          %get3A_153 = tpu.vector_load %arg19[%get3A_151, %get3A_152] {strides = array<i32>} : memref<80x160xf32, #tpu.memory_space<vmem>>, vector<16xf32>,
          %mul3A_154 = arith.mulf %get3A_153, %gather3A_96 : vector<16xf32>
          %swap3A_155 = arith.index_cast %add3A_85 : i32 to index
          %swap3A_156 = arith.constant 128 : index
          %swap3A_157 = tpu.vector_load %arg19[%swap3A_155, %swap3A_156] {strides = array<i32>} : memref<80x160xf32, #tpu.memory_space<vmem>>, vector<16xf32>,
          tpu.vector_store %arg19[%swap3A_155, %swap3A_156], %mul3A_154 {strides = array<i32>} : memref<80x160xf32, #tpu.memory_space<vmem>>, vector<16xf32>,
          %get3A_158 = arith.index_cast %add3A_85 : i32 to index
          %get3A_159 = arith.constant 144 : index
          %get3A_160 = tpu.vector_load %arg19[%get3A_158, %get3A_159] {strides = array<i32>} : memref<80x160xf32, #tpu.memory_space<vmem>>, vector<16xf32>,
          %mul3A_161 = arith.mulf %get3A_160, %gather3A_96 : vector<16xf32>
          %swap3A_162 = arith.index_cast %add3A_85 : i32 to index
          %swap3A_163 = arith.constant 144 : index
          %swap3A_164 = tpu.vector_load %arg19[%swap3A_162, %swap3A_163] {strides = array<i32>} : memref<80x160xf32, #tpu.memory_space<vmem>>, vector<16xf32>,
          tpu.vector_store %arg19[%swap3A_162, %swap3A_163], %mul3A_161 {strides = array<i32>} : memref<80x160xf32, #tpu.memory_space<vmem>>, vector<16xf32>,
        }
        %scan3A_80 = arith.constant 80 : i32
      } else {
      }
      %run_scoped3A_74 = arith.constant 0 : i32
      "tpu.region"() ({
        %run_scoped3A_75 = tpu.sem_alloc : memref<!tpu.dma_semaphore, #tpu.memory_space<semaphore_mem>>
        %dma_start3A_76 = arith.constant 0 : i32
        %dma_start3A_77 = tpu.memref_slice %arg15[%run_scoped3A_74, %dma_start3A_76] : memref<1x80xi32, #tpu.memory_space<vmem>> -> memref<1x80xi32, #tpu.memory_space<vmem>>
        %dma_start3A_78 = tpu.memref_squeeze %dma_start3A_77 : memref<1x80xi32, #tpu.memory_space<vmem>> -> memref<80xi32, #tpu.memory_space<vmem>>
        %dma_start3A_79 = arith.constant 0 : i32
        %dma_start3A_80 = arith.constant 0 : i32
        %dma_start3A_81 = tpu.memref_slice %arg20[%dma_start3A_79, %dma_start3A_80] : memref<10000x160xf32, #tpu.memory_space<vmem_shared>> -> memref<10000x160xf32, #tpu.memory_space<vmem_shared>>
        tpu.enqueue_indirect_dma source(%arg19 : memref<80x160xf32, #tpu.memory_space<vmem>>) target(%dma_start3A_81 : memref<10000x160xf32, #tpu.memory_space<vmem_shared>>) offsets(%dma_start3A_78 : memref<80xi32, #tpu.memory_space<vmem>>) semaphore(%run_scoped3A_75 : memref<!tpu.dma_semaphore, #tpu.memory_space<semaphore_mem>>) {add = true}
        %dma_wait3A_82 = arith.constant 0 : i32
        %dma_wait3A_83 = tpu.memref_slice %arg15[%run_scoped3A_74, %dma_wait3A_82] : memref<1x80xi32, #tpu.memory_space<vmem>> -> memref<1x80xi32, #tpu.memory_space<vmem>>
        %dma_wait3A_84 = tpu.memref_squeeze %dma_wait3A_83 : memref<1x80xi32, #tpu.memory_space<vmem>> -> memref<80xi32, #tpu.memory_space<vmem>>
        %dma_wait3A_85 = arith.constant 0 : i32
        %dma_wait3A_86 = arith.constant 0 : i32
        %dma_wait3A_87 = tpu.memref_slice %arg20[%dma_wait3A_85, %dma_wait3A_86] : memref<10000x160xf32, #tpu.memory_space<vmem_shared>> -> memref<10000x160xf32, #tpu.memory_space<vmem_shared>>
        tpu.wait_indirect_dma semaphore(%run_scoped3A_75 : memref<!tpu.dma_semaphore, #tpu.memory_space<semaphore_mem>>) src(%arg19 : memref<80x160xf32, #tpu.memory_space<vmem>>) dst(%dma_wait3A_87 : memref<10000x160xf32, #tpu.memory_space<vmem_shared>>)
        tpu.yield
      }) : () -> ()
    }
    %scan3A_13 = arith.constant 250 : i32
    %barrier3A_14 = arith.constant 0 : index
    tpu.barrier barrier_id(%barrier3A_14)
    %eq3A_15 = arith.constant 0 : i32
    %eq3A_16 = arith.cmpi eq, %arg0, %eq3A_15 : i32
    %convert_element_type3A_17 = arith.extui %eq3A_16 : i1 to i32
    %cond3A_18 = arith.constant 0 : i32
    %cond3A_19 = arith.cmpi ne, %convert_element_type3A_17, %cond3A_18 : i32
    scf.if %cond3A_19 {
      "tpu.region"() ({
        %run_scoped3A = tpu.sem_alloc : memref<!tpu.dma_semaphore, #tpu.memory_space<semaphore_mem>>
        %dma_start3A = arith.constant 0 : i32
        %dma_start3A_25 = tpu.memref_slice %arg11[%mul3A_0, %dma_start3A] : memref<10000x160xf32, #tpu.memory_space<hbm>> -> memref<625x160xf32, #tpu.memory_space<hbm>>
        %dma_start3A_26 = arith.constant 0 : i32
        %dma_start3A_27 = tpu.memref_slice %arg20[%mul3A_0, %dma_start3A_26] : memref<10000x160xf32, #tpu.memory_space<vmem_shared>> -> memref<625x160xf32, #tpu.memory_space<vmem_shared>>
        tpu.enqueue_dma source(%dma_start3A_27 : memref<625x160xf32, #tpu.memory_space<vmem_shared>>) target(%dma_start3A_25 : memref<625x160xf32, #tpu.memory_space<hbm>>) target_semaphore(%run_scoped3A : memref<!tpu.dma_semaphore, #tpu.memory_space<semaphore_mem>>)
        %dma_wait3A = arith.constant 0 : i32
        %dma_wait3A_28 = tpu.memref_slice %arg11[%mul3A_0, %dma_wait3A] : memref<10000x160xf32, #tpu.memory_space<hbm>> -> memref<625x160xf32, #tpu.memory_space<hbm>>
        %dma_wait3A_29 = arith.constant 0 : i32
        %dma_wait3A_30 = tpu.memref_slice %arg20[%mul3A_0, %dma_wait3A_29] : memref<10000x160xf32, #tpu.memory_space<vmem_shared>> -> memref<625x160xf32, #tpu.memory_space<vmem_shared>>
        tpu.wait_dma2 semaphore(%run_scoped3A : memref<!tpu.dma_semaphore, #tpu.memory_space<semaphore_mem>>) src(%dma_wait3A_30 : memref<625x160xf32, #tpu.memory_space<vmem_shared>>) dst(%dma_wait3A_28 : memref<625x160xf32, #tpu.memory_space<hbm>>)
        tpu.yield
      }) : () -> ()
      "tpu.region"() ({
        %run_scoped3A = tpu.sem_alloc : memref<!tpu.dma_semaphore, #tpu.memory_space<semaphore_mem>>
        %dma_start3A = arith.constant 0 : i32
        %dma_start3A_25 = tpu.memref_slice %arg13[%mul3A_0, %dma_start3A] : memref<10000x16xf32, #tpu.memory_space<hbm>> -> memref<625x16xf32, #tpu.memory_space<hbm>>
        %dma_start3A_26 = arith.constant 0 : i32
        %dma_start3A_27 = tpu.memref_slice %arg21[%mul3A_0, %dma_start3A_26] : memref<10000x16xf32, #tpu.memory_space<vmem_shared>> -> memref<625x16xf32, #tpu.memory_space<vmem_shared>>
        tpu.enqueue_dma source(%dma_start3A_27 : memref<625x16xf32, #tpu.memory_space<vmem_shared>>) target(%dma_start3A_25 : memref<625x16xf32, #tpu.memory_space<hbm>>) target_semaphore(%run_scoped3A : memref<!tpu.dma_semaphore, #tpu.memory_space<semaphore_mem>>)
        %dma_wait3A = arith.constant 0 : i32
        %dma_wait3A_28 = tpu.memref_slice %arg13[%mul3A_0, %dma_wait3A] : memref<10000x16xf32, #tpu.memory_space<hbm>> -> memref<625x16xf32, #tpu.memory_space<hbm>>
        %dma_wait3A_29 = arith.constant 0 : i32
        %dma_wait3A_30 = tpu.memref_slice %arg21[%mul3A_0, %dma_wait3A_29] : memref<10000x16xf32, #tpu.memory_space<vmem_shared>> -> memref<625x16xf32, #tpu.memory_space<vmem_shared>>
        tpu.wait_dma2 semaphore(%run_scoped3A : memref<!tpu.dma_semaphore, #tpu.memory_space<semaphore_mem>>) src(%dma_wait3A_30 : memref<625x16xf32, #tpu.memory_space<vmem_shared>>) dst(%dma_wait3A_28 : memref<625x16xf32, #tpu.memory_space<hbm>>)
        tpu.yield
      }) : () -> ()
    } else {
    }
    %eq3A_20 = arith.constant 1 : i32
    %eq3A_21 = arith.cmpi eq, %arg0, %eq3A_20 : i32
    %convert_element_type3A_22 = arith.extui %eq3A_21 : i1 to i32
    %cond3A_23 = arith.constant 0 : i32
    %cond3A_24 = arith.cmpi ne, %convert_element_type3A_22, %cond3A_23 : i32
    scf.if %cond3A_24 {
      "tpu.region"() ({
        %run_scoped3A = tpu.sem_alloc : memref<!tpu.dma_semaphore, #tpu.memory_space<semaphore_mem>>
        %dma_start3A = arith.constant 0 : i32
        %dma_start3A_25 = tpu.memref_slice %arg12[%mul3A_0, %dma_start3A] : memref<10000x160xf32, #tpu.memory_space<hbm>> -> memref<625x160xf32, #tpu.memory_space<hbm>>
        %dma_start3A_26 = arith.constant 0 : i32
        %dma_start3A_27 = tpu.memref_slice %arg20[%mul3A_0, %dma_start3A_26] : memref<10000x160xf32, #tpu.memory_space<vmem_shared>> -> memref<625x160xf32, #tpu.memory_space<vmem_shared>>
        tpu.enqueue_dma source(%dma_start3A_27 : memref<625x160xf32, #tpu.memory_space<vmem_shared>>) target(%dma_start3A_25 : memref<625x160xf32, #tpu.memory_space<hbm>>) target_semaphore(%run_scoped3A : memref<!tpu.dma_semaphore, #tpu.memory_space<semaphore_mem>>)
        %dma_wait3A = arith.constant 0 : i32
        %dma_wait3A_28 = tpu.memref_slice %arg12[%mul3A_0, %dma_wait3A] : memref<10000x160xf32, #tpu.memory_space<hbm>> -> memref<625x160xf32, #tpu.memory_space<hbm>>
        %dma_wait3A_29 = arith.constant 0 : i32
        %dma_wait3A_30 = tpu.memref_slice %arg20[%mul3A_0, %dma_wait3A_29] : memref<10000x160xf32, #tpu.memory_space<vmem_shared>> -> memref<625x160xf32, #tpu.memory_space<vmem_shared>>
        tpu.wait_dma2 semaphore(%run_scoped3A : memref<!tpu.dma_semaphore, #tpu.memory_space<semaphore_mem>>) src(%dma_wait3A_30 : memref<625x160xf32, #tpu.memory_space<vmem_shared>>) dst(%dma_wait3A_28 : memref<625x160xf32, #tpu.memory_space<hbm>>)
        tpu.yield
      }) : () -> ()
    } else {
    }
    return
  }
}

#map = affine_map<(d0, d1) -> (0)>
#map1 = affine_map<(d0, d1) -> (0, 0)>
module attributes {stable_mosaic.version = 14 : i64} {
  func.func @_edge_body(%arg0: i32, %arg1: i32, %arg2: memref<320000xi32, #tpu.memory_space<hbm>>, %arg3: memref<320000xi32, #tpu.memory_space<hbm>>, %arg4: memref<10000x16xf32, #tpu.memory_space<hbm>>, %arg5: memref<10000x16xf32, #tpu.memory_space<hbm>>, %arg6: memref<10000x192xf32, #tpu.memory_space<hbm>>, %arg7: memref<10000x192xf32, #tpu.memory_space<hbm>>, %arg8: memref<10000x192xf32, #tpu.memory_space<hbm>>, %arg9: memref<10000x192xf32, #tpu.memory_space<hbm>>, %arg10: memref<10000x16xf32, #tpu.memory_space<hbm>>, %arg11: memref<10000x192xf32, #tpu.memory_space<hbm>>, %arg12: memref<10000x192xf32, #tpu.memory_space<hbm>>, %arg13: memref<10000x16xf32, #tpu.memory_space<hbm>>, %arg14: memref<1x40xi32, #tpu.memory_space<vmem>>, %arg15: memref<1x40xi32, #tpu.memory_space<vmem>>, %arg16: memref<40x16xf32, #tpu.memory_space<vmem>>, %arg17: memref<40x16xf32, #tpu.memory_space<vmem>>, %arg18: memref<40x16xf32, #tpu.memory_space<vmem>>, %arg19: memref<40x192xf32, #tpu.memory_space<vmem>>, %arg20: memref<10000x192xf32, #tpu.memory_space<vmem_shared>>, %arg21: memref<8x16xf32, #tpu.memory_space<vmem_shared>>, %arg22: memref<!tpu.dma_semaphore, #tpu.memory_space<semaphore_mem>>) attributes {dimension_semantics = [#tpu.dimension_semantics<core_parallel>, #tpu.dimension_semantics<subcore_parallel>], iteration_bounds = array<i64: 2, 16>, scalar_prefetch = 0 : i64, scratch_operands = 9 : i64, tpu.core_type = #tpu.core_type<sc_vector_subcore>, window_params = [{transform_indices = #map}, {transform_indices = #map}, {transform_indices = #map1}, {transform_indices = #map1}, {transform_indices = #map1}, {transform_indices = #map1}, {transform_indices = #map1}, {transform_indices = #map1}, {transform_indices = #map1}, {transform_indices = #map1}, {transform_indices = #map1}, {transform_indices = #map1}]} {
    %mul3A = arith.constant 625 : i32
    %mul3A_0 = arith.muli %arg1, %mul3A : i32
    %eq3A = arith.constant 0 : i32
    %eq3A_1 = arith.cmpi eq, %arg0, %eq3A : i32
    %convert_element_type3A = arith.extui %eq3A_1 : i1 to i32
    %cond3A = arith.constant 0 : i32
    %cond3A_2 = arith.cmpi ne, %convert_element_type3A, %cond3A : i32
    scf.if %cond3A_2 {
      "tpu.region"() ({
        %run_scoped3A = tpu.sem_alloc : memref<!tpu.dma_semaphore, #tpu.memory_space<semaphore_mem>>
        %dma_start3A = arith.constant 0 : i32
        %dma_start3A_25 = tpu.memref_slice %arg20[%mul3A_0, %dma_start3A] : memref<10000x192xf32, #tpu.memory_space<vmem_shared>> -> memref<625x192xf32, #tpu.memory_space<vmem_shared>>
        %dma_start3A_26 = arith.constant 0 : i32
        %dma_start3A_27 = tpu.memref_slice %arg8[%mul3A_0, %dma_start3A_26] : memref<10000x192xf32, #tpu.memory_space<hbm>> -> memref<625x192xf32, #tpu.memory_space<hbm>>
        tpu.enqueue_dma source(%dma_start3A_27 : memref<625x192xf32, #tpu.memory_space<hbm>>) target(%dma_start3A_25 : memref<625x192xf32, #tpu.memory_space<vmem_shared>>) target_semaphore(%run_scoped3A : memref<!tpu.dma_semaphore, #tpu.memory_space<semaphore_mem>>)
        %dma_wait3A = arith.constant 0 : i32
        %dma_wait3A_28 = tpu.memref_slice %arg20[%mul3A_0, %dma_wait3A] : memref<10000x192xf32, #tpu.memory_space<vmem_shared>> -> memref<625x192xf32, #tpu.memory_space<vmem_shared>>
        %dma_wait3A_29 = arith.constant 0 : i32
        %dma_wait3A_30 = tpu.memref_slice %arg8[%mul3A_0, %dma_wait3A_29] : memref<10000x192xf32, #tpu.memory_space<hbm>> -> memref<625x192xf32, #tpu.memory_space<hbm>>
        tpu.wait_dma2 semaphore(%run_scoped3A : memref<!tpu.dma_semaphore, #tpu.memory_space<semaphore_mem>>) src(%dma_wait3A_30 : memref<625x192xf32, #tpu.memory_space<hbm>>) dst(%dma_wait3A_28 : memref<625x192xf32, #tpu.memory_space<vmem_shared>>)
        tpu.yield
      }) : () -> ()
    } else {
    }
    %eq3A_3 = arith.constant 1 : i32
    %eq3A_4 = arith.cmpi eq, %arg0, %eq3A_3 : i32
    %convert_element_type3A_5 = arith.extui %eq3A_4 : i1 to i32
    %cond3A_6 = arith.constant 0 : i32
    %cond3A_7 = arith.cmpi ne, %convert_element_type3A_5, %cond3A_6 : i32
    scf.if %cond3A_7 {
      "tpu.region"() ({
        %run_scoped3A = tpu.sem_alloc : memref<!tpu.dma_semaphore, #tpu.memory_space<semaphore_mem>>
        %dma_start3A = arith.constant 0 : i32
        %dma_start3A_25 = tpu.memref_slice %arg20[%mul3A_0, %dma_start3A] : memref<10000x192xf32, #tpu.memory_space<vmem_shared>> -> memref<625x192xf32, #tpu.memory_space<vmem_shared>>
        %dma_start3A_26 = arith.constant 0 : i32
        %dma_start3A_27 = tpu.memref_slice %arg9[%mul3A_0, %dma_start3A_26] : memref<10000x192xf32, #tpu.memory_space<hbm>> -> memref<625x192xf32, #tpu.memory_space<hbm>>
        tpu.enqueue_dma source(%dma_start3A_27 : memref<625x192xf32, #tpu.memory_space<hbm>>) target(%dma_start3A_25 : memref<625x192xf32, #tpu.memory_space<vmem_shared>>) target_semaphore(%run_scoped3A : memref<!tpu.dma_semaphore, #tpu.memory_space<semaphore_mem>>)
        %dma_wait3A = arith.constant 0 : i32
        %dma_wait3A_28 = tpu.memref_slice %arg20[%mul3A_0, %dma_wait3A] : memref<10000x192xf32, #tpu.memory_space<vmem_shared>> -> memref<625x192xf32, #tpu.memory_space<vmem_shared>>
        %dma_wait3A_29 = arith.constant 0 : i32
        %dma_wait3A_30 = tpu.memref_slice %arg9[%mul3A_0, %dma_wait3A_29] : memref<10000x192xf32, #tpu.memory_space<hbm>> -> memref<625x192xf32, #tpu.memory_space<hbm>>
        tpu.wait_dma2 semaphore(%run_scoped3A : memref<!tpu.dma_semaphore, #tpu.memory_space<semaphore_mem>>) src(%dma_wait3A_30 : memref<625x192xf32, #tpu.memory_space<hbm>>) dst(%dma_wait3A_28 : memref<625x192xf32, #tpu.memory_space<vmem_shared>>)
        tpu.yield
      }) : () -> ()
    } else {
    }
    %barrier3A = arith.constant 0 : index
    tpu.barrier barrier_id(%barrier3A)
    %mul3A_8 = arith.constant 20000 : i32
    %mul3A_9 = arith.muli %arg1, %mul3A_8 : i32
    %scan3A = arith.constant 0 : i32
    %scan3A_10 = arith.constant 500 : i32
    %scan3A_11 = arith.addi %scan3A, %scan3A_10 : i32
    %scan3A_12 = arith.constant 1 : i32
    scf.for %scan3A_25 = %scan3A to %scan3A_11 step %scan3A_12  : i32 {
      %mul3A_26 = arith.constant 1 : i32
      %mul3A_27 = arith.muli %scan3A_25, %mul3A_26 : i32
      %add3A = arith.constant 0 : i32
      %add3A_28 = arith.addi %add3A, %mul3A_27 : i32
      %mul3A_29 = arith.constant 40 : i32
      %mul3A_30 = arith.muli %add3A_28, %mul3A_29 : i32
      %add3A_31 = arith.addi %mul3A_9, %mul3A_30 : i32
      %run_scoped3A = arith.constant 0 : i32
      "tpu.region"() ({
        %run_scoped3A_75 = tpu.sem_alloc : memref<!tpu.dma_semaphore, #tpu.memory_space<semaphore_mem>>
        %dma_start3A_76 = arith.constant 0 : i32
        %dma_start3A_77 = tpu.memref_slice %arg14[%run_scoped3A, %dma_start3A_76] : memref<1x40xi32, #tpu.memory_space<vmem>> -> memref<1x40xi32, #tpu.memory_space<vmem>>
        %dma_start3A_78 = tpu.memref_squeeze %dma_start3A_77 : memref<1x40xi32, #tpu.memory_space<vmem>> -> memref<40xi32, #tpu.memory_space<vmem>>
        %dma_start3A_79 = tpu.memref_slice %arg2[%add3A_31] : memref<320000xi32, #tpu.memory_space<hbm>> -> memref<40xi32, #tpu.memory_space<hbm>>
        %dma_start3A_80 = arith.constant 0 : i32
        %dma_start3A_81 = tpu.memref_slice %arg14[%run_scoped3A, %dma_start3A_80] : memref<1x40xi32, #tpu.memory_space<vmem>> -> memref<1x40xi32, #tpu.memory_space<vmem>>
        %dma_start3A_82 = tpu.memref_squeeze %dma_start3A_81 : memref<1x40xi32, #tpu.memory_space<vmem>> -> memref<40xi32, #tpu.memory_space<vmem>>
        %dma_start3A_83 = tpu.memref_slice %arg2[%add3A_31] : memref<320000xi32, #tpu.memory_space<hbm>> -> memref<40xi32, #tpu.memory_space<hbm>>
        tpu.enqueue_dma source(%dma_start3A_83 : memref<40xi32, #tpu.memory_space<hbm>>) target(%dma_start3A_82 : memref<40xi32, #tpu.memory_space<vmem>>) target_semaphore(%run_scoped3A_75 : memref<!tpu.dma_semaphore, #tpu.memory_space<semaphore_mem>>)
        %dma_wait3A_84 = arith.constant 0 : i32
        %dma_wait3A_85 = tpu.memref_slice %arg14[%run_scoped3A, %dma_wait3A_84] : memref<1x40xi32, #tpu.memory_space<vmem>> -> memref<1x40xi32, #tpu.memory_space<vmem>>
        %dma_wait3A_86 = tpu.memref_squeeze %dma_wait3A_85 : memref<1x40xi32, #tpu.memory_space<vmem>> -> memref<40xi32, #tpu.memory_space<vmem>>
        %dma_wait3A_87 = tpu.memref_slice %arg2[%add3A_31] : memref<320000xi32, #tpu.memory_space<hbm>> -> memref<40xi32, #tpu.memory_space<hbm>>
        %dma_wait3A_88 = arith.constant 0 : i32
        %dma_wait3A_89 = tpu.memref_slice %arg14[%run_scoped3A, %dma_wait3A_88] : memref<1x40xi32, #tpu.memory_space<vmem>> -> memref<1x40xi32, #tpu.memory_space<vmem>>
        %dma_wait3A_90 = tpu.memref_squeeze %dma_wait3A_89 : memref<1x40xi32, #tpu.memory_space<vmem>> -> memref<40xi32, #tpu.memory_space<vmem>>
        %dma_wait3A_91 = tpu.memref_slice %arg2[%add3A_31] : memref<320000xi32, #tpu.memory_space<hbm>> -> memref<40xi32, #tpu.memory_space<hbm>>
        tpu.wait_dma2 semaphore(%run_scoped3A_75 : memref<!tpu.dma_semaphore, #tpu.memory_space<semaphore_mem>>) src(%dma_wait3A_91 : memref<40xi32, #tpu.memory_space<hbm>>) dst(%dma_wait3A_90 : memref<40xi32, #tpu.memory_space<vmem>>)
        tpu.yield
      }) : () -> ()
      %run_scoped3A_32 = arith.constant 0 : i32
      "tpu.region"() ({
        %run_scoped3A_75 = tpu.sem_alloc : memref<!tpu.dma_semaphore, #tpu.memory_space<semaphore_mem>>
        %dma_start3A_76 = arith.constant 0 : i32
        %dma_start3A_77 = tpu.memref_slice %arg15[%run_scoped3A_32, %dma_start3A_76] : memref<1x40xi32, #tpu.memory_space<vmem>> -> memref<1x40xi32, #tpu.memory_space<vmem>>
        %dma_start3A_78 = tpu.memref_squeeze %dma_start3A_77 : memref<1x40xi32, #tpu.memory_space<vmem>> -> memref<40xi32, #tpu.memory_space<vmem>>
        %dma_start3A_79 = tpu.memref_slice %arg3[%add3A_31] : memref<320000xi32, #tpu.memory_space<hbm>> -> memref<40xi32, #tpu.memory_space<hbm>>
        %dma_start3A_80 = arith.constant 0 : i32
        %dma_start3A_81 = tpu.memref_slice %arg15[%run_scoped3A_32, %dma_start3A_80] : memref<1x40xi32, #tpu.memory_space<vmem>> -> memref<1x40xi32, #tpu.memory_space<vmem>>
        %dma_start3A_82 = tpu.memref_squeeze %dma_start3A_81 : memref<1x40xi32, #tpu.memory_space<vmem>> -> memref<40xi32, #tpu.memory_space<vmem>>
        %dma_start3A_83 = tpu.memref_slice %arg3[%add3A_31] : memref<320000xi32, #tpu.memory_space<hbm>> -> memref<40xi32, #tpu.memory_space<hbm>>
        tpu.enqueue_dma source(%dma_start3A_83 : memref<40xi32, #tpu.memory_space<hbm>>) target(%dma_start3A_82 : memref<40xi32, #tpu.memory_space<vmem>>) target_semaphore(%run_scoped3A_75 : memref<!tpu.dma_semaphore, #tpu.memory_space<semaphore_mem>>)
        %dma_wait3A_84 = arith.constant 0 : i32
        %dma_wait3A_85 = tpu.memref_slice %arg15[%run_scoped3A_32, %dma_wait3A_84] : memref<1x40xi32, #tpu.memory_space<vmem>> -> memref<1x40xi32, #tpu.memory_space<vmem>>
        %dma_wait3A_86 = tpu.memref_squeeze %dma_wait3A_85 : memref<1x40xi32, #tpu.memory_space<vmem>> -> memref<40xi32, #tpu.memory_space<vmem>>
        %dma_wait3A_87 = tpu.memref_slice %arg3[%add3A_31] : memref<320000xi32, #tpu.memory_space<hbm>> -> memref<40xi32, #tpu.memory_space<hbm>>
        %dma_wait3A_88 = arith.constant 0 : i32
        %dma_wait3A_89 = tpu.memref_slice %arg15[%run_scoped3A_32, %dma_wait3A_88] : memref<1x40xi32, #tpu.memory_space<vmem>> -> memref<1x40xi32, #tpu.memory_space<vmem>>
        %dma_wait3A_90 = tpu.memref_squeeze %dma_wait3A_89 : memref<1x40xi32, #tpu.memory_space<vmem>> -> memref<40xi32, #tpu.memory_space<vmem>>
        %dma_wait3A_91 = tpu.memref_slice %arg3[%add3A_31] : memref<320000xi32, #tpu.memory_space<hbm>> -> memref<40xi32, #tpu.memory_space<hbm>>
        tpu.wait_dma2 semaphore(%run_scoped3A_75 : memref<!tpu.dma_semaphore, #tpu.memory_space<semaphore_mem>>) src(%dma_wait3A_91 : memref<40xi32, #tpu.memory_space<hbm>>) dst(%dma_wait3A_90 : memref<40xi32, #tpu.memory_space<vmem>>)
        tpu.yield
      }) : () -> ()
      %dma_start3A = arith.constant 0 : i32
      %dma_start3A_33 = arith.constant 0 : i32
      %dma_start3A_34 = tpu.memref_slice %arg14[%dma_start3A, %dma_start3A_33] : memref<1x40xi32, #tpu.memory_space<vmem>> -> memref<1x40xi32, #tpu.memory_space<vmem>>
      %dma_start3A_35 = tpu.memref_squeeze %dma_start3A_34 : memref<1x40xi32, #tpu.memory_space<vmem>> -> memref<40xi32, #tpu.memory_space<vmem>>
      %dma_start3A_36 = arith.constant 0 : i32
      %dma_start3A_37 = arith.constant 0 : i32
      %dma_start3A_38 = tpu.memref_slice %arg4[%dma_start3A_36, %dma_start3A_37] : memref<10000x16xf32, #tpu.memory_space<hbm>> -> memref<10000x16xf32, #tpu.memory_space<hbm>>
      tpu.enqueue_indirect_dma source(%dma_start3A_38 : memref<10000x16xf32, #tpu.memory_space<hbm>>) target(%arg16 : memref<40x16xf32, #tpu.memory_space<vmem>>) offsets(%dma_start3A_35 : memref<40xi32, #tpu.memory_space<vmem>>) semaphore(%arg22 : memref<!tpu.dma_semaphore, #tpu.memory_space<semaphore_mem>>)
      %dma_start3A_39 = arith.constant 0 : i32
      %dma_start3A_40 = arith.constant 0 : i32
      %dma_start3A_41 = tpu.memref_slice %arg15[%dma_start3A_39, %dma_start3A_40] : memref<1x40xi32, #tpu.memory_space<vmem>> -> memref<1x40xi32, #tpu.memory_space<vmem>>
      %dma_start3A_42 = tpu.memref_squeeze %dma_start3A_41 : memref<1x40xi32, #tpu.memory_space<vmem>> -> memref<40xi32, #tpu.memory_space<vmem>>
      %dma_start3A_43 = arith.constant 0 : i32
      %dma_start3A_44 = arith.constant 0 : i32
      %dma_start3A_45 = tpu.memref_slice %arg5[%dma_start3A_43, %dma_start3A_44] : memref<10000x16xf32, #tpu.memory_space<hbm>> -> memref<10000x16xf32, #tpu.memory_space<hbm>>
      tpu.enqueue_indirect_dma source(%dma_start3A_45 : memref<10000x16xf32, #tpu.memory_space<hbm>>) target(%arg17 : memref<40x16xf32, #tpu.memory_space<vmem>>) offsets(%dma_start3A_42 : memref<40xi32, #tpu.memory_space<vmem>>) semaphore(%arg22 : memref<!tpu.dma_semaphore, #tpu.memory_space<semaphore_mem>>)
      %dma_wait3A = arith.constant 0 : i32
      %dma_wait3A_46 = arith.constant 0 : i32
      %dma_wait3A_47 = tpu.memref_slice %arg14[%dma_wait3A, %dma_wait3A_46] : memref<1x40xi32, #tpu.memory_space<vmem>> -> memref<1x40xi32, #tpu.memory_space<vmem>>
      %dma_wait3A_48 = tpu.memref_squeeze %dma_wait3A_47 : memref<1x40xi32, #tpu.memory_space<vmem>> -> memref<40xi32, #tpu.memory_space<vmem>>
      %dma_wait3A_49 = arith.constant 0 : i32
      %dma_wait3A_50 = arith.constant 0 : i32
      %dma_wait3A_51 = tpu.memref_slice %arg4[%dma_wait3A_49, %dma_wait3A_50] : memref<10000x16xf32, #tpu.memory_space<hbm>> -> memref<10000x16xf32, #tpu.memory_space<hbm>>
      tpu.wait_indirect_dma semaphore(%arg22 : memref<!tpu.dma_semaphore, #tpu.memory_space<semaphore_mem>>) src(%dma_wait3A_51 : memref<10000x16xf32, #tpu.memory_space<hbm>>) dst(%arg16 : memref<40x16xf32, #tpu.memory_space<vmem>>)
      %dma_wait3A_52 = arith.constant 0 : i32
      %dma_wait3A_53 = arith.constant 0 : i32
      %dma_wait3A_54 = tpu.memref_slice %arg15[%dma_wait3A_52, %dma_wait3A_53] : memref<1x40xi32, #tpu.memory_space<vmem>> -> memref<1x40xi32, #tpu.memory_space<vmem>>
      %dma_wait3A_55 = tpu.memref_squeeze %dma_wait3A_54 : memref<1x40xi32, #tpu.memory_space<vmem>> -> memref<40xi32, #tpu.memory_space<vmem>>
      %dma_wait3A_56 = arith.constant 0 : i32
      %dma_wait3A_57 = arith.constant 0 : i32
      %dma_wait3A_58 = tpu.memref_slice %arg5[%dma_wait3A_56, %dma_wait3A_57] : memref<10000x16xf32, #tpu.memory_space<hbm>> -> memref<10000x16xf32, #tpu.memory_space<hbm>>
      tpu.wait_indirect_dma semaphore(%arg22 : memref<!tpu.dma_semaphore, #tpu.memory_space<semaphore_mem>>) src(%dma_wait3A_58 : memref<10000x16xf32, #tpu.memory_space<hbm>>) dst(%arg17 : memref<40x16xf32, #tpu.memory_space<vmem>>)
      %scan3A_59 = arith.constant 0 : i32
      %scan3A_60 = arith.constant 40 : i32
      %scan3A_61 = arith.addi %scan3A_59, %scan3A_60 : i32
      %scan3A_62 = arith.constant 1 : i32
      scf.for %scan3A_75 = %scan3A_59 to %scan3A_61 step %scan3A_62  : i32 {
        %mul3A_76 = arith.constant 1 : i32
        %mul3A_77 = arith.muli %scan3A_75, %mul3A_76 : i32
        %add3A_78 = arith.constant 0 : i32
        %add3A_79 = arith.addi %add3A_78, %mul3A_77 : i32
        %get3A = arith.index_cast %add3A_79 : i32 to index
        %get3A_80 = arith.constant 0 : index
        %get3A_81 = tpu.vector_load %arg16[%get3A, %get3A_80] {strides = array<i32>} : memref<40x16xf32, #tpu.memory_space<vmem>>, vector<16xf32>,
        %get3A_82 = arith.index_cast %add3A_79 : i32 to index
        %get3A_83 = arith.constant 0 : index
        %get3A_84 = tpu.vector_load %arg17[%get3A_82, %get3A_83] {strides = array<i32>} : memref<40x16xf32, #tpu.memory_space<vmem>>, vector<16xf32>,
        %add3A_85 = arith.addf %get3A_81, %get3A_84 : vector<16xf32>
        %mul3A_86 = arith.constant 2.000000e-01 : f32
        %mul3A_87 = vector.broadcast %mul3A_86 : f32 to vector<16xf32>
        %mul3A_88 = arith.mulf %mul3A_87, %add3A_85 : vector<16xf32>
        %max3A = arith.maximumf %add3A_85, %mul3A_88 : vector<16xf32>
        %exp3A = math.exp %max3A : vector<16xf32>
        %swap3A = arith.index_cast %add3A_79 : i32 to index
        %swap3A_89 = arith.constant 0 : index
        %swap3A_90 = tpu.vector_load %arg18[%swap3A, %swap3A_89] {strides = array<i32>} : memref<40x16xf32, #tpu.memory_space<vmem>>, vector<16xf32>,
        tpu.vector_store %arg18[%swap3A, %swap3A_89], %exp3A {strides = array<i32>} : memref<40x16xf32, #tpu.memory_space<vmem>>, vector<16xf32>,
      }
      %scan3A_63 = arith.constant 40 : i32
      %eq3A_64 = arith.constant 0 : i32
      %eq3A_65 = arith.cmpi eq, %arg0, %eq3A_64 : i32
      %convert_element_type3A_66 = arith.extui %eq3A_65 : i1 to i32
      %cond3A_67 = arith.constant 0 : i32
      %cond3A_68 = arith.cmpi ne, %convert_element_type3A_66, %cond3A_67 : i32
      scf.if %cond3A_68 {
        %run_scoped3A_75 = arith.constant 0 : i32
        "tpu.region"() ({
          %run_scoped3A_81 = tpu.sem_alloc : memref<!tpu.dma_semaphore, #tpu.memory_space<semaphore_mem>>
          %dma_start3A_82 = arith.constant 0 : i32
          %dma_start3A_83 = tpu.memref_slice %arg14[%run_scoped3A_75, %dma_start3A_82] : memref<1x40xi32, #tpu.memory_space<vmem>> -> memref<1x40xi32, #tpu.memory_space<vmem>>
          %dma_start3A_84 = tpu.memref_squeeze %dma_start3A_83 : memref<1x40xi32, #tpu.memory_space<vmem>> -> memref<40xi32, #tpu.memory_space<vmem>>
          %dma_start3A_85 = arith.constant 0 : i32
          %dma_start3A_86 = arith.constant 0 : i32
          %dma_start3A_87 = tpu.memref_slice %arg6[%dma_start3A_85, %dma_start3A_86] : memref<10000x192xf32, #tpu.memory_space<hbm>> -> memref<10000x192xf32, #tpu.memory_space<hbm>>
          tpu.enqueue_indirect_dma source(%dma_start3A_87 : memref<10000x192xf32, #tpu.memory_space<hbm>>) target(%arg19 : memref<40x192xf32, #tpu.memory_space<vmem>>) offsets(%dma_start3A_84 : memref<40xi32, #tpu.memory_space<vmem>>) semaphore(%run_scoped3A_81 : memref<!tpu.dma_semaphore, #tpu.memory_space<semaphore_mem>>)
          %dma_wait3A_88 = arith.constant 0 : i32
          %dma_wait3A_89 = tpu.memref_slice %arg14[%run_scoped3A_75, %dma_wait3A_88] : memref<1x40xi32, #tpu.memory_space<vmem>> -> memref<1x40xi32, #tpu.memory_space<vmem>>
          %dma_wait3A_90 = tpu.memref_squeeze %dma_wait3A_89 : memref<1x40xi32, #tpu.memory_space<vmem>> -> memref<40xi32, #tpu.memory_space<vmem>>
          %dma_wait3A_91 = arith.constant 0 : i32
          %dma_wait3A_92 = arith.constant 0 : i32
          %dma_wait3A_93 = tpu.memref_slice %arg6[%dma_wait3A_91, %dma_wait3A_92] : memref<10000x192xf32, #tpu.memory_space<hbm>> -> memref<10000x192xf32, #tpu.memory_space<hbm>>
          tpu.wait_indirect_dma semaphore(%run_scoped3A_81 : memref<!tpu.dma_semaphore, #tpu.memory_space<semaphore_mem>>) src(%dma_wait3A_93 : memref<10000x192xf32, #tpu.memory_space<hbm>>) dst(%arg19 : memref<40x192xf32, #tpu.memory_space<vmem>>)
          tpu.yield
        }) : () -> ()
        %scan3A_76 = arith.constant 0 : i32
        %scan3A_77 = arith.constant 40 : i32
        %scan3A_78 = arith.addi %scan3A_76, %scan3A_77 : i32
        %scan3A_79 = arith.constant 1 : i32
        scf.for %scan3A_81 = %scan3A_76 to %scan3A_78 step %scan3A_79  : i32 {
          %mul3A_82 = arith.constant 1 : i32
          %mul3A_83 = arith.muli %scan3A_81, %mul3A_82 : i32
          %add3A_84 = arith.constant 0 : i32
          %add3A_85 = arith.addi %add3A_84, %mul3A_83 : i32
          %broadcast_in_dim3A = arith.constant 0 : i32
          %broadcast_in_dim3A_86 = vector.broadcast %broadcast_in_dim3A : i32 to vector<16xi32>
          %add3A_87 = vector.broadcast %add3A_85 : i32 to vector<16xi32>
          %add3A_88 = arith.addi %broadcast_in_dim3A_86, %add3A_87 : vector<16xi32>
          %broadcast_in_dim3A_89 = arith.constant 0 : i32
          %broadcast_in_dim3A_90 = vector.broadcast %broadcast_in_dim3A_89 : i32 to vector<16xi32>
          %gather3A = tpu.vector_load_idx %arg18[%add3A_88, %broadcast_in_dim3A_90] : memref<40x16xf32, #tpu.memory_space<vmem>>[vector<16xi32>, vector<16xi32>], vector<16xf32>,
          %broadcast_in_dim3A_91 = arith.constant 1 : i32
          %broadcast_in_dim3A_92 = vector.broadcast %broadcast_in_dim3A_91 : i32 to vector<16xi32>
          %gather3A_93 = tpu.vector_load_idx %arg18[%add3A_88, %broadcast_in_dim3A_92] : memref<40x16xf32, #tpu.memory_space<vmem>>[vector<16xi32>, vector<16xi32>], vector<16xf32>,
          %get3A = arith.index_cast %add3A_85 : i32 to index
          %get3A_94 = arith.constant 0 : index
          %get3A_95 = tpu.vector_load %arg19[%get3A, %get3A_94] {strides = array<i32>} : memref<40x192xf32, #tpu.memory_space<vmem>>, vector<16xf32>,
          %mul3A_96 = arith.mulf %get3A_95, %gather3A : vector<16xf32>
          %swap3A = arith.index_cast %add3A_85 : i32 to index
          %swap3A_97 = arith.constant 0 : index
          %swap3A_98 = tpu.vector_load %arg19[%swap3A, %swap3A_97] {strides = array<i32>} : memref<40x192xf32, #tpu.memory_space<vmem>>, vector<16xf32>,
          tpu.vector_store %arg19[%swap3A, %swap3A_97], %mul3A_96 {strides = array<i32>} : memref<40x192xf32, #tpu.memory_space<vmem>>, vector<16xf32>,
          %get3A_99 = arith.index_cast %add3A_85 : i32 to index
          %get3A_100 = arith.constant 16 : index
          %get3A_101 = tpu.vector_load %arg19[%get3A_99, %get3A_100] {strides = array<i32>} : memref<40x192xf32, #tpu.memory_space<vmem>>, vector<16xf32>,
          %mul3A_102 = arith.mulf %get3A_101, %gather3A : vector<16xf32>
          %swap3A_103 = arith.index_cast %add3A_85 : i32 to index
          %swap3A_104 = arith.constant 16 : index
          %swap3A_105 = tpu.vector_load %arg19[%swap3A_103, %swap3A_104] {strides = array<i32>} : memref<40x192xf32, #tpu.memory_space<vmem>>, vector<16xf32>,
          tpu.vector_store %arg19[%swap3A_103, %swap3A_104], %mul3A_102 {strides = array<i32>} : memref<40x192xf32, #tpu.memory_space<vmem>>, vector<16xf32>,
          %get3A_106 = arith.index_cast %add3A_85 : i32 to index
          %get3A_107 = arith.constant 32 : index
          %get3A_108 = tpu.vector_load %arg19[%get3A_106, %get3A_107] {strides = array<i32>} : memref<40x192xf32, #tpu.memory_space<vmem>>, vector<16xf32>,
          %mul3A_109 = arith.mulf %get3A_108, %gather3A : vector<16xf32>
          %swap3A_110 = arith.index_cast %add3A_85 : i32 to index
          %swap3A_111 = arith.constant 32 : index
          %swap3A_112 = tpu.vector_load %arg19[%swap3A_110, %swap3A_111] {strides = array<i32>} : memref<40x192xf32, #tpu.memory_space<vmem>>, vector<16xf32>,
          tpu.vector_store %arg19[%swap3A_110, %swap3A_111], %mul3A_109 {strides = array<i32>} : memref<40x192xf32, #tpu.memory_space<vmem>>, vector<16xf32>,
          %get3A_113 = arith.index_cast %add3A_85 : i32 to index
          %get3A_114 = arith.constant 48 : index
          %get3A_115 = tpu.vector_load %arg19[%get3A_113, %get3A_114] {strides = array<i32>} : memref<40x192xf32, #tpu.memory_space<vmem>>, vector<16xf32>,
          %mul3A_116 = arith.mulf %get3A_115, %gather3A : vector<16xf32>
          %swap3A_117 = arith.index_cast %add3A_85 : i32 to index
          %swap3A_118 = arith.constant 48 : index
          %swap3A_119 = tpu.vector_load %arg19[%swap3A_117, %swap3A_118] {strides = array<i32>} : memref<40x192xf32, #tpu.memory_space<vmem>>, vector<16xf32>,
          tpu.vector_store %arg19[%swap3A_117, %swap3A_118], %mul3A_116 {strides = array<i32>} : memref<40x192xf32, #tpu.memory_space<vmem>>, vector<16xf32>,
          %get3A_120 = arith.index_cast %add3A_85 : i32 to index
          %get3A_121 = arith.constant 64 : index
          %get3A_122 = tpu.vector_load %arg19[%get3A_120, %get3A_121] {strides = array<i32>} : memref<40x192xf32, #tpu.memory_space<vmem>>, vector<16xf32>,
          %mul3A_123 = arith.mulf %get3A_122, %gather3A : vector<16xf32>
          %swap3A_124 = arith.index_cast %add3A_85 : i32 to index
          %swap3A_125 = arith.constant 64 : index
          %swap3A_126 = tpu.vector_load %arg19[%swap3A_124, %swap3A_125] {strides = array<i32>} : memref<40x192xf32, #tpu.memory_space<vmem>>, vector<16xf32>,
          tpu.vector_store %arg19[%swap3A_124, %swap3A_125], %mul3A_123 {strides = array<i32>} : memref<40x192xf32, #tpu.memory_space<vmem>>, vector<16xf32>,
          %get3A_127 = arith.index_cast %add3A_85 : i32 to index
          %get3A_128 = arith.constant 80 : index
          %get3A_129 = tpu.vector_load %arg19[%get3A_127, %get3A_128] {strides = array<i32>} : memref<40x192xf32, #tpu.memory_space<vmem>>, vector<16xf32>,
          %mul3A_130 = arith.mulf %get3A_129, %gather3A : vector<16xf32>
          %swap3A_131 = arith.index_cast %add3A_85 : i32 to index
          %swap3A_132 = arith.constant 80 : index
          %swap3A_133 = tpu.vector_load %arg19[%swap3A_131, %swap3A_132] {strides = array<i32>} : memref<40x192xf32, #tpu.memory_space<vmem>>, vector<16xf32>,
          tpu.vector_store %arg19[%swap3A_131, %swap3A_132], %mul3A_130 {strides = array<i32>} : memref<40x192xf32, #tpu.memory_space<vmem>>, vector<16xf32>,
          %get3A_134 = arith.index_cast %add3A_85 : i32 to index
          %get3A_135 = arith.constant 96 : index
          %get3A_136 = tpu.vector_load %arg19[%get3A_134, %get3A_135] {strides = array<i32>} : memref<40x192xf32, #tpu.memory_space<vmem>>, vector<16xf32>,
          %mul3A_137 = arith.mulf %get3A_136, %gather3A : vector<16xf32>
          %swap3A_138 = arith.index_cast %add3A_85 : i32 to index
          %swap3A_139 = arith.constant 96 : index
          %swap3A_140 = tpu.vector_load %arg19[%swap3A_138, %swap3A_139] {strides = array<i32>} : memref<40x192xf32, #tpu.memory_space<vmem>>, vector<16xf32>,
          tpu.vector_store %arg19[%swap3A_138, %swap3A_139], %mul3A_137 {strides = array<i32>} : memref<40x192xf32, #tpu.memory_space<vmem>>, vector<16xf32>,
          %get3A_141 = arith.index_cast %add3A_85 : i32 to index
          %get3A_142 = arith.constant 112 : index
          %get3A_143 = tpu.vector_load %arg19[%get3A_141, %get3A_142] {strides = array<i32>} : memref<40x192xf32, #tpu.memory_space<vmem>>, vector<16xf32>,
          %mul3A_144 = arith.mulf %get3A_143, %gather3A : vector<16xf32>
          %swap3A_145 = arith.index_cast %add3A_85 : i32 to index
          %swap3A_146 = arith.constant 112 : index
          %swap3A_147 = tpu.vector_load %arg19[%swap3A_145, %swap3A_146] {strides = array<i32>} : memref<40x192xf32, #tpu.memory_space<vmem>>, vector<16xf32>,
          tpu.vector_store %arg19[%swap3A_145, %swap3A_146], %mul3A_144 {strides = array<i32>} : memref<40x192xf32, #tpu.memory_space<vmem>>, vector<16xf32>,
          %get3A_148 = arith.index_cast %add3A_85 : i32 to index
          %get3A_149 = arith.constant 128 : index
          %get3A_150 = tpu.vector_load %arg19[%get3A_148, %get3A_149] {strides = array<i32>} : memref<40x192xf32, #tpu.memory_space<vmem>>, vector<16xf32>,
          %mul3A_151 = arith.mulf %get3A_150, %gather3A_93 : vector<16xf32>
          %swap3A_152 = arith.index_cast %add3A_85 : i32 to index
          %swap3A_153 = arith.constant 128 : index
          %swap3A_154 = tpu.vector_load %arg19[%swap3A_152, %swap3A_153] {strides = array<i32>} : memref<40x192xf32, #tpu.memory_space<vmem>>, vector<16xf32>,
          tpu.vector_store %arg19[%swap3A_152, %swap3A_153], %mul3A_151 {strides = array<i32>} : memref<40x192xf32, #tpu.memory_space<vmem>>, vector<16xf32>,
          %get3A_155 = arith.index_cast %add3A_85 : i32 to index
          %get3A_156 = arith.constant 144 : index
          %get3A_157 = tpu.vector_load %arg19[%get3A_155, %get3A_156] {strides = array<i32>} : memref<40x192xf32, #tpu.memory_space<vmem>>, vector<16xf32>,
          %mul3A_158 = arith.mulf %get3A_157, %gather3A_93 : vector<16xf32>
          %swap3A_159 = arith.index_cast %add3A_85 : i32 to index
          %swap3A_160 = arith.constant 144 : index
          %swap3A_161 = tpu.vector_load %arg19[%swap3A_159, %swap3A_160] {strides = array<i32>} : memref<40x192xf32, #tpu.memory_space<vmem>>, vector<16xf32>,
          tpu.vector_store %arg19[%swap3A_159, %swap3A_160], %mul3A_158 {strides = array<i32>} : memref<40x192xf32, #tpu.memory_space<vmem>>, vector<16xf32>,
          %get3A_162 = arith.index_cast %add3A_85 : i32 to index
          %get3A_163 = arith.constant 160 : index
          %get3A_164 = tpu.vector_load %arg19[%get3A_162, %get3A_163] {strides = array<i32>} : memref<40x192xf32, #tpu.memory_space<vmem>>, vector<16xf32>,
          %mul3A_165 = arith.mulf %get3A_164, %gather3A_93 : vector<16xf32>
          %swap3A_166 = arith.index_cast %add3A_85 : i32 to index
          %swap3A_167 = arith.constant 160 : index
          %swap3A_168 = tpu.vector_load %arg19[%swap3A_166, %swap3A_167] {strides = array<i32>} : memref<40x192xf32, #tpu.memory_space<vmem>>, vector<16xf32>,
          tpu.vector_store %arg19[%swap3A_166, %swap3A_167], %mul3A_165 {strides = array<i32>} : memref<40x192xf32, #tpu.memory_space<vmem>>, vector<16xf32>,
          %get3A_169 = arith.index_cast %add3A_85 : i32 to index
          %get3A_170 = arith.constant 176 : index
          %get3A_171 = tpu.vector_load %arg19[%get3A_169, %get3A_170] {strides = array<i32>} : memref<40x192xf32, #tpu.memory_space<vmem>>, vector<16xf32>,
          %mul3A_172 = arith.mulf %get3A_171, %gather3A_93 : vector<16xf32>
          %swap3A_173 = arith.index_cast %add3A_85 : i32 to index
          %swap3A_174 = arith.constant 176 : index
          %swap3A_175 = tpu.vector_load %arg19[%swap3A_173, %swap3A_174] {strides = array<i32>} : memref<40x192xf32, #tpu.memory_space<vmem>>, vector<16xf32>,
          tpu.vector_store %arg19[%swap3A_173, %swap3A_174], %mul3A_172 {strides = array<i32>} : memref<40x192xf32, #tpu.memory_space<vmem>>, vector<16xf32>,
        }
        %scan3A_80 = arith.constant 40 : i32
      } else {
      }
      %eq3A_69 = arith.constant 1 : i32
      %eq3A_70 = arith.cmpi eq, %arg0, %eq3A_69 : i32
      %convert_element_type3A_71 = arith.extui %eq3A_70 : i1 to i32
      %cond3A_72 = arith.constant 0 : i32
      %cond3A_73 = arith.cmpi ne, %convert_element_type3A_71, %cond3A_72 : i32
      scf.if %cond3A_73 {
        %run_scoped3A_75 = arith.constant 0 : i32
        "tpu.region"() ({
          %run_scoped3A_81 = tpu.sem_alloc : memref<!tpu.dma_semaphore, #tpu.memory_space<semaphore_mem>>
          %dma_start3A_82 = arith.constant 0 : i32
          %dma_start3A_83 = tpu.memref_slice %arg14[%run_scoped3A_75, %dma_start3A_82] : memref<1x40xi32, #tpu.memory_space<vmem>> -> memref<1x40xi32, #tpu.memory_space<vmem>>
          %dma_start3A_84 = tpu.memref_squeeze %dma_start3A_83 : memref<1x40xi32, #tpu.memory_space<vmem>> -> memref<40xi32, #tpu.memory_space<vmem>>
          %dma_start3A_85 = arith.constant 0 : i32
          %dma_start3A_86 = arith.constant 0 : i32
          %dma_start3A_87 = tpu.memref_slice %arg7[%dma_start3A_85, %dma_start3A_86] : memref<10000x192xf32, #tpu.memory_space<hbm>> -> memref<10000x192xf32, #tpu.memory_space<hbm>>
          tpu.enqueue_indirect_dma source(%dma_start3A_87 : memref<10000x192xf32, #tpu.memory_space<hbm>>) target(%arg19 : memref<40x192xf32, #tpu.memory_space<vmem>>) offsets(%dma_start3A_84 : memref<40xi32, #tpu.memory_space<vmem>>) semaphore(%run_scoped3A_81 : memref<!tpu.dma_semaphore, #tpu.memory_space<semaphore_mem>>)
          %dma_wait3A_88 = arith.constant 0 : i32
          %dma_wait3A_89 = tpu.memref_slice %arg14[%run_scoped3A_75, %dma_wait3A_88] : memref<1x40xi32, #tpu.memory_space<vmem>> -> memref<1x40xi32, #tpu.memory_space<vmem>>
          %dma_wait3A_90 = tpu.memref_squeeze %dma_wait3A_89 : memref<1x40xi32, #tpu.memory_space<vmem>> -> memref<40xi32, #tpu.memory_space<vmem>>
          %dma_wait3A_91 = arith.constant 0 : i32
          %dma_wait3A_92 = arith.constant 0 : i32
          %dma_wait3A_93 = tpu.memref_slice %arg7[%dma_wait3A_91, %dma_wait3A_92] : memref<10000x192xf32, #tpu.memory_space<hbm>> -> memref<10000x192xf32, #tpu.memory_space<hbm>>
          tpu.wait_indirect_dma semaphore(%run_scoped3A_81 : memref<!tpu.dma_semaphore, #tpu.memory_space<semaphore_mem>>) src(%dma_wait3A_93 : memref<10000x192xf32, #tpu.memory_space<hbm>>) dst(%arg19 : memref<40x192xf32, #tpu.memory_space<vmem>>)
          tpu.yield
        }) : () -> ()
        %scan3A_76 = arith.constant 0 : i32
        %scan3A_77 = arith.constant 40 : i32
        %scan3A_78 = arith.addi %scan3A_76, %scan3A_77 : i32
        %scan3A_79 = arith.constant 1 : i32
        scf.for %scan3A_81 = %scan3A_76 to %scan3A_78 step %scan3A_79  : i32 {
          %mul3A_82 = arith.constant 1 : i32
          %mul3A_83 = arith.muli %scan3A_81, %mul3A_82 : i32
          %add3A_84 = arith.constant 0 : i32
          %add3A_85 = arith.addi %add3A_84, %mul3A_83 : i32
          %broadcast_in_dim3A = arith.constant 0 : i32
          %broadcast_in_dim3A_86 = vector.broadcast %broadcast_in_dim3A : i32 to vector<16xi32>
          %add3A_87 = vector.broadcast %add3A_85 : i32 to vector<16xi32>
          %add3A_88 = arith.addi %broadcast_in_dim3A_86, %add3A_87 : vector<16xi32>
          %broadcast_in_dim3A_89 = arith.constant 1 : i32
          %broadcast_in_dim3A_90 = vector.broadcast %broadcast_in_dim3A_89 : i32 to vector<16xi32>
          %gather3A = tpu.vector_load_idx %arg18[%add3A_88, %broadcast_in_dim3A_90] : memref<40x16xf32, #tpu.memory_space<vmem>>[vector<16xi32>, vector<16xi32>], vector<16xf32>,
          %broadcast_in_dim3A_91 = arith.constant 2 : i32
          %broadcast_in_dim3A_92 = vector.broadcast %broadcast_in_dim3A_91 : i32 to vector<16xi32>
          %gather3A_93 = tpu.vector_load_idx %arg18[%add3A_88, %broadcast_in_dim3A_92] : memref<40x16xf32, #tpu.memory_space<vmem>>[vector<16xi32>, vector<16xi32>], vector<16xf32>,
          %get3A = arith.index_cast %add3A_85 : i32 to index
          %get3A_94 = arith.constant 0 : index
          %get3A_95 = tpu.vector_load %arg19[%get3A, %get3A_94] {strides = array<i32>} : memref<40x192xf32, #tpu.memory_space<vmem>>, vector<16xf32>,
          %mul3A_96 = arith.mulf %get3A_95, %gather3A : vector<16xf32>
          %swap3A = arith.index_cast %add3A_85 : i32 to index
          %swap3A_97 = arith.constant 0 : index
          %swap3A_98 = tpu.vector_load %arg19[%swap3A, %swap3A_97] {strides = array<i32>} : memref<40x192xf32, #tpu.memory_space<vmem>>, vector<16xf32>,
          tpu.vector_store %arg19[%swap3A, %swap3A_97], %mul3A_96 {strides = array<i32>} : memref<40x192xf32, #tpu.memory_space<vmem>>, vector<16xf32>,
          %get3A_99 = arith.index_cast %add3A_85 : i32 to index
          %get3A_100 = arith.constant 16 : index
          %get3A_101 = tpu.vector_load %arg19[%get3A_99, %get3A_100] {strides = array<i32>} : memref<40x192xf32, #tpu.memory_space<vmem>>, vector<16xf32>,
          %mul3A_102 = arith.mulf %get3A_101, %gather3A : vector<16xf32>
          %swap3A_103 = arith.index_cast %add3A_85 : i32 to index
          %swap3A_104 = arith.constant 16 : index
          %swap3A_105 = tpu.vector_load %arg19[%swap3A_103, %swap3A_104] {strides = array<i32>} : memref<40x192xf32, #tpu.memory_space<vmem>>, vector<16xf32>,
          tpu.vector_store %arg19[%swap3A_103, %swap3A_104], %mul3A_102 {strides = array<i32>} : memref<40x192xf32, #tpu.memory_space<vmem>>, vector<16xf32>,
          %get3A_106 = arith.index_cast %add3A_85 : i32 to index
          %get3A_107 = arith.constant 32 : index
          %get3A_108 = tpu.vector_load %arg19[%get3A_106, %get3A_107] {strides = array<i32>} : memref<40x192xf32, #tpu.memory_space<vmem>>, vector<16xf32>,
          %mul3A_109 = arith.mulf %get3A_108, %gather3A : vector<16xf32>
          %swap3A_110 = arith.index_cast %add3A_85 : i32 to index
          %swap3A_111 = arith.constant 32 : index
          %swap3A_112 = tpu.vector_load %arg19[%swap3A_110, %swap3A_111] {strides = array<i32>} : memref<40x192xf32, #tpu.memory_space<vmem>>, vector<16xf32>,
          tpu.vector_store %arg19[%swap3A_110, %swap3A_111], %mul3A_109 {strides = array<i32>} : memref<40x192xf32, #tpu.memory_space<vmem>>, vector<16xf32>,
          %get3A_113 = arith.index_cast %add3A_85 : i32 to index
          %get3A_114 = arith.constant 48 : index
          %get3A_115 = tpu.vector_load %arg19[%get3A_113, %get3A_114] {strides = array<i32>} : memref<40x192xf32, #tpu.memory_space<vmem>>, vector<16xf32>,
          %mul3A_116 = arith.mulf %get3A_115, %gather3A : vector<16xf32>
          %swap3A_117 = arith.index_cast %add3A_85 : i32 to index
          %swap3A_118 = arith.constant 48 : index
          %swap3A_119 = tpu.vector_load %arg19[%swap3A_117, %swap3A_118] {strides = array<i32>} : memref<40x192xf32, #tpu.memory_space<vmem>>, vector<16xf32>,
          tpu.vector_store %arg19[%swap3A_117, %swap3A_118], %mul3A_116 {strides = array<i32>} : memref<40x192xf32, #tpu.memory_space<vmem>>, vector<16xf32>,
          %get3A_120 = arith.index_cast %add3A_85 : i32 to index
          %get3A_121 = arith.constant 64 : index
          %get3A_122 = tpu.vector_load %arg19[%get3A_120, %get3A_121] {strides = array<i32>} : memref<40x192xf32, #tpu.memory_space<vmem>>, vector<16xf32>,
          %mul3A_123 = arith.mulf %get3A_122, %gather3A_93 : vector<16xf32>
          %swap3A_124 = arith.index_cast %add3A_85 : i32 to index
          %swap3A_125 = arith.constant 64 : index
          %swap3A_126 = tpu.vector_load %arg19[%swap3A_124, %swap3A_125] {strides = array<i32>} : memref<40x192xf32, #tpu.memory_space<vmem>>, vector<16xf32>,
          tpu.vector_store %arg19[%swap3A_124, %swap3A_125], %mul3A_123 {strides = array<i32>} : memref<40x192xf32, #tpu.memory_space<vmem>>, vector<16xf32>,
          %get3A_127 = arith.index_cast %add3A_85 : i32 to index
          %get3A_128 = arith.constant 80 : index
          %get3A_129 = tpu.vector_load %arg19[%get3A_127, %get3A_128] {strides = array<i32>} : memref<40x192xf32, #tpu.memory_space<vmem>>, vector<16xf32>,
          %mul3A_130 = arith.mulf %get3A_129, %gather3A_93 : vector<16xf32>
          %swap3A_131 = arith.index_cast %add3A_85 : i32 to index
          %swap3A_132 = arith.constant 80 : index
          %swap3A_133 = tpu.vector_load %arg19[%swap3A_131, %swap3A_132] {strides = array<i32>} : memref<40x192xf32, #tpu.memory_space<vmem>>, vector<16xf32>,
          tpu.vector_store %arg19[%swap3A_131, %swap3A_132], %mul3A_130 {strides = array<i32>} : memref<40x192xf32, #tpu.memory_space<vmem>>, vector<16xf32>,
          %get3A_134 = arith.index_cast %add3A_85 : i32 to index
          %get3A_135 = arith.constant 96 : index
          %get3A_136 = tpu.vector_load %arg19[%get3A_134, %get3A_135] {strides = array<i32>} : memref<40x192xf32, #tpu.memory_space<vmem>>, vector<16xf32>,
          %mul3A_137 = arith.mulf %get3A_136, %gather3A_93 : vector<16xf32>
          %swap3A_138 = arith.index_cast %add3A_85 : i32 to index
          %swap3A_139 = arith.constant 96 : index
          %swap3A_140 = tpu.vector_load %arg19[%swap3A_138, %swap3A_139] {strides = array<i32>} : memref<40x192xf32, #tpu.memory_space<vmem>>, vector<16xf32>,
          tpu.vector_store %arg19[%swap3A_138, %swap3A_139], %mul3A_137 {strides = array<i32>} : memref<40x192xf32, #tpu.memory_space<vmem>>, vector<16xf32>,
          %get3A_141 = arith.index_cast %add3A_85 : i32 to index
          %get3A_142 = arith.constant 112 : index
          %get3A_143 = tpu.vector_load %arg19[%get3A_141, %get3A_142] {strides = array<i32>} : memref<40x192xf32, #tpu.memory_space<vmem>>, vector<16xf32>,
          %mul3A_144 = arith.mulf %get3A_143, %gather3A_93 : vector<16xf32>
          %swap3A_145 = arith.index_cast %add3A_85 : i32 to index
          %swap3A_146 = arith.constant 112 : index
          %swap3A_147 = tpu.vector_load %arg19[%swap3A_145, %swap3A_146] {strides = array<i32>} : memref<40x192xf32, #tpu.memory_space<vmem>>, vector<16xf32>,
          tpu.vector_store %arg19[%swap3A_145, %swap3A_146], %mul3A_144 {strides = array<i32>} : memref<40x192xf32, #tpu.memory_space<vmem>>, vector<16xf32>,
          %get3A_148 = arith.index_cast %add3A_85 : i32 to index
          %get3A_149 = arith.constant 128 : index
          %get3A_150 = tpu.vector_load %arg19[%get3A_148, %get3A_149] {strides = array<i32>} : memref<40x192xf32, #tpu.memory_space<vmem>>, vector<16xf32>,
          %mul3A_151 = arith.mulf %get3A_150, %gather3A_93 : vector<16xf32>
          %swap3A_152 = arith.index_cast %add3A_85 : i32 to index
          %swap3A_153 = arith.constant 128 : index
          %swap3A_154 = tpu.vector_load %arg19[%swap3A_152, %swap3A_153] {strides = array<i32>} : memref<40x192xf32, #tpu.memory_space<vmem>>, vector<16xf32>,
          tpu.vector_store %arg19[%swap3A_152, %swap3A_153], %mul3A_151 {strides = array<i32>} : memref<40x192xf32, #tpu.memory_space<vmem>>, vector<16xf32>,
          %get3A_155 = arith.index_cast %add3A_85 : i32 to index
          %get3A_156 = arith.constant 144 : index
          %get3A_157 = tpu.vector_load %arg19[%get3A_155, %get3A_156] {strides = array<i32>} : memref<40x192xf32, #tpu.memory_space<vmem>>, vector<16xf32>,
          %mul3A_158 = arith.mulf %get3A_157, %gather3A_93 : vector<16xf32>
          %swap3A_159 = arith.index_cast %add3A_85 : i32 to index
          %swap3A_160 = arith.constant 144 : index
          %swap3A_161 = tpu.vector_load %arg19[%swap3A_159, %swap3A_160] {strides = array<i32>} : memref<40x192xf32, #tpu.memory_space<vmem>>, vector<16xf32>,
          tpu.vector_store %arg19[%swap3A_159, %swap3A_160], %mul3A_158 {strides = array<i32>} : memref<40x192xf32, #tpu.memory_space<vmem>>, vector<16xf32>,
          %get3A_162 = arith.index_cast %add3A_85 : i32 to index
          %get3A_163 = arith.constant 160 : index
          %get3A_164 = tpu.vector_load %arg19[%get3A_162, %get3A_163] {strides = array<i32>} : memref<40x192xf32, #tpu.memory_space<vmem>>, vector<16xf32>,
          %mul3A_165 = arith.mulf %get3A_164, %gather3A_93 : vector<16xf32>
          %swap3A_166 = arith.index_cast %add3A_85 : i32 to index
          %swap3A_167 = arith.constant 160 : index
          %swap3A_168 = tpu.vector_load %arg19[%swap3A_166, %swap3A_167] {strides = array<i32>} : memref<40x192xf32, #tpu.memory_space<vmem>>, vector<16xf32>,
          tpu.vector_store %arg19[%swap3A_166, %swap3A_167], %mul3A_165 {strides = array<i32>} : memref<40x192xf32, #tpu.memory_space<vmem>>, vector<16xf32>,
          %get3A_169 = arith.index_cast %add3A_85 : i32 to index
          %get3A_170 = arith.constant 176 : index
          %get3A_171 = tpu.vector_load %arg19[%get3A_169, %get3A_170] {strides = array<i32>} : memref<40x192xf32, #tpu.memory_space<vmem>>, vector<16xf32>,
          %mul3A_172 = arith.mulf %get3A_171, %gather3A_93 : vector<16xf32>
          %swap3A_173 = arith.index_cast %add3A_85 : i32 to index
          %swap3A_174 = arith.constant 176 : index
          %swap3A_175 = tpu.vector_load %arg19[%swap3A_173, %swap3A_174] {strides = array<i32>} : memref<40x192xf32, #tpu.memory_space<vmem>>, vector<16xf32>,
          tpu.vector_store %arg19[%swap3A_173, %swap3A_174], %mul3A_172 {strides = array<i32>} : memref<40x192xf32, #tpu.memory_space<vmem>>, vector<16xf32>,
        }
        %scan3A_80 = arith.constant 40 : i32
      } else {
      }
      %run_scoped3A_74 = arith.constant 0 : i32
      "tpu.region"() ({
        %run_scoped3A_75 = tpu.sem_alloc : memref<!tpu.dma_semaphore, #tpu.memory_space<semaphore_mem>>
        %dma_start3A_76 = arith.constant 0 : i32
        %dma_start3A_77 = tpu.memref_slice %arg15[%run_scoped3A_74, %dma_start3A_76] : memref<1x40xi32, #tpu.memory_space<vmem>> -> memref<1x40xi32, #tpu.memory_space<vmem>>
        %dma_start3A_78 = tpu.memref_squeeze %dma_start3A_77 : memref<1x40xi32, #tpu.memory_space<vmem>> -> memref<40xi32, #tpu.memory_space<vmem>>
        %dma_start3A_79 = arith.constant 0 : i32
        %dma_start3A_80 = arith.constant 0 : i32
        %dma_start3A_81 = tpu.memref_slice %arg20[%dma_start3A_79, %dma_start3A_80] : memref<10000x192xf32, #tpu.memory_space<vmem_shared>> -> memref<10000x192xf32, #tpu.memory_space<vmem_shared>>
        tpu.enqueue_indirect_dma source(%arg19 : memref<40x192xf32, #tpu.memory_space<vmem>>) target(%dma_start3A_81 : memref<10000x192xf32, #tpu.memory_space<vmem_shared>>) offsets(%dma_start3A_78 : memref<40xi32, #tpu.memory_space<vmem>>) semaphore(%run_scoped3A_75 : memref<!tpu.dma_semaphore, #tpu.memory_space<semaphore_mem>>) {add = true}
        %dma_wait3A_82 = arith.constant 0 : i32
        %dma_wait3A_83 = tpu.memref_slice %arg15[%run_scoped3A_74, %dma_wait3A_82] : memref<1x40xi32, #tpu.memory_space<vmem>> -> memref<1x40xi32, #tpu.memory_space<vmem>>
        %dma_wait3A_84 = tpu.memref_squeeze %dma_wait3A_83 : memref<1x40xi32, #tpu.memory_space<vmem>> -> memref<40xi32, #tpu.memory_space<vmem>>
        %dma_wait3A_85 = arith.constant 0 : i32
        %dma_wait3A_86 = arith.constant 0 : i32
        %dma_wait3A_87 = tpu.memref_slice %arg20[%dma_wait3A_85, %dma_wait3A_86] : memref<10000x192xf32, #tpu.memory_space<vmem_shared>> -> memref<10000x192xf32, #tpu.memory_space<vmem_shared>>
        tpu.wait_indirect_dma semaphore(%run_scoped3A_75 : memref<!tpu.dma_semaphore, #tpu.memory_space<semaphore_mem>>) src(%arg19 : memref<40x192xf32, #tpu.memory_space<vmem>>) dst(%dma_wait3A_87 : memref<10000x192xf32, #tpu.memory_space<vmem_shared>>)
        tpu.yield
      }) : () -> ()
    }
    %scan3A_13 = arith.constant 500 : i32
    %barrier3A_14 = arith.constant 0 : index
    tpu.barrier barrier_id(%barrier3A_14)
    %eq3A_15 = arith.constant 0 : i32
    %eq3A_16 = arith.cmpi eq, %arg0, %eq3A_15 : i32
    %convert_element_type3A_17 = arith.extui %eq3A_16 : i1 to i32
    %cond3A_18 = arith.constant 0 : i32
    %cond3A_19 = arith.cmpi ne, %convert_element_type3A_17, %cond3A_18 : i32
    scf.if %cond3A_19 {
      "tpu.region"() ({
        %run_scoped3A = tpu.sem_alloc : memref<!tpu.dma_semaphore, #tpu.memory_space<semaphore_mem>>
        %dma_start3A = arith.constant 0 : i32
        %dma_start3A_25 = tpu.memref_slice %arg11[%mul3A_0, %dma_start3A] : memref<10000x192xf32, #tpu.memory_space<hbm>> -> memref<625x192xf32, #tpu.memory_space<hbm>>
        %dma_start3A_26 = arith.constant 0 : i32
        %dma_start3A_27 = tpu.memref_slice %arg20[%mul3A_0, %dma_start3A_26] : memref<10000x192xf32, #tpu.memory_space<vmem_shared>> -> memref<625x192xf32, #tpu.memory_space<vmem_shared>>
        tpu.enqueue_dma source(%dma_start3A_27 : memref<625x192xf32, #tpu.memory_space<vmem_shared>>) target(%dma_start3A_25 : memref<625x192xf32, #tpu.memory_space<hbm>>) target_semaphore(%run_scoped3A : memref<!tpu.dma_semaphore, #tpu.memory_space<semaphore_mem>>)
        %dma_wait3A = arith.constant 0 : i32
        %dma_wait3A_28 = tpu.memref_slice %arg11[%mul3A_0, %dma_wait3A] : memref<10000x192xf32, #tpu.memory_space<hbm>> -> memref<625x192xf32, #tpu.memory_space<hbm>>
        %dma_wait3A_29 = arith.constant 0 : i32
        %dma_wait3A_30 = tpu.memref_slice %arg20[%mul3A_0, %dma_wait3A_29] : memref<10000x192xf32, #tpu.memory_space<vmem_shared>> -> memref<625x192xf32, #tpu.memory_space<vmem_shared>>
        tpu.wait_dma2 semaphore(%run_scoped3A : memref<!tpu.dma_semaphore, #tpu.memory_space<semaphore_mem>>) src(%dma_wait3A_30 : memref<625x192xf32, #tpu.memory_space<vmem_shared>>) dst(%dma_wait3A_28 : memref<625x192xf32, #tpu.memory_space<hbm>>)
        tpu.yield
      }) : () -> ()
    } else {
    }
    %eq3A_20 = arith.constant 1 : i32
    %eq3A_21 = arith.cmpi eq, %arg0, %eq3A_20 : i32
    %convert_element_type3A_22 = arith.extui %eq3A_21 : i1 to i32
    %cond3A_23 = arith.constant 0 : i32
    %cond3A_24 = arith.cmpi ne, %convert_element_type3A_22, %cond3A_23 : i32
    scf.if %cond3A_24 {
      "tpu.region"() ({
        %run_scoped3A = tpu.sem_alloc : memref<!tpu.dma_semaphore, #tpu.memory_space<semaphore_mem>>
        %dma_start3A = arith.constant 0 : i32
        %dma_start3A_25 = tpu.memref_slice %arg12[%mul3A_0, %dma_start3A] : memref<10000x192xf32, #tpu.memory_space<hbm>> -> memref<625x192xf32, #tpu.memory_space<hbm>>
        %dma_start3A_26 = arith.constant 0 : i32
        %dma_start3A_27 = tpu.memref_slice %arg20[%mul3A_0, %dma_start3A_26] : memref<10000x192xf32, #tpu.memory_space<vmem_shared>> -> memref<625x192xf32, #tpu.memory_space<vmem_shared>>
        tpu.enqueue_dma source(%dma_start3A_27 : memref<625x192xf32, #tpu.memory_space<vmem_shared>>) target(%dma_start3A_25 : memref<625x192xf32, #tpu.memory_space<hbm>>) target_semaphore(%run_scoped3A : memref<!tpu.dma_semaphore, #tpu.memory_space<semaphore_mem>>)
        %dma_wait3A = arith.constant 0 : i32
        %dma_wait3A_28 = tpu.memref_slice %arg12[%mul3A_0, %dma_wait3A] : memref<10000x192xf32, #tpu.memory_space<hbm>> -> memref<625x192xf32, #tpu.memory_space<hbm>>
        %dma_wait3A_29 = arith.constant 0 : i32
        %dma_wait3A_30 = tpu.memref_slice %arg20[%mul3A_0, %dma_wait3A_29] : memref<10000x192xf32, #tpu.memory_space<vmem_shared>> -> memref<625x192xf32, #tpu.memory_space<vmem_shared>>
        tpu.wait_dma2 semaphore(%run_scoped3A : memref<!tpu.dma_semaphore, #tpu.memory_space<semaphore_mem>>) src(%dma_wait3A_30 : memref<625x192xf32, #tpu.memory_space<vmem_shared>>) dst(%dma_wait3A_28 : memref<625x192xf32, #tpu.memory_space<hbm>>)
        tpu.yield
      }) : () -> ()
    } else {
    }
    return
  }
}

#map = affine_map<(d0, d1) -> (0, 0)>
#map1 = affine_map<(d0, d1) -> (0)>
module attributes {stable_mosaic.version = 14 : i64} {
  func.func @_bbox_body(%arg0: i32, %arg1: i32, %arg2: memref<10000x128xf32, #tpu.memory_space<hbm>>, %arg3: memref<1024xi32, #tpu.memory_space<hbm>>, %arg4: memref<1024x128xf32, #tpu.memory_space<hbm>>, %arg5: memref<1x32xi32, #tpu.memory_space<vmem>>, %arg6: memref<32x128xf32, #tpu.memory_space<vmem>>, %arg7: memref<!tpu.dma_semaphore, #tpu.memory_space<semaphore_mem>>) attributes {dimension_semantics = [#tpu.dimension_semantics<core_parallel>, #tpu.dimension_semantics<subcore_parallel>], iteration_bounds = array<i64: 2, 16>, scalar_prefetch = 0 : i64, scratch_operands = 3 : i64, tpu.core_type = #tpu.core_type<sc_vector_subcore>, window_params = [{transform_indices = #map}, {transform_indices = #map1}, {transform_indices = #map}]} {
    %mul3A = arith.constant 2 : i32
    %mul3A_0 = arith.muli %arg1, %mul3A : i32
    %add3A = arith.addi %mul3A_0, %arg0 : i32
    %mul3A_1 = arith.constant 32 : i32
    %mul3A_2 = arith.muli %add3A, %mul3A_1 : i32
    %run_scoped3A = arith.constant 0 : i32
    "tpu.region"() ({
      %run_scoped3A_15 = tpu.sem_alloc : memref<!tpu.dma_semaphore, #tpu.memory_space<semaphore_mem>>
      %dma_start3A_16 = arith.constant 0 : i32
      %dma_start3A_17 = tpu.memref_slice %arg5[%run_scoped3A, %dma_start3A_16] : memref<1x32xi32, #tpu.memory_space<vmem>> -> memref<1x32xi32, #tpu.memory_space<vmem>>
      %dma_start3A_18 = tpu.memref_squeeze %dma_start3A_17 : memref<1x32xi32, #tpu.memory_space<vmem>> -> memref<32xi32, #tpu.memory_space<vmem>>
      %dma_start3A_19 = tpu.memref_slice %arg3[%mul3A_2] : memref<1024xi32, #tpu.memory_space<hbm>> -> memref<32xi32, #tpu.memory_space<hbm>>
      %dma_start3A_20 = arith.constant 0 : i32
      %dma_start3A_21 = tpu.memref_slice %arg5[%run_scoped3A, %dma_start3A_20] : memref<1x32xi32, #tpu.memory_space<vmem>> -> memref<1x32xi32, #tpu.memory_space<vmem>>
      %dma_start3A_22 = tpu.memref_squeeze %dma_start3A_21 : memref<1x32xi32, #tpu.memory_space<vmem>> -> memref<32xi32, #tpu.memory_space<vmem>>
      %dma_start3A_23 = tpu.memref_slice %arg3[%mul3A_2] : memref<1024xi32, #tpu.memory_space<hbm>> -> memref<32xi32, #tpu.memory_space<hbm>>
      tpu.enqueue_dma source(%dma_start3A_23 : memref<32xi32, #tpu.memory_space<hbm>>) target(%dma_start3A_22 : memref<32xi32, #tpu.memory_space<vmem>>) target_semaphore(%run_scoped3A_15 : memref<!tpu.dma_semaphore, #tpu.memory_space<semaphore_mem>>)
      %dma_wait3A_24 = arith.constant 0 : i32
      %dma_wait3A_25 = tpu.memref_slice %arg5[%run_scoped3A, %dma_wait3A_24] : memref<1x32xi32, #tpu.memory_space<vmem>> -> memref<1x32xi32, #tpu.memory_space<vmem>>
      %dma_wait3A_26 = tpu.memref_squeeze %dma_wait3A_25 : memref<1x32xi32, #tpu.memory_space<vmem>> -> memref<32xi32, #tpu.memory_space<vmem>>
      %dma_wait3A_27 = tpu.memref_slice %arg3[%mul3A_2] : memref<1024xi32, #tpu.memory_space<hbm>> -> memref<32xi32, #tpu.memory_space<hbm>>
      %dma_wait3A_28 = arith.constant 0 : i32
      %dma_wait3A_29 = tpu.memref_slice %arg5[%run_scoped3A, %dma_wait3A_28] : memref<1x32xi32, #tpu.memory_space<vmem>> -> memref<1x32xi32, #tpu.memory_space<vmem>>
      %dma_wait3A_30 = tpu.memref_squeeze %dma_wait3A_29 : memref<1x32xi32, #tpu.memory_space<vmem>> -> memref<32xi32, #tpu.memory_space<vmem>>
      %dma_wait3A_31 = tpu.memref_slice %arg3[%mul3A_2] : memref<1024xi32, #tpu.memory_space<hbm>> -> memref<32xi32, #tpu.memory_space<hbm>>
      tpu.wait_dma2 semaphore(%run_scoped3A_15 : memref<!tpu.dma_semaphore, #tpu.memory_space<semaphore_mem>>) src(%dma_wait3A_31 : memref<32xi32, #tpu.memory_space<hbm>>) dst(%dma_wait3A_30 : memref<32xi32, #tpu.memory_space<vmem>>)
      tpu.yield
    }) : () -> ()
    %dma_start3A = arith.constant 0 : i32
    %dma_start3A_3 = arith.constant 0 : i32
    %dma_start3A_4 = tpu.memref_slice %arg5[%dma_start3A, %dma_start3A_3] : memref<1x32xi32, #tpu.memory_space<vmem>> -> memref<1x32xi32, #tpu.memory_space<vmem>>
    %dma_start3A_5 = tpu.memref_squeeze %dma_start3A_4 : memref<1x32xi32, #tpu.memory_space<vmem>> -> memref<32xi32, #tpu.memory_space<vmem>>
    %dma_start3A_6 = arith.constant 0 : i32
    %dma_start3A_7 = arith.constant 0 : i32
    %dma_start3A_8 = tpu.memref_slice %arg2[%dma_start3A_6, %dma_start3A_7] : memref<10000x128xf32, #tpu.memory_space<hbm>> -> memref<10000x128xf32, #tpu.memory_space<hbm>>
    tpu.enqueue_indirect_dma source(%dma_start3A_8 : memref<10000x128xf32, #tpu.memory_space<hbm>>) target(%arg6 : memref<32x128xf32, #tpu.memory_space<vmem>>) offsets(%dma_start3A_5 : memref<32xi32, #tpu.memory_space<vmem>>) semaphore(%arg7 : memref<!tpu.dma_semaphore, #tpu.memory_space<semaphore_mem>>)
    %dma_wait3A = arith.constant 0 : i32
    %dma_wait3A_9 = arith.constant 0 : i32
    %dma_wait3A_10 = tpu.memref_slice %arg5[%dma_wait3A, %dma_wait3A_9] : memref<1x32xi32, #tpu.memory_space<vmem>> -> memref<1x32xi32, #tpu.memory_space<vmem>>
    %dma_wait3A_11 = tpu.memref_squeeze %dma_wait3A_10 : memref<1x32xi32, #tpu.memory_space<vmem>> -> memref<32xi32, #tpu.memory_space<vmem>>
    %dma_wait3A_12 = arith.constant 0 : i32
    %dma_wait3A_13 = arith.constant 0 : i32
    %dma_wait3A_14 = tpu.memref_slice %arg2[%dma_wait3A_12, %dma_wait3A_13] : memref<10000x128xf32, #tpu.memory_space<hbm>> -> memref<10000x128xf32, #tpu.memory_space<hbm>>
    tpu.wait_indirect_dma semaphore(%arg7 : memref<!tpu.dma_semaphore, #tpu.memory_space<semaphore_mem>>) src(%dma_wait3A_14 : memref<10000x128xf32, #tpu.memory_space<hbm>>) dst(%arg6 : memref<32x128xf32, #tpu.memory_space<vmem>>)
    "tpu.region"() ({
      %run_scoped3A_15 = tpu.sem_alloc : memref<!tpu.dma_semaphore, #tpu.memory_space<semaphore_mem>>
      %dma_start3A_16 = arith.constant 0 : i32
      %dma_start3A_17 = tpu.memref_slice %arg4[%mul3A_2, %dma_start3A_16] : memref<1024x128xf32, #tpu.memory_space<hbm>> -> memref<32x128xf32, #tpu.memory_space<hbm>>
      %dma_start3A_18 = arith.constant 0 : i32
      %dma_start3A_19 = tpu.memref_slice %arg4[%mul3A_2, %dma_start3A_18] : memref<1024x128xf32, #tpu.memory_space<hbm>> -> memref<32x128xf32, #tpu.memory_space<hbm>>
      tpu.enqueue_dma source(%arg6 : memref<32x128xf32, #tpu.memory_space<vmem>>) target(%dma_start3A_19 : memref<32x128xf32, #tpu.memory_space<hbm>>) target_semaphore(%run_scoped3A_15 : memref<!tpu.dma_semaphore, #tpu.memory_space<semaphore_mem>>)
      %dma_wait3A_20 = arith.constant 0 : i32
      %dma_wait3A_21 = tpu.memref_slice %arg4[%mul3A_2, %dma_wait3A_20] : memref<1024x128xf32, #tpu.memory_space<hbm>> -> memref<32x128xf32, #tpu.memory_space<hbm>>
      %dma_wait3A_22 = arith.constant 0 : i32
      %dma_wait3A_23 = tpu.memref_slice %arg4[%mul3A_2, %dma_wait3A_22] : memref<1024x128xf32, #tpu.memory_space<hbm>> -> memref<32x128xf32, #tpu.memory_space<hbm>>
      tpu.wait_dma2 semaphore(%run_scoped3A_15 : memref<!tpu.dma_semaphore, #tpu.memory_space<semaphore_mem>>) src(%arg6 : memref<32x128xf32, #tpu.memory_space<vmem>>) dst(%dma_wait3A_23 : memref<32x128xf32, #tpu.memory_space<hbm>>)
      tpu.yield
    }) : () -> ()
    return
  }
}

module attributes {stable_mosaic.version = 14 : i64} {
  func.func @_prep_body(%arg0: i32, %arg1: memref<400x128xf32, #tpu.memory_space<vmem>>, %arg2: memref<128x320xf32, #tpu.memory_space<vmem>>, %arg3: memref<320x16xf32, #tpu.memory_space<vmem>>, %arg4: memref<320x16xf32, #tpu.memory_space<vmem>>, %arg5: memref<400x160xf32, #tpu.memory_space<vmem>>, %arg6: memref<400x160xf32, #tpu.memory_space<vmem>>, %arg7: memref<400x16xf32, #tpu.memory_space<vmem>>, %arg8: memref<400x16xf32, #tpu.memory_space<vmem>>, %arg9: memref<400x160xf32, #tpu.memory_space<vmem>>, %arg10: memref<400x160xf32, #tpu.memory_space<vmem>>, %arg11: memref<400x16xf32, #tpu.memory_space<vmem>>) attributes {dimension_semantics = [#tpu.dimension_semantics<arbitrary>], iteration_bounds = array<i64: 25>, scalar_prefetch = 0 : i64, scratch_operands = 0 : i64, tpu.core_type = #tpu.core_type<tc>, window_params = [{transform_indices = @transform_0, window_bounds = array<i64: 400, 128>}, {pipeline_mode = #tpu.pipeline_mode<synchronous>, transform_indices = @transform_1, window_bounds = array<i64: 128, 320>}, {pipeline_mode = #tpu.pipeline_mode<synchronous>, transform_indices = @transform_2, window_bounds = array<i64: 320, 16>}, {pipeline_mode = #tpu.pipeline_mode<synchronous>, transform_indices = @transform_3, window_bounds = array<i64: 320, 16>}, {transform_indices = @transform_4, window_bounds = array<i64: 400, 160>}, {transform_indices = @transform_5, window_bounds = array<i64: 400, 160>}, {transform_indices = @transform_6, window_bounds = array<i64: 400, 16>}, {transform_indices = @transform_7, window_bounds = array<i64: 400, 16>}, {transform_indices = @transform_8, window_bounds = array<i64: 400, 160>}, {transform_indices = @transform_9, window_bounds = array<i64: 400, 160>}, {transform_indices = @transform_10, window_bounds = array<i64: 400, 16>}]} {
    %get3A = arith.constant 0 : index
    %get3A_0 = arith.constant 0 : index
    %get3A_1 = vector.load %arg1[%get3A, %get3A_0] : memref<400x128xf32, #tpu.memory_space<vmem>>, vector<400x128xf32>
    %get3A_2 = arith.constant 0 : index
    %get3A_3 = arith.constant 0 : index
    %get3A_4 = vector.load %arg2[%get3A_2, %get3A_3] : memref<128x320xf32, #tpu.memory_space<vmem>>, vector<128x320xf32>
    %dot_general3A = arith.constant dense<0.000000e+00> : vector<400x320xf32>
    %dot_general3A_5 = tpu.matmul %get3A_1, %get3A_4, %dot_general3A {dimension_numbers = #tpu.dot_dimension_numbers<[1], [0], [0], [1], [0, 0, 1, 1], [], []>, precision = #tpu.contract_precision<fp32>, transpose_lhs_hint = false} : vector<400x128xf32>, vector<128x320xf32>, vector<400x320xf32> -> vector<400x320xf32>
    %get3A_6 = arith.constant 0 : index
    %get3A_7 = arith.constant 0 : index
    %get3A_8 = vector.load %arg3[%get3A_6, %get3A_7] : memref<320x16xf32, #tpu.memory_space<vmem>>, vector<320x16xf32>
    %dot_general3A_9 = arith.constant dense<0.000000e+00> : vector<400x16xf32>
    %dot_general3A_10 = tpu.matmul %dot_general3A_5, %get3A_8, %dot_general3A_9 {dimension_numbers = #tpu.dot_dimension_numbers<[1], [0], [0], [1], [0, 0, 1, 1], [], []>, precision = #tpu.contract_precision<fp32>, transpose_lhs_hint = false} : vector<400x320xf32>, vector<320x16xf32>, vector<400x16xf32> -> vector<400x16xf32>
    %get3A_11 = arith.constant 0 : index
    %get3A_12 = arith.constant 0 : index
    %get3A_13 = vector.load %arg4[%get3A_11, %get3A_12] : memref<320x16xf32, #tpu.memory_space<vmem>>, vector<320x16xf32>
    %dot_general3A_14 = arith.constant dense<0.000000e+00> : vector<400x16xf32>
    %dot_general3A_15 = tpu.matmul %dot_general3A_5, %get3A_13, %dot_general3A_14 {dimension_numbers = #tpu.dot_dimension_numbers<[1], [0], [0], [1], [0, 0, 1, 1], [], []>, precision = #tpu.contract_precision<fp32>, transpose_lhs_hint = false} : vector<400x320xf32>, vector<320x16xf32>, vector<400x16xf32> -> vector<400x16xf32>
    %add3A = arith.addf %dot_general3A_10, %dot_general3A_15 : vector<400x16xf32>
    %mul3A = arith.constant 2.000000e-01 : f32
    %mul3A_16 = vector.broadcast %mul3A : f32 to vector<400x16xf32>
    %mul3A_17 = arith.mulf %mul3A_16, %add3A : vector<400x16xf32>
    %max3A = arith.maximumf %add3A, %mul3A_17 : vector<400x16xf32>
    %exp3A = math.exp %max3A : vector<400x16xf32>
    %swap3A = arith.constant 0 : index
    %swap3A_18 = arith.constant 0 : index
    %swap3A_19 = vector.load %arg7[%swap3A, %swap3A_18] : memref<400x16xf32, #tpu.memory_space<vmem>>, vector<400x16xf32>
    tpu.vector_store %arg7[%swap3A, %swap3A_18], %dot_general3A_10 {strides = array<i32>} : memref<400x16xf32, #tpu.memory_space<vmem>>, vector<400x16xf32>,
    %swap3A_20 = arith.constant 0 : index
    %swap3A_21 = arith.constant 0 : index
    %swap3A_22 = vector.load %arg8[%swap3A_20, %swap3A_21] : memref<400x16xf32, #tpu.memory_space<vmem>>, vector<400x16xf32>
    tpu.vector_store %arg8[%swap3A_20, %swap3A_21], %dot_general3A_15 {strides = array<i32>} : memref<400x16xf32, #tpu.memory_space<vmem>>, vector<400x16xf32>,
    %swap3A_23 = arith.constant 0 : index
    %swap3A_24 = arith.constant 0 : index
    %swap3A_25 = vector.load %arg11[%swap3A_23, %swap3A_24] : memref<400x16xf32, #tpu.memory_space<vmem>>, vector<400x16xf32>
    tpu.vector_store %arg11[%swap3A_23, %swap3A_24], %exp3A {strides = array<i32>} : memref<400x16xf32, #tpu.memory_space<vmem>>, vector<400x16xf32>,
    %slice3A = vector.extract_strided_slice %dot_general3A_5 {offsets = [0, 0], sizes = [400, 160], strides = [1, 1]} : vector<400x320xf32> to vector<400x160xf32>
    %swap3A_26 = arith.constant 0 : index
    %swap3A_27 = arith.constant 0 : index
    %swap3A_28 = vector.load %arg5[%swap3A_26, %swap3A_27] : memref<400x160xf32, #tpu.memory_space<vmem>>, vector<400x160xf32>
    tpu.vector_store %arg5[%swap3A_26, %swap3A_27], %slice3A {strides = array<i32>} : memref<400x160xf32, #tpu.memory_space<vmem>>, vector<400x160xf32>,
    %slice3A_29 = vector.extract_strided_slice %dot_general3A_5 {offsets = [0, 160], sizes = [400, 160], strides = [1, 1]} : vector<400x320xf32> to vector<400x160xf32>
    %swap3A_30 = arith.constant 0 : index
    %swap3A_31 = arith.constant 0 : index
    %swap3A_32 = vector.load %arg6[%swap3A_30, %swap3A_31] : memref<400x160xf32, #tpu.memory_space<vmem>>, vector<400x160xf32>
    tpu.vector_store %arg6[%swap3A_30, %swap3A_31], %slice3A_29 {strides = array<i32>} : memref<400x160xf32, #tpu.memory_space<vmem>>, vector<400x160xf32>,
    %slice3A_33 = vector.extract_strided_slice %dot_general3A_5 {offsets = [0, 0], sizes = [400, 64], strides = [1, 1]} : vector<400x320xf32> to vector<400x64xf32>
    %slice3A_34 = vector.extract_strided_slice %exp3A {offsets = [0, 0], sizes = [400, 1], strides = [1, 1]} : vector<400x16xf32> to vector<400x1xf32>
    %mul3A_35 = vector.broadcast %slice3A_34 : vector<400x1xf32> to vector<400x64xf32>
    %mul3A_36 = arith.mulf %slice3A_33, %mul3A_35 : vector<400x64xf32>
    %slice3A_37 = vector.extract_strided_slice %dot_general3A_5 {offsets = [0, 64], sizes = [400, 64], strides = [1, 1]} : vector<400x320xf32> to vector<400x64xf32>
    %slice3A_38 = vector.extract_strided_slice %exp3A {offsets = [0, 1], sizes = [400, 1], strides = [1, 1]} : vector<400x16xf32> to vector<400x1xf32>
    %mul3A_39 = vector.broadcast %slice3A_38 : vector<400x1xf32> to vector<400x64xf32>
    %mul3A_40 = arith.mulf %slice3A_37, %mul3A_39 : vector<400x64xf32>
    %slice3A_41 = vector.extract_strided_slice %dot_general3A_5 {offsets = [0, 128], sizes = [400, 64], strides = [1, 1]} : vector<400x320xf32> to vector<400x64xf32>
    %slice3A_42 = vector.extract_strided_slice %exp3A {offsets = [0, 2], sizes = [400, 1], strides = [1, 1]} : vector<400x16xf32> to vector<400x1xf32>
    %mul3A_43 = vector.broadcast %slice3A_42 : vector<400x1xf32> to vector<400x64xf32>
    %mul3A_44 = arith.mulf %slice3A_41, %mul3A_43 : vector<400x64xf32>
    %slice3A_45 = vector.extract_strided_slice %dot_general3A_5 {offsets = [0, 192], sizes = [400, 64], strides = [1, 1]} : vector<400x320xf32> to vector<400x64xf32>
    %slice3A_46 = vector.extract_strided_slice %exp3A {offsets = [0, 3], sizes = [400, 1], strides = [1, 1]} : vector<400x16xf32> to vector<400x1xf32>
    %mul3A_47 = vector.broadcast %slice3A_46 : vector<400x1xf32> to vector<400x64xf32>
    %mul3A_48 = arith.mulf %slice3A_45, %mul3A_47 : vector<400x64xf32>
    %slice3A_49 = vector.extract_strided_slice %dot_general3A_5 {offsets = [0, 256], sizes = [400, 64], strides = [1, 1]} : vector<400x320xf32> to vector<400x64xf32>
    %slice3A_50 = vector.extract_strided_slice %exp3A {offsets = [0, 4], sizes = [400, 1], strides = [1, 1]} : vector<400x16xf32> to vector<400x1xf32>
    %mul3A_51 = vector.broadcast %slice3A_50 : vector<400x1xf32> to vector<400x64xf32>
    %mul3A_52 = arith.mulf %slice3A_49, %mul3A_51 : vector<400x64xf32>
    %concatenate3A = tpu.concatenate %mul3A_36, %mul3A_40, %mul3A_44, %mul3A_48, %mul3A_52 in 1 : vector<400x64xf32>, vector<400x64xf32>, vector<400x64xf32>, vector<400x64xf32>, vector<400x64xf32> -> vector<400x320xf32>
    %slice3A_53 = vector.extract_strided_slice %concatenate3A {offsets = [0, 0], sizes = [400, 160], strides = [1, 1]} : vector<400x320xf32> to vector<400x160xf32>
    %swap3A_54 = arith.constant 0 : index
    %swap3A_55 = arith.constant 0 : index
    %swap3A_56 = vector.load %arg9[%swap3A_54, %swap3A_55] : memref<400x160xf32, #tpu.memory_space<vmem>>, vector<400x160xf32>
    tpu.vector_store %arg9[%swap3A_54, %swap3A_55], %slice3A_53 {strides = array<i32>} : memref<400x160xf32, #tpu.memory_space<vmem>>, vector<400x160xf32>,
    %slice3A_57 = vector.extract_strided_slice %concatenate3A {offsets = [0, 160], sizes = [400, 160], strides = [1, 1]} : vector<400x320xf32> to vector<400x160xf32>
    %swap3A_58 = arith.constant 0 : index
    %swap3A_59 = arith.constant 0 : index
    %swap3A_60 = vector.load %arg10[%swap3A_58, %swap3A_59] : memref<400x160xf32, #tpu.memory_space<vmem>>, vector<400x160xf32>
    tpu.vector_store %arg10[%swap3A_58, %swap3A_59], %slice3A_57 {strides = array<i32>} : memref<400x160xf32, #tpu.memory_space<vmem>>, vector<400x160xf32>,
    return
  }
  func.func @transform_0(%arg0: i32) -> (i32, i32) {
    %c0_i32 = arith.constant 0 : i32
    %c0_i32_0 = arith.constant 0 : i32
    return %arg0, %c0_i32 : i32, i32
  }
  func.func @transform_1(%arg0: i32) -> (i32, i32) {
    %c0_i32 = arith.constant 0 : i32
    %c0_i32_0 = arith.constant 0 : i32
    %c0_i32_1 = arith.constant 0 : i32
    return %c0_i32, %c0_i32_0 : i32, i32
  }
  func.func @transform_2(%arg0: i32) -> (i32, i32) {
    %c0_i32 = arith.constant 0 : i32
    %c0_i32_0 = arith.constant 0 : i32
    %c0_i32_1 = arith.constant 0 : i32
    return %c0_i32, %c0_i32_0 : i32, i32
  }
  func.func @transform_3(%arg0: i32) -> (i32, i32) {
    %c0_i32 = arith.constant 0 : i32
    %c0_i32_0 = arith.constant 0 : i32
    %c0_i32_1 = arith.constant 0 : i32
    return %c0_i32, %c0_i32_0 : i32, i32
  }
  func.func @transform_4(%arg0: i32) -> (i32, i32) {
    %c0_i32 = arith.constant 0 : i32
    %c0_i32_0 = arith.constant 0 : i32
    return %arg0, %c0_i32 : i32, i32
  }
  func.func @transform_5(%arg0: i32) -> (i32, i32) {
    %c0_i32 = arith.constant 0 : i32
    %c0_i32_0 = arith.constant 0 : i32
    return %arg0, %c0_i32 : i32, i32
  }
  func.func @transform_6(%arg0: i32) -> (i32, i32) {
    %c0_i32 = arith.constant 0 : i32
    %c0_i32_0 = arith.constant 0 : i32
    return %arg0, %c0_i32 : i32, i32
  }
  func.func @transform_7(%arg0: i32) -> (i32, i32) {
    %c0_i32 = arith.constant 0 : i32
    %c0_i32_0 = arith.constant 0 : i32
    return %arg0, %c0_i32 : i32, i32
  }
  func.func @transform_8(%arg0: i32) -> (i32, i32) {
    %c0_i32 = arith.constant 0 : i32
    %c0_i32_0 = arith.constant 0 : i32
    return %arg0, %c0_i32 : i32, i32
  }
  func.func @transform_9(%arg0: i32) -> (i32, i32) {
    %c0_i32 = arith.constant 0 : i32
    %c0_i32_0 = arith.constant 0 : i32
    return %arg0, %c0_i32 : i32, i32
  }
  func.func @transform_10(%arg0: i32) -> (i32, i32) {
    %c0_i32 = arith.constant 0 : i32
    %c0_i32_0 = arith.constant 0 : i32
    return %arg0, %c0_i32 : i32, i32
  }
}

module attributes {stable_mosaic.version = 14 : i64} {
  func.func @_norm1_body(%arg0: i32, %arg1: memref<400x160xf32, #tpu.memory_space<vmem>>, %arg2: memref<400x160xf32, #tpu.memory_space<vmem>>, %arg3: memref<400x16xf32, #tpu.memory_space<vmem>>, %arg4: memref<1x320xf32, #tpu.memory_space<vmem>>, %arg5: memref<400x320xf32, #tpu.memory_space<vmem>>) attributes {dimension_semantics = [#tpu.dimension_semantics<arbitrary>], iteration_bounds = array<i64: 25>, scalar_prefetch = 0 : i64, scratch_operands = 0 : i64, tpu.core_type = #tpu.core_type<tc>, window_params = [{transform_indices = @transform_0, window_bounds = array<i64: 400, 160>}, {transform_indices = @transform_1, window_bounds = array<i64: 400, 160>}, {transform_indices = @transform_2, window_bounds = array<i64: 400, 16>}, {pipeline_mode = #tpu.pipeline_mode<synchronous>, transform_indices = @transform_3, window_bounds = array<i64: 1, 320>}, {transform_indices = @transform_4, window_bounds = array<i64: 400, 320>}]} {
    %get3A = arith.constant 0 : index
    %get3A_0 = arith.constant 0 : index
    %get3A_1 = vector.load %arg1[%get3A, %get3A_0] : memref<400x160xf32, #tpu.memory_space<vmem>>, vector<400x160xf32>
    %get3A_2 = arith.constant 0 : index
    %get3A_3 = arith.constant 0 : index
    %get3A_4 = vector.load %arg2[%get3A_2, %get3A_3] : memref<400x160xf32, #tpu.memory_space<vmem>>, vector<400x160xf32>
    %concatenate3A = tpu.concatenate %get3A_1, %get3A_4 in 1 : vector<400x160xf32>, vector<400x160xf32> -> vector<400x320xf32>
    %get3A_5 = arith.constant 0 : index
    %get3A_6 = arith.constant 0 : index
    %get3A_7 = vector.load %arg3[%get3A_5, %get3A_6] : memref<400x16xf32, #tpu.memory_space<vmem>>, vector<400x16xf32>
    %slice3A = vector.extract_strided_slice %concatenate3A {offsets = [0, 0], sizes = [400, 64], strides = [1, 1]} : vector<400x320xf32> to vector<400x64xf32>
    %slice3A_8 = vector.extract_strided_slice %get3A_7 {offsets = [0, 0], sizes = [400, 1], strides = [1, 1]} : vector<400x16xf32> to vector<400x1xf32>
    %add3A = arith.constant 1.000000e-16 : f32
    %add3A_9 = vector.broadcast %add3A : f32 to vector<400x1xf32>
    %add3A_10 = arith.addf %slice3A_8, %add3A_9 : vector<400x1xf32>
    %div3A = vector.broadcast %add3A_10 : vector<400x1xf32> to vector<400x64xf32>
    %div3A_11 = arith.divf %slice3A, %div3A : vector<400x64xf32>
    %slice3A_12 = vector.extract_strided_slice %concatenate3A {offsets = [0, 64], sizes = [400, 64], strides = [1, 1]} : vector<400x320xf32> to vector<400x64xf32>
    %slice3A_13 = vector.extract_strided_slice %get3A_7 {offsets = [0, 1], sizes = [400, 1], strides = [1, 1]} : vector<400x16xf32> to vector<400x1xf32>
    %add3A_14 = arith.constant 1.000000e-16 : f32
    %add3A_15 = vector.broadcast %add3A_14 : f32 to vector<400x1xf32>
    %add3A_16 = arith.addf %slice3A_13, %add3A_15 : vector<400x1xf32>
    %div3A_17 = vector.broadcast %add3A_16 : vector<400x1xf32> to vector<400x64xf32>
    %div3A_18 = arith.divf %slice3A_12, %div3A_17 : vector<400x64xf32>
    %slice3A_19 = vector.extract_strided_slice %concatenate3A {offsets = [0, 128], sizes = [400, 64], strides = [1, 1]} : vector<400x320xf32> to vector<400x64xf32>
    %slice3A_20 = vector.extract_strided_slice %get3A_7 {offsets = [0, 2], sizes = [400, 1], strides = [1, 1]} : vector<400x16xf32> to vector<400x1xf32>
    %add3A_21 = arith.constant 1.000000e-16 : f32
    %add3A_22 = vector.broadcast %add3A_21 : f32 to vector<400x1xf32>
    %add3A_23 = arith.addf %slice3A_20, %add3A_22 : vector<400x1xf32>
    %div3A_24 = vector.broadcast %add3A_23 : vector<400x1xf32> to vector<400x64xf32>
    %div3A_25 = arith.divf %slice3A_19, %div3A_24 : vector<400x64xf32>
    %slice3A_26 = vector.extract_strided_slice %concatenate3A {offsets = [0, 192], sizes = [400, 64], strides = [1, 1]} : vector<400x320xf32> to vector<400x64xf32>
    %slice3A_27 = vector.extract_strided_slice %get3A_7 {offsets = [0, 3], sizes = [400, 1], strides = [1, 1]} : vector<400x16xf32> to vector<400x1xf32>
    %add3A_28 = arith.constant 1.000000e-16 : f32
    %add3A_29 = vector.broadcast %add3A_28 : f32 to vector<400x1xf32>
    %add3A_30 = arith.addf %slice3A_27, %add3A_29 : vector<400x1xf32>
    %div3A_31 = vector.broadcast %add3A_30 : vector<400x1xf32> to vector<400x64xf32>
    %div3A_32 = arith.divf %slice3A_26, %div3A_31 : vector<400x64xf32>
    %slice3A_33 = vector.extract_strided_slice %concatenate3A {offsets = [0, 256], sizes = [400, 64], strides = [1, 1]} : vector<400x320xf32> to vector<400x64xf32>
    %slice3A_34 = vector.extract_strided_slice %get3A_7 {offsets = [0, 4], sizes = [400, 1], strides = [1, 1]} : vector<400x16xf32> to vector<400x1xf32>
    %add3A_35 = arith.constant 1.000000e-16 : f32
    %add3A_36 = vector.broadcast %add3A_35 : f32 to vector<400x1xf32>
    %add3A_37 = arith.addf %slice3A_34, %add3A_36 : vector<400x1xf32>
    %div3A_38 = vector.broadcast %add3A_37 : vector<400x1xf32> to vector<400x64xf32>
    %div3A_39 = arith.divf %slice3A_33, %div3A_38 : vector<400x64xf32>
    %concatenate3A_40 = tpu.concatenate %div3A_11, %div3A_18, %div3A_25, %div3A_32, %div3A_39 in 1 : vector<400x64xf32>, vector<400x64xf32>, vector<400x64xf32>, vector<400x64xf32>, vector<400x64xf32> -> vector<400x320xf32>
    %get3A_41 = arith.constant 0 : index
    %get3A_42 = arith.constant 0 : index
    %get3A_43 = vector.load %arg4[%get3A_41, %get3A_42] : memref<1x320xf32, #tpu.memory_space<vmem>>, vector<1x320xf32>
    %add3A_44 = vector.broadcast %get3A_43 : vector<1x320xf32> to vector<400x320xf32>
    %add3A_45 = arith.addf %concatenate3A_40, %add3A_44 : vector<400x320xf32>
    %mul3A = arith.constant 0.00999999977 : f32
    %mul3A_46 = vector.broadcast %mul3A : f32 to vector<400x320xf32>
    %mul3A_47 = arith.mulf %mul3A_46, %add3A_45 : vector<400x320xf32>
    %max3A = arith.maximumf %add3A_45, %mul3A_47 : vector<400x320xf32>
    %swap3A = arith.constant 0 : index
    %swap3A_48 = arith.constant 0 : index
    %swap3A_49 = vector.load %arg5[%swap3A, %swap3A_48] : memref<400x320xf32, #tpu.memory_space<vmem>>, vector<400x320xf32>
    tpu.vector_store %arg5[%swap3A, %swap3A_48], %max3A {strides = array<i32>} : memref<400x320xf32, #tpu.memory_space<vmem>>, vector<400x320xf32>,
    return
  }
  func.func @transform_0(%arg0: i32) -> (i32, i32) {
    %c0_i32 = arith.constant 0 : i32
    %c0_i32_0 = arith.constant 0 : i32
    return %arg0, %c0_i32 : i32, i32
  }
  func.func @transform_1(%arg0: i32) -> (i32, i32) {
    %c0_i32 = arith.constant 0 : i32
    %c0_i32_0 = arith.constant 0 : i32
    return %arg0, %c0_i32 : i32, i32
  }
  func.func @transform_2(%arg0: i32) -> (i32, i32) {
    %c0_i32 = arith.constant 0 : i32
    %c0_i32_0 = arith.constant 0 : i32
    return %arg0, %c0_i32 : i32, i32
  }
  func.func @transform_3(%arg0: i32) -> (i32, i32) {
    %c0_i32 = arith.constant 0 : i32
    %c0_i32_0 = arith.constant 0 : i32
    %c0_i32_1 = arith.constant 0 : i32
    return %c0_i32, %c0_i32_0 : i32, i32
  }
  func.func @transform_4(%arg0: i32) -> (i32, i32) {
    %c0_i32 = arith.constant 0 : i32
    %c0_i32_0 = arith.constant 0 : i32
    return %arg0, %c0_i32 : i32, i32
  }
}

module attributes {stable_mosaic.version = 14 : i64} {
  func.func @_prep_body(%arg0: i32, %arg1: memref<400x320xf32, #tpu.memory_space<vmem>>, %arg2: memref<320x384xf32, #tpu.memory_space<vmem>>, %arg3: memref<384x16xf32, #tpu.memory_space<vmem>>, %arg4: memref<384x16xf32, #tpu.memory_space<vmem>>, %arg5: memref<400x192xf32, #tpu.memory_space<vmem>>, %arg6: memref<400x192xf32, #tpu.memory_space<vmem>>, %arg7: memref<400x16xf32, #tpu.memory_space<vmem>>, %arg8: memref<400x16xf32, #tpu.memory_space<vmem>>, %arg9: memref<400x192xf32, #tpu.memory_space<vmem>>, %arg10: memref<400x192xf32, #tpu.memory_space<vmem>>, %arg11: memref<400x16xf32, #tpu.memory_space<vmem>>) attributes {dimension_semantics = [#tpu.dimension_semantics<arbitrary>], iteration_bounds = array<i64: 25>, scalar_prefetch = 0 : i64, scratch_operands = 0 : i64, tpu.core_type = #tpu.core_type<tc>, window_params = [{transform_indices = @transform_0, window_bounds = array<i64: 400, 320>}, {pipeline_mode = #tpu.pipeline_mode<synchronous>, transform_indices = @transform_1, window_bounds = array<i64: 320, 384>}, {pipeline_mode = #tpu.pipeline_mode<synchronous>, transform_indices = @transform_2, window_bounds = array<i64: 384, 16>}, {pipeline_mode = #tpu.pipeline_mode<synchronous>, transform_indices = @transform_3, window_bounds = array<i64: 384, 16>}, {transform_indices = @transform_4, window_bounds = array<i64: 400, 192>}, {transform_indices = @transform_5, window_bounds = array<i64: 400, 192>}, {transform_indices = @transform_6, window_bounds = array<i64: 400, 16>}, {transform_indices = @transform_7, window_bounds = array<i64: 400, 16>}, {transform_indices = @transform_8, window_bounds = array<i64: 400, 192>}, {transform_indices = @transform_9, window_bounds = array<i64: 400, 192>}, {transform_indices = @transform_10, window_bounds = array<i64: 400, 16>}]} {
    %get3A = arith.constant 0 : index
    %get3A_0 = arith.constant 0 : index
    %get3A_1 = vector.load %arg1[%get3A, %get3A_0] : memref<400x320xf32, #tpu.memory_space<vmem>>, vector<400x320xf32>
    %get3A_2 = arith.constant 0 : index
    %get3A_3 = arith.constant 0 : index
    %get3A_4 = vector.load %arg2[%get3A_2, %get3A_3] : memref<320x384xf32, #tpu.memory_space<vmem>>, vector<320x384xf32>
    %dot_general3A = arith.constant dense<0.000000e+00> : vector<400x384xf32>
    %dot_general3A_5 = tpu.matmul %get3A_1, %get3A_4, %dot_general3A {dimension_numbers = #tpu.dot_dimension_numbers<[1], [0], [0], [1], [0, 0, 1, 1], [], []>, precision = #tpu.contract_precision<fp32>, transpose_lhs_hint = false} : vector<400x320xf32>, vector<320x384xf32>, vector<400x384xf32> -> vector<400x384xf32>
    %get3A_6 = arith.constant 0 : index
    %get3A_7 = arith.constant 0 : index
    %get3A_8 = vector.load %arg3[%get3A_6, %get3A_7] : memref<384x16xf32, #tpu.memory_space<vmem>>, vector<384x16xf32>
    %dot_general3A_9 = arith.constant dense<0.000000e+00> : vector<400x16xf32>
    %dot_general3A_10 = tpu.matmul %dot_general3A_5, %get3A_8, %dot_general3A_9 {dimension_numbers = #tpu.dot_dimension_numbers<[1], [0], [0], [1], [0, 0, 1, 1], [], []>, precision = #tpu.contract_precision<fp32>, transpose_lhs_hint = false} : vector<400x384xf32>, vector<384x16xf32>, vector<400x16xf32> -> vector<400x16xf32>
    %get3A_11 = arith.constant 0 : index
    %get3A_12 = arith.constant 0 : index
    %get3A_13 = vector.load %arg4[%get3A_11, %get3A_12] : memref<384x16xf32, #tpu.memory_space<vmem>>, vector<384x16xf32>
    %dot_general3A_14 = arith.constant dense<0.000000e+00> : vector<400x16xf32>
    %dot_general3A_15 = tpu.matmul %dot_general3A_5, %get3A_13, %dot_general3A_14 {dimension_numbers = #tpu.dot_dimension_numbers<[1], [0], [0], [1], [0, 0, 1, 1], [], []>, precision = #tpu.contract_precision<fp32>, transpose_lhs_hint = false} : vector<400x384xf32>, vector<384x16xf32>, vector<400x16xf32> -> vector<400x16xf32>
    %add3A = arith.addf %dot_general3A_10, %dot_general3A_15 : vector<400x16xf32>
    %mul3A = arith.constant 2.000000e-01 : f32
    %mul3A_16 = vector.broadcast %mul3A : f32 to vector<400x16xf32>
    %mul3A_17 = arith.mulf %mul3A_16, %add3A : vector<400x16xf32>
    %max3A = arith.maximumf %add3A, %mul3A_17 : vector<400x16xf32>
    %exp3A = math.exp %max3A : vector<400x16xf32>
    %swap3A = arith.constant 0 : index
    %swap3A_18 = arith.constant 0 : index
    %swap3A_19 = vector.load %arg7[%swap3A, %swap3A_18] : memref<400x16xf32, #tpu.memory_space<vmem>>, vector<400x16xf32>
    tpu.vector_store %arg7[%swap3A, %swap3A_18], %dot_general3A_10 {strides = array<i32>} : memref<400x16xf32, #tpu.memory_space<vmem>>, vector<400x16xf32>,
    %swap3A_20 = arith.constant 0 : index
    %swap3A_21 = arith.constant 0 : index
    %swap3A_22 = vector.load %arg8[%swap3A_20, %swap3A_21] : memref<400x16xf32, #tpu.memory_space<vmem>>, vector<400x16xf32>
    tpu.vector_store %arg8[%swap3A_20, %swap3A_21], %dot_general3A_15 {strides = array<i32>} : memref<400x16xf32, #tpu.memory_space<vmem>>, vector<400x16xf32>,
    %swap3A_23 = arith.constant 0 : index
    %swap3A_24 = arith.constant 0 : index
    %swap3A_25 = vector.load %arg11[%swap3A_23, %swap3A_24] : memref<400x16xf32, #tpu.memory_space<vmem>>, vector<400x16xf32>
    tpu.vector_store %arg11[%swap3A_23, %swap3A_24], %exp3A {strides = array<i32>} : memref<400x16xf32, #tpu.memory_space<vmem>>, vector<400x16xf32>,
    %slice3A = vector.extract_strided_slice %dot_general3A_5 {offsets = [0, 0], sizes = [400, 192], strides = [1, 1]} : vector<400x384xf32> to vector<400x192xf32>
    %swap3A_26 = arith.constant 0 : index
    %swap3A_27 = arith.constant 0 : index
    %swap3A_28 = vector.load %arg5[%swap3A_26, %swap3A_27] : memref<400x192xf32, #tpu.memory_space<vmem>>, vector<400x192xf32>
    tpu.vector_store %arg5[%swap3A_26, %swap3A_27], %slice3A {strides = array<i32>} : memref<400x192xf32, #tpu.memory_space<vmem>>, vector<400x192xf32>,
    %slice3A_29 = vector.extract_strided_slice %dot_general3A_5 {offsets = [0, 192], sizes = [400, 192], strides = [1, 1]} : vector<400x384xf32> to vector<400x192xf32>
    %swap3A_30 = arith.constant 0 : index
    %swap3A_31 = arith.constant 0 : index
    %swap3A_32 = vector.load %arg6[%swap3A_30, %swap3A_31] : memref<400x192xf32, #tpu.memory_space<vmem>>, vector<400x192xf32>
    tpu.vector_store %arg6[%swap3A_30, %swap3A_31], %slice3A_29 {strides = array<i32>} : memref<400x192xf32, #tpu.memory_space<vmem>>, vector<400x192xf32>,
    %slice3A_33 = vector.extract_strided_slice %dot_general3A_5 {offsets = [0, 0], sizes = [400, 128], strides = [1, 1]} : vector<400x384xf32> to vector<400x128xf32>
    %slice3A_34 = vector.extract_strided_slice %exp3A {offsets = [0, 0], sizes = [400, 1], strides = [1, 1]} : vector<400x16xf32> to vector<400x1xf32>
    %mul3A_35 = vector.broadcast %slice3A_34 : vector<400x1xf32> to vector<400x128xf32>
    %mul3A_36 = arith.mulf %slice3A_33, %mul3A_35 : vector<400x128xf32>
    %slice3A_37 = vector.extract_strided_slice %dot_general3A_5 {offsets = [0, 128], sizes = [400, 128], strides = [1, 1]} : vector<400x384xf32> to vector<400x128xf32>
    %slice3A_38 = vector.extract_strided_slice %exp3A {offsets = [0, 1], sizes = [400, 1], strides = [1, 1]} : vector<400x16xf32> to vector<400x1xf32>
    %mul3A_39 = vector.broadcast %slice3A_38 : vector<400x1xf32> to vector<400x128xf32>
    %mul3A_40 = arith.mulf %slice3A_37, %mul3A_39 : vector<400x128xf32>
    %slice3A_41 = vector.extract_strided_slice %dot_general3A_5 {offsets = [0, 256], sizes = [400, 128], strides = [1, 1]} : vector<400x384xf32> to vector<400x128xf32>
    %slice3A_42 = vector.extract_strided_slice %exp3A {offsets = [0, 2], sizes = [400, 1], strides = [1, 1]} : vector<400x16xf32> to vector<400x1xf32>
    %mul3A_43 = vector.broadcast %slice3A_42 : vector<400x1xf32> to vector<400x128xf32>
    %mul3A_44 = arith.mulf %slice3A_41, %mul3A_43 : vector<400x128xf32>
    %concatenate3A = tpu.concatenate %mul3A_36, %mul3A_40, %mul3A_44 in 1 : vector<400x128xf32>, vector<400x128xf32>, vector<400x128xf32> -> vector<400x384xf32>
    %slice3A_45 = vector.extract_strided_slice %concatenate3A {offsets = [0, 0], sizes = [400, 192], strides = [1, 1]} : vector<400x384xf32> to vector<400x192xf32>
    %swap3A_46 = arith.constant 0 : index
    %swap3A_47 = arith.constant 0 : index
    %swap3A_48 = vector.load %arg9[%swap3A_46, %swap3A_47] : memref<400x192xf32, #tpu.memory_space<vmem>>, vector<400x192xf32>
    tpu.vector_store %arg9[%swap3A_46, %swap3A_47], %slice3A_45 {strides = array<i32>} : memref<400x192xf32, #tpu.memory_space<vmem>>, vector<400x192xf32>,
    %slice3A_49 = vector.extract_strided_slice %concatenate3A {offsets = [0, 192], sizes = [400, 192], strides = [1, 1]} : vector<400x384xf32> to vector<400x192xf32>
    %swap3A_50 = arith.constant 0 : index
    %swap3A_51 = arith.constant 0 : index
    %swap3A_52 = vector.load %arg10[%swap3A_50, %swap3A_51] : memref<400x192xf32, #tpu.memory_space<vmem>>, vector<400x192xf32>
    tpu.vector_store %arg10[%swap3A_50, %swap3A_51], %slice3A_49 {strides = array<i32>} : memref<400x192xf32, #tpu.memory_space<vmem>>, vector<400x192xf32>,
    return
  }
  func.func @transform_0(%arg0: i32) -> (i32, i32) {
    %c0_i32 = arith.constant 0 : i32
    %c0_i32_0 = arith.constant 0 : i32
    return %arg0, %c0_i32 : i32, i32
  }
  func.func @transform_1(%arg0: i32) -> (i32, i32) {
    %c0_i32 = arith.constant 0 : i32
    %c0_i32_0 = arith.constant 0 : i32
    %c0_i32_1 = arith.constant 0 : i32
    return %c0_i32, %c0_i32_0 : i32, i32
  }
  func.func @transform_2(%arg0: i32) -> (i32, i32) {
    %c0_i32 = arith.constant 0 : i32
    %c0_i32_0 = arith.constant 0 : i32
    %c0_i32_1 = arith.constant 0 : i32
    return %c0_i32, %c0_i32_0 : i32, i32
  }
  func.func @transform_3(%arg0: i32) -> (i32, i32) {
    %c0_i32 = arith.constant 0 : i32
    %c0_i32_0 = arith.constant 0 : i32
    %c0_i32_1 = arith.constant 0 : i32
    return %c0_i32, %c0_i32_0 : i32, i32
  }
  func.func @transform_4(%arg0: i32) -> (i32, i32) {
    %c0_i32 = arith.constant 0 : i32
    %c0_i32_0 = arith.constant 0 : i32
    return %arg0, %c0_i32 : i32, i32
  }
  func.func @transform_5(%arg0: i32) -> (i32, i32) {
    %c0_i32 = arith.constant 0 : i32
    %c0_i32_0 = arith.constant 0 : i32
    return %arg0, %c0_i32 : i32, i32
  }
  func.func @transform_6(%arg0: i32) -> (i32, i32) {
    %c0_i32 = arith.constant 0 : i32
    %c0_i32_0 = arith.constant 0 : i32
    return %arg0, %c0_i32 : i32, i32
  }
  func.func @transform_7(%arg0: i32) -> (i32, i32) {
    %c0_i32 = arith.constant 0 : i32
    %c0_i32_0 = arith.constant 0 : i32
    return %arg0, %c0_i32 : i32, i32
  }
  func.func @transform_8(%arg0: i32) -> (i32, i32) {
    %c0_i32 = arith.constant 0 : i32
    %c0_i32_0 = arith.constant 0 : i32
    return %arg0, %c0_i32 : i32, i32
  }
  func.func @transform_9(%arg0: i32) -> (i32, i32) {
    %c0_i32 = arith.constant 0 : i32
    %c0_i32_0 = arith.constant 0 : i32
    return %arg0, %c0_i32 : i32, i32
  }
  func.func @transform_10(%arg0: i32) -> (i32, i32) {
    %c0_i32 = arith.constant 0 : i32
    %c0_i32_0 = arith.constant 0 : i32
    return %arg0, %c0_i32 : i32, i32
  }
}

module attributes {stable_mosaic.version = 14 : i64} {
  func.func @_final_body(%arg0: i32, %arg1: memref<400x192xf32, #tpu.memory_space<vmem>>, %arg2: memref<400x192xf32, #tpu.memory_space<vmem>>, %arg3: memref<400x16xf32, #tpu.memory_space<vmem>>, %arg4: memref<400x16xf32, #tpu.memory_space<vmem>>, %arg5: memref<1x128xf32, #tpu.memory_space<vmem>>, %arg6: memref<400x128xf32, #tpu.memory_space<vmem>>) attributes {dimension_semantics = [#tpu.dimension_semantics<arbitrary>], iteration_bounds = array<i64: 25>, scalar_prefetch = 0 : i64, scratch_operands = 0 : i64, tpu.core_type = #tpu.core_type<tc>, window_params = [{transform_indices = @transform_0, window_bounds = array<i64: 400, 192>}, {transform_indices = @transform_1, window_bounds = array<i64: 400, 192>}, {transform_indices = @transform_2, window_bounds = array<i64: 400, 16>}, {transform_indices = @transform_3, window_bounds = array<i64: 400, 16>}, {pipeline_mode = #tpu.pipeline_mode<synchronous>, transform_indices = @transform_4, window_bounds = array<i64: 1, 128>}, {transform_indices = @transform_5, window_bounds = array<i64: 400, 128>}]} {
    %get3A = arith.constant 0 : index
    %get3A_0 = arith.constant 0 : index
    %get3A_1 = vector.load %arg1[%get3A, %get3A_0] : memref<400x192xf32, #tpu.memory_space<vmem>>, vector<400x192xf32>
    %get3A_2 = arith.constant 0 : index
    %get3A_3 = arith.constant 0 : index
    %get3A_4 = vector.load %arg2[%get3A_2, %get3A_3] : memref<400x192xf32, #tpu.memory_space<vmem>>, vector<400x192xf32>
    %get3A_5 = arith.constant 0 : index
    %get3A_6 = arith.constant 0 : index
    %get3A_7 = vector.load %arg3[%get3A_5, %get3A_6] : memref<400x16xf32, #tpu.memory_space<vmem>>, vector<400x16xf32>
    %get3A_8 = arith.constant 0 : index
    %get3A_9 = arith.constant 0 : index
    %get3A_10 = vector.load %arg4[%get3A_8, %get3A_9] : memref<400x16xf32, #tpu.memory_space<vmem>>, vector<400x16xf32>
    %add3A = arith.addf %get3A_7, %get3A_10 : vector<400x16xf32>
    %slice3A = vector.extract_strided_slice %get3A_1 {offsets = [0, 0], sizes = [400, 128], strides = [1, 1]} : vector<400x192xf32> to vector<400x128xf32>
    %slice3A_11 = vector.extract_strided_slice %add3A {offsets = [0, 0], sizes = [400, 1], strides = [1, 1]} : vector<400x16xf32> to vector<400x1xf32>
    %add3A_12 = arith.constant 1.000000e-16 : f32
    %add3A_13 = vector.broadcast %add3A_12 : f32 to vector<400x1xf32>
    %add3A_14 = arith.addf %slice3A_11, %add3A_13 : vector<400x1xf32>
    %div3A = vector.broadcast %add3A_14 : vector<400x1xf32> to vector<400x128xf32>
    %div3A_15 = arith.divf %slice3A, %div3A : vector<400x128xf32>
    %slice3A_16 = vector.extract_strided_slice %get3A_1 {offsets = [0, 128], sizes = [400, 64], strides = [1, 1]} : vector<400x192xf32> to vector<400x64xf32>
    %slice3A_17 = vector.extract_strided_slice %get3A_4 {offsets = [0, 0], sizes = [400, 64], strides = [1, 1]} : vector<400x192xf32> to vector<400x64xf32>
    %concatenate3A = tpu.concatenate %slice3A_16, %slice3A_17 in 1 : vector<400x64xf32>, vector<400x64xf32> -> vector<400x128xf32>
    %slice3A_18 = vector.extract_strided_slice %add3A {offsets = [0, 1], sizes = [400, 1], strides = [1, 1]} : vector<400x16xf32> to vector<400x1xf32>
    %add3A_19 = arith.constant 1.000000e-16 : f32
    %add3A_20 = vector.broadcast %add3A_19 : f32 to vector<400x1xf32>
    %add3A_21 = arith.addf %slice3A_18, %add3A_20 : vector<400x1xf32>
    %div3A_22 = vector.broadcast %add3A_21 : vector<400x1xf32> to vector<400x128xf32>
    %div3A_23 = arith.divf %concatenate3A, %div3A_22 : vector<400x128xf32>
    %slice3A_24 = vector.extract_strided_slice %get3A_4 {offsets = [0, 64], sizes = [400, 128], strides = [1, 1]} : vector<400x192xf32> to vector<400x128xf32>
    %slice3A_25 = vector.extract_strided_slice %add3A {offsets = [0, 2], sizes = [400, 1], strides = [1, 1]} : vector<400x16xf32> to vector<400x1xf32>
    %add3A_26 = arith.constant 1.000000e-16 : f32
    %add3A_27 = vector.broadcast %add3A_26 : f32 to vector<400x1xf32>
    %add3A_28 = arith.addf %slice3A_25, %add3A_27 : vector<400x1xf32>
    %div3A_29 = vector.broadcast %add3A_28 : vector<400x1xf32> to vector<400x128xf32>
    %div3A_30 = arith.divf %slice3A_24, %div3A_29 : vector<400x128xf32>
    %add3A_31 = arith.addf %div3A_15, %div3A_23 : vector<400x128xf32>
    %add3A_32 = arith.addf %add3A_31, %div3A_30 : vector<400x128xf32>
    %div3A_33 = arith.constant 3.000000e+00 : f32
    %div3A_34 = vector.broadcast %div3A_33 : f32 to vector<400x128xf32>
    %div3A_35 = arith.divf %add3A_32, %div3A_34 : vector<400x128xf32>
    %get3A_36 = arith.constant 0 : index
    %get3A_37 = arith.constant 0 : index
    %get3A_38 = vector.load %arg5[%get3A_36, %get3A_37] : memref<1x128xf32, #tpu.memory_space<vmem>>, vector<1x128xf32>
    %add3A_39 = vector.broadcast %get3A_38 : vector<1x128xf32> to vector<400x128xf32>
    %add3A_40 = arith.addf %div3A_35, %add3A_39 : vector<400x128xf32>
    %mul3A = arith.constant 0.00999999977 : f32
    %mul3A_41 = vector.broadcast %mul3A : f32 to vector<400x128xf32>
    %mul3A_42 = arith.mulf %mul3A_41, %add3A_40 : vector<400x128xf32>
    %max3A = arith.maximumf %add3A_40, %mul3A_42 : vector<400x128xf32>
    %swap3A = arith.constant 0 : index
    %swap3A_43 = arith.constant 0 : index
    %swap3A_44 = vector.load %arg6[%swap3A, %swap3A_43] : memref<400x128xf32, #tpu.memory_space<vmem>>, vector<400x128xf32>
    tpu.vector_store %arg6[%swap3A, %swap3A_43], %max3A {strides = array<i32>} : memref<400x128xf32, #tpu.memory_space<vmem>>, vector<400x128xf32>,
    return
  }
  func.func @transform_0(%arg0: i32) -> (i32, i32) {
    %c0_i32 = arith.constant 0 : i32
    %c0_i32_0 = arith.constant 0 : i32
    return %arg0, %c0_i32 : i32, i32
  }
  func.func @transform_1(%arg0: i32) -> (i32, i32) {
    %c0_i32 = arith.constant 0 : i32
    %c0_i32_0 = arith.constant 0 : i32
    return %arg0, %c0_i32 : i32, i32
  }
  func.func @transform_2(%arg0: i32) -> (i32, i32) {
    %c0_i32 = arith.constant 0 : i32
    %c0_i32_0 = arith.constant 0 : i32
    return %arg0, %c0_i32 : i32, i32
  }
  func.func @transform_3(%arg0: i32) -> (i32, i32) {
    %c0_i32 = arith.constant 0 : i32
    %c0_i32_0 = arith.constant 0 : i32
    return %arg0, %c0_i32 : i32, i32
  }
  func.func @transform_4(%arg0: i32) -> (i32, i32) {
    %c0_i32 = arith.constant 0 : i32
    %c0_i32_0 = arith.constant 0 : i32
    %c0_i32_1 = arith.constant 0 : i32
    return %c0_i32, %c0_i32_0 : i32, i32
  }
  func.func @transform_5(%arg0: i32) -> (i32, i32) {
    %c0_i32 = arith.constant 0 : i32
    %c0_i32_0 = arith.constant 0 : i32
    return %arg0, %c0_i32 : i32, i32
  }
}

</mosaic_0001>

<sc_bundles>
// kernel: kernel.10.cloned.1.call-start
scs
__scs_entry_jumppad:
0x0: {  	(pc) =	sbr.rel $0x88, $3  }
0x1: {  	(tag) =	ssettag $0x0;
	lr =	simm.s32 $0x1  }
0x2: {  	[smem:$0x3F96] =	sst lr;
	_ =	strace $0xD0000000  }
0x3: {  	_ = 	snop  }
0x4: {  	_ = 	snop  }
0x5: {  	_ = 	snop  }
0x6: {  	_ = 	snop  }
0x7: {  	_ = 	snop  }
__scs_overlays_trampoline_lowered:
0x8: {  	[smem:$0x3FA5] =	sst s0  }
0x9: {  	[smem:$0x3FA6] =	sst s1  }
0xa: {  	[smem:$0x3FA7] =	sst s2  }
0xb: {  	[smem:$0x3FA8] =	sst s3  }
0xc: {  	[smem:$0x3FA9] =	sst s4  }
0xd: {  	[smem:$0x3FAA] =	sst s5  }
0xe: {  	[smem:$0x3FAB] =	sst s6  }
0xf: {  	[smem:$0x3FAC] =	sst s7  }
0x10: {  	[smem:$0x3FAD] =	sst s8  }
0x11: {  	[smem:$0x3FAE] =	sst s9;
	s0 =	simm.s32 @!p0 $0x0  }
0x12: {  	s1 =	sld [smem:$0x3F94];
	s0 =	simm.s32 @p0 $0x1  }
0x13: {  	[smem:$0x3FAF] =	sst s0;
	s0 =	simm.s32 @!p1 $0x0  }
0x14: {  	s2 =	sld [smem:$0x3F93];
	s0 =	simm.s32 @p1 $0x1  }
0x15: {  	[smem:$0x3FB0] =	sst s0;
	s0 =	simm.s32 @!p2 $0x0  }
0x16: {  	s3 =	sld [smem:$0x3FDB];
	s0 =	simm.s32 @p2 $0x1  }
0x17: {  	s4 =	simm.s32 $0x1BF5;
	[smem:$0x3FB2] =	sst s0  }
0x18: {  	s0 =	sld [smem:$0x3F95];
	_ =	swait.ge [sflag:s4], $0x0  }
0x19: {  	s7 =	sld [smem:$0x3F96]  }
0x1a: {  	s8 =	sadd.s32 $0xFFFFE003, lr  }
0x1b: {  	s9 =	sadd.s32 $0xFFFFFEF7, lr;
	s5 =	simm.s32 $0xFFFFFFFF;
	p2 =	slt.u32 s8, $0xFFFFF086  }
0x1c: {  	p1 =	slt.u32 s9, $0xF7A;
	s5 =	simm.s32 @!p2 $0x0  }
0x1d: {  	s5 =	simm.s32 @p1 $0x1;
	p0 =	seq.s32 s7, s2  }
0x1e: {  	s7 =	smul.u32 @!p0 $0xF7A, s2;
	p2 =	seq.s32 @!p0 s5, $0x0  }
0x1f: {  	s9 =	smul.u32 $0xF7A, s1;
	s8 =	simm.s32 @!p0 $0x1BF5;
	p2 =	por !p2, p0  }
0x20: {  	[sflag:s8] =	ssyncset.s32 @!p0 $0xFFFFF086;
	s6 =	sadd.s32 @!p0 s3, s7;
	s7 =	simm.s32 @!p0 $0x108  }
0x21: {  	s3 =	sadd.s32 s3, s9;
	s6 =	sadd.s32 @!p0 $0x88, s6;
	s7 =	simm.s32 @p2 $0x1082  }
0x22: {  	[simem:s7], [sflag:s8] =	dma.local @!p0 [hbm:s6], $0xF7A  }
0x23: {  	s9 =	sor.u32 $0xD0000000, s2;
	s6 =	simm.s32 $0x108;
	_ =	swait.ge @!p0 [sflag:s8], $0x0  }
0x24: {  	s3 =	sadd.s32 $0x88, s3;
	s6 =	simm.s32 @!p1 $0x1082;
	[sflag:s4] =	ssyncset.s32 $0xFFFFF086  }
0x25: {  	[simem:s6], [sflag:s4] =	dma.local [hbm:s3], $0xF7A  }
0x26: {  	[smem:$0x3F96] =	sst s1;
	(tag) =	ssettag s2;
	_ =	strace s9  }
0x27: {  	s1 =	sld [smem:$0x3FA6]  }
0x28: {  	s2 =	sld [smem:$0x3FA7]  }
0x29: {  	s4 =	sld [smem:$0x3FA9]  }
0x2a: {  	p0 =	seq.s32 s5, $0x0;
	s5 =	sld [smem:$0x3FAA]  }
0x2b: {  	s6 =	sld [smem:$0x3FAB]  }
0x2c: {  	s7 =	sld [smem:$0x3FAC]  }
0x2d: {  	s3 =	simm.s32 $0x108;
	s8 =	sld [smem:$0x3FAD]  }
0x2e: {  	s3 =	simm.s32 @!p0 $0x1082;
	s9 =	sld [smem:$0x3FAE]  }
0x2f: {  	lr =	sadd.s32 s0, s3;
	s0 =	sld [smem:$0x3FA5]  }
0x30: {  	s3 =	sld [smem:$0x3FA8]  }
0x31: {  	[smem:$0x3FB1] =	sst s10  }
0x32: {  	s10 =	sld [smem:$0x3FAF];
	_ =	sdelay $0x3  }
0x33: {  	p0 =	seq.s32 s10, $0x1;
	s10 =	sld [smem:$0x3FB1];
	_ =	sdelay $0x3  }
0x34: {  	[smem:$0x3FB1] =	sst s10  }
0x35: {  	s10 =	sld [smem:$0x3FB0];
	_ =	sdelay $0x3  }
0x36: {  	p1 =	seq.s32 s10, $0x1;
	s10 =	sld [smem:$0x3FB1];
	_ =	sdelay $0x3  }
0x37: {  	[smem:$0x3FB1] =	sst s10  }
0x38: {  	s10 =	sld [smem:$0x3FB2]  }
0x39: {  	_ = 	snop;
	(pc) =	sbr.ind lr, $3  }
0x3a: {  	_ = 	snop  }
0x3b: {  	_ = 	snop  }
0x3c: {  	p2 =	seq.s32 s10, $0x1;
	s10 =	sld [smem:$0x3FB1]  }
0x3d: {  	_ =	shalt  }
0x3e: {  	_ =	shalt  }
0x3f: {  	_ =	shalt  }
0x40: {  	_ =	shalt  }
0x41: {  	_ =	shalt  }
0x42: {  	_ =	shalt  }
0x43: {  	_ =	shalt  }
0x44: {  	_ =	shalt  }
0x45: {  	_ =	shalt  }
0x46: {  	_ =	shalt  }
0x47: {  	_ =	shalt  }
0x48: {  	_ =	shalt  }
0x49: {  	_ =	shalt  }
0x4a: {  	_ =	shalt  }
0x4b: {  	_ =	shalt  }
0x4c: {  	_ =	shalt  }
0x4d: {  	_ =	shalt  }
0x4e: {  	_ =	shalt  }
0x4f: {  	_ =	shalt  }
0x50: {  	_ =	shalt  }
0x51: {  	_ =	shalt  }
0x52: {  	_ =	shalt  }
0x53: {  	_ =	shalt  }
0x54: {  	_ =	shalt  }
0x55: {  	_ =	shalt  }
0x56: {  	_ =	shalt  }
0x57: {  	_ =	shalt  }
0x58: {  	_ =	shalt  }
0x59: {  	_ =	shalt  }
0x5a: {  	_ =	shalt  }
0x5b: {  	_ =	shalt  }
0x5c: {  	_ =	shalt  }
0x5d: {  	_ =	shalt  }
0x5e: {  	_ =	shalt  }
0x5f: {  	_ =	shalt  }
0x60: {  	_ =	shalt  }
0x61: {  	_ =	shalt  }
0x62: {  	_ =	shalt  }
0x63: {  	_ =	shalt  }
0x64: {  	_ =	shalt  }
0x65: {  	_ =	shalt  }
0x66: {  	_ =	shalt  }
0x67: {  	_ =	shalt  }
0x68: {  	_ =	shalt  }
0x69: {  	_ =	shalt  }
0x6a: {  	_ =	shalt  }
0x6b: {  	_ =	shalt  }
0x6c: {  	_ =	shalt  }
0x6d: {  	_ =	shalt  }
0x6e: {  	_ =	shalt  }
0x6f: {  	_ =	shalt  }
0x70: {  	_ =	shalt  }
0x71: {  	_ =	shalt  }
0x72: {  	_ =	shalt  }
0x73: {  	_ =	shalt  }
0x74: {  	_ =	shalt  }
0x75: {  	_ =	shalt  }
0x76: {  	_ =	shalt  }
0x77: {  	_ =	shalt  }
0x78: {  	_ =	shalt  }
0x79: {  	_ =	shalt  }
0x7a: {  	_ =	shalt  }
0x7b: {  	_ =	shalt  }
0x7c: {  	_ =	shalt  }
0x7d: {  	_ =	shalt  }
0x7e: {  	_ =	shalt  }
0x7f: {  	_ =	shalt  }
0x80: {  	_ =	shalt  }
0x81: {  	_ =	shalt  }
0x82: {  	_ =	shalt  }
0x83: {  	_ =	shalt  }
0x84: {  	_ =	shalt  }
0x85: {  	_ =	shalt  }
0x86: {  	_ =	shalt  }
0x87: {  	_ =	shalt  }
.Lfunc_end0:
.L_simem_size_0:
called_computation_lowered:
.L_overlay_start_0:
0x88: {  	s2 =	sld [smem:$0x3FD9]  }
0x89: {  	s3 =	sld [smem:$0x3FFE];
	_ =	sdelay $0x1  }
0x8a: {  	s1 =	srdreg.scid  }
0x8b: {  	s0 =	sand.u32 $0x1, s1  }
0x8c: {  	s16 =	sshll.u32 s0, $0xA;
	s2 =	sadd.s32 s3, s2  }
0x8d: {  	s2 =	sadd.s32 s2, s16  }
0x8e: {  	[smem:$0x3FBD] =	sst s2  }
0x8f: {  	_ = 	snop  }
0x90: {  	(tm) =	ssettm $0x1  }
0x91: {  	s17 =	sld [smem:$0x3FFB];
	_ =	sdelay $0x3  }
0x92: {  	_ =	strace s17  }
0x93: {  	s2 =	sld [smem:$0x3FFC];
	_ =	sdelay $0x3  }
0x94: {  	_ =	strace s2  }
0x95: {  	s2 =	sld [smem:$0x3FFD];
	_ =	sdelay $0x3  }
0x96: {  	_ =	strace s2  }
0x97: {  	_ =	strace $0x8FFFFFFF  }
0x98: {  	s18 =	sld [smem:$0x3FDB];
	_ =	sdelay $0x1  }
0x99: {  	s19 =	simm.s32 $_scs_section_size  }
0x9a: {  	s4 =	simm.s32 $_size__tile_overlayer_lowered;
	s5 =	simm.s32 $_tile_overlayer_lowered  }
0x9b: {  	s22 =	simm.s32 $0x1BFF;
	s21 =	sshll.u32 s5, $0x1;
	s2 =	sadd.s32 s19, s18  }
0x9c: {  	s6 =	simm.s32 $0x0;
	s20 =	sshll.u32 s4, $0x1;
	s4 =	sadd.s32 s21, s2  }
0x9d: {  	[timem:s6], [sflag:s22] =	dma.local [hbm:s4], s20  }
0x9e: {  	_ =	swait.ge [sflag:s22], s20  }
0x9f: {  	s3 =	ssub.s32 $0x0, s20;
	[sflag:s22] =	ssyncset.done $0x0  }
0xa0: {  	[sflag:s22] =	ssyncadd.s32 s3;
	_ =	sdelay $0x1  }
0xa1: {  	s23 =	simm.s32 $0x1B8B  }
0xa2: {  	_ =	swait.ge [sflag:s23], $0x1  }
0xa3: {  	[sflag:s23] =	ssyncset.done $0x0  }
0xa4: {  	s25 =	simm.s32 $0x1B8E;
	s24 =	sld [smem:$0x3FFE];
	[sflag:s23] =	ssyncadd.s32 $0xFFFFFFFF  }
0xa5: {  	s26 =	simm.s32 $execute0_lowered;
	[smem:$0x3FD2] =	sst s25  }
0xa6: {  	s4 =	sshll.u32 s26, $0x1;
	_ =	strace $0x80000046;
	[dreg:$0x1] =	wrdreg $0xFFFFFFFF  }
0xa7: {  	s28 =	simm.s32 $_size_execute0_lowered;
	s2 =	sadd.s32 s2, s4;
	[dreg:$0x0] =	wrdreg $0x0  }
0xa8: {  	s4 =	sshll.u32 s28, $0x1;
	[dreg:$0x2] =	wrdreg s2  }
0xa9: {  	[dreg:$0x3] =	wrdreg s4  }
0xaa: {  	[dreg:$0x4] =	wrdreg $0xC0  }
0xab: {  	_ =	task [dreg:s6], $0x5FFFF  }
0xac: {  	[dreg:$0x1] =	wrdreg $0xFFFFFFFF  }
0xad: {  	[dreg:$0x0] =	wrdreg $0x60  }
0xae: {  	[dreg:$0x2] =	wrdreg s24  }
0xaf: {  	[dreg:$0x3] =	wrdreg $0x41A00  }
0xb0: {  	[dreg:$0x4] =	wrdreg $0x1C8400  }
0xb1: {  	[dreg:$0x5] =	wrdreg $0x9  }
0xb2: {  	_ =	task.clear_ibuf [dreg:s6], $0x6FFFF;
	_ =	strace $0x90000046  }
0xb3: {  	s29 =	simm.s32 $0x9;
	_ =	strace $0x80000048  }
0xb4: {  	_ =	swait.ge [sflag:s29], $0x1  }
0xb5: {  	[sflag:s29] =	ssyncadd.s32 $0xFFFFFFFF  }
0xb6: {  	_ =	strace $0x90000048  }
0xb7: {  	_ =	sfence  }
0xb8: {  	s30 =	sld [smem:$0x0];
	_ =	sdelay $0x2  }
0xb9: {  	s31 =	sshll.u32 s1, $0xD;
	s1 =	sshrl.u32 s1, $0x2  }
0xba: {  	s3 =	sand.u32 $0x4000, s31;
	s1 =	sadd.s32 s1, s30  }
0xbb: {  	s0 =	sor.u32 s3, s0;
	s1 =	sshll.u32 s1, $0x11  }
0xbc: {  	s0 =	sor.u32 s1, s0  }
0xbd: {  	s0 =	sadd.s32 $0x8F2B, s0  }
0xbe: {  	[sflag:s0] =	ssyncadd.remote.s32 $0x1  }
0xbf: {  	_ =	sfence.sel $0xFFFF  }
0xc0: {  	[dreg:$0x0] =	wrdreg $0xFFFFFFFF;
	(pc) =	sbr.abs _section_cstart, $3  }
0xc1: {  	[dreg:$0x1] =	wrdreg $0xFFFFFFFF  }
0xc2: {  	_ =	task.clear_ibuf [dreg:s6], $0x2FFFF;
	_ =	strace $0x9FFFFFFF  }
0xc3: {  	(tm) =	ssettm $0x7FFFFFFF  }
tec
execute0_lowered:
.L_overlay_start_1:
0x0: {  	(tag) =	ssettag $0x1  }
0x1: {  	s0 =	rddreg [dreg:$0x0]  }
0x2: {  	s1 =	rddreg [dreg:$0x1]  }
0x3: {  	s2 =	rddreg [dreg:$0x2];
	s4 =	simm.s32 $0x0  }
0x4: {  	s18 =	stileid.u32;
	s11 =	srdreg.scid;
	s28 =	simm.s32 $0x5A0  }
0x5: {  	s29 =	simm.s32 $0x1;
	s30 =	simm.s32 $0xAA0;
	s31 =	simm.s32 $0xFA0  }
0x6: {  	[smem:$0x7FF] =	sst s4;
	s5 =	sadd.s32 $0xB2200, s0;
	s6 =	sadd.s32 $0xA8400, s0  }
0x7: {  	s7 =	sadd.s32 $0xA3400, s0;
	s3 =	smul.u32 $0x186A0, s18;
	s8 =	sadd.s32 $0x9E400, s0  }
0x8: {  	s12 =	smul.u32 $0x2710, s18;
	s9 =	sadd.s32 $0x68600, s0;
	s10 =	sadd.s32 $0x37800, s0  }
0x9: {  	s13 =	sand.u32 $0x1, s11;
	s16 =	smul.u32 $0x4E20, s18;
	_ =	strace $0x80000047  }
0xa: {  	s15 =	ssub.s32 $0x2, s13;
	p0 =	sne.s32 s13, $0x0;
	s17 =	sshrl.u32 s3, $0x3  }
0xb: {  	s14 =	sshrl.u32 s12, $0x3;
	s23 =	sadd.s32 s12, s2;
	s17 =	sadd.s32 s17, s0  }
0xc: {  	s19 =	sshrl.u32 s15, $0x1;
	[dreg:$0x6] =	wrdreg s23;
	s21 =	sadd.s32 $0x13F200, s17  }
0xd: {  	s0 =	sadd.s32 s14, s0;
	s22 =	sadd.s32 $0x6A00, s17;
	[dreg:$0x4] =	wrdreg s21  }
0xe: {  	s11 =	sadd.s32 s3, s1;
	s24 =	sadd.s32 $0x99400, s0;
	[dreg:$0x5] =	wrdreg s22  }
0xf: {  	s20 =	ssub.s32 s15, s19;
	s25 =	sadd.s32 $0xBC000, s17;
	[dreg:$0x7] =	wrdreg s24  }
.Ltmp0:
0x10: {  	s26 =	sadd.s32 $0xECE00, s17;
	[dreg:$0x8] =	wrdreg s25;
	(pc) =	sbr.rel .LBB2_1-.Ltmp0, $4  }
0x11: {  	s0 =	sadd.s32 $0x11DC00, s0;
	s20 =	smax.u32 s20, $0x1;
	[dreg:$0x9] =	wrdreg s26  }
0x12: {  	[dreg:$0xa] =	wrdreg s0;
	s0 =	sshll.u32 @p0 s18, $0x6;
	s22 =	sshrl.u32 @p0 s11, $0x3  }
0x13: {  	s24 =	simm.s32 $0x2;
	s21 =	sor.u32 @p0 $0x1C02, s0;
	s0 =	sshll.u32 @!p0 s18, $0x6  }
0x14: {  	s25 =	simm.s32 $0x50;
	s26 =	simm.s32 $0xA0;
	s23 =	sor.u32 @!p0 $0x1C02, s0  }
.LBB2_12:
0x15: {  	[bflag:$0x0] =	sbarrier.arrive $0xFFFF  }
0x16: {  	s12 =	rddreg [dreg:$0x8]  }
0x17: {  	[hbm:s12], [sflag:s21] =	dma.local @p0 [spmem:s22], $0x30D4  }
0x18: {  	s12 =	simm.s32 @p0 $0x2  }
0x19: {  	_ =	swait.ge @p0 [sflag:s12], $0x30D4  }
0x1a: {  	[sflag:s12] =	ssyncset.done @p0 $0x0  }
0x1b: {  	[sflag:s12] =	ssyncadd.s32 @p0 $0xFFFFCF2C;
	s12 =	rddreg [dreg:$0x9]  }
0x1c: {  	[hbm:s12], [sflag:s23] =	dma.local @!p0 [spmem:s0], $0x30D4  }
0x1d: {  	s0 =	simm.s32 @!p0 $0x2  }
0x1e: {  	s4 =	sadd.s32 $0x1, s4;
	_ =	swait.ge @!p0 [sflag:s0], $0x30D4  }
0x1f: {  	p1 =	sne.s32 s4, s20;
	[sflag:s0] =	ssyncset.done @!p0 $0x0  }
.Ltmp1:
0x20: {  	s12 =	rddreg [dreg:$0xa];
	[sflag:s0] =	ssyncadd.s32 @!p0 $0xFFFFCF2C;
	(pc) =	sbr.rel @!p1 .LBB2_13-.Ltmp1, $4  }
0x21: {  	[hbm:s12], [sflag:s23] =	dma.local @!p0 [spmem:s3], $0x4E2  }
0x22: {  	_ =	swait.ge @!p0 [sflag:s0], $0x4E2  }
0x23: {  	[sflag:s0] =	ssyncset.done @!p0 $0x0  }
0x24: {  	[sflag:s0] =	ssyncadd.s32 @!p0 $0xFFFFFB1E  }
.LBB2_1:
0x25: {  	s0 =	rddreg [dreg:$0x4]  }
0x26: {  	[spmem:s22], [sflag:s21] =	dma.local @p0 [hbm:s0], $0x30D4  }
0x27: {  	s0 =	simm.s32 @p0 $0x2  }
0x28: {  	_ =	swait.ge @p0 [sflag:s0], $0x30D4  }
0x29: {  	s12 =	simm.s32 @!p0 $0x2;
	[sflag:s0] =	ssyncset.done @p0 $0x0  }
0x2a: {  	s3 =	rddreg [dreg:$0x5];
	[sflag:s0] =	ssyncadd.s32 @p0 $0xFFFFCF2C;
	s0 =	sshrl.u32 @!p0 s11, $0x3  }
0x2b: {  	[spmem:s0], [sflag:s23] =	dma.local @!p0 [hbm:s3], $0x30D4  }
0x2c: {  	_ =	swait.ge @!p0 [sflag:s12], $0x30D4  }
0x2d: {  	[sflag:s12] =	ssyncset.done @!p0 $0x0;
	s3 =	rddreg [dreg:$0x6]  }
0x2e: {  	s13 =	rddreg [dreg:$0x7];
	[sflag:s12] =	ssyncadd.s32 @!p0 $0xFFFFCF2C;
	s3 =	sshrl.u32 @!p0 s3, $0x3  }
0x2f: {  	[spmem:s3], [sflag:s23] =	dma.local @!p0 [hbm:s13], $0x4E2  }
.Ltmp2:
0x30: {  	_ =	swait.ge @!p0 [sflag:s12], $0x4E2;
	(pc) =	sbr.rel .LBB2_2-.Ltmp2, $4  }
0x31: {  	[sflag:s12] =	ssyncset.done @!p0 $0x0  }
0x32: {  	[sflag:s12] =	ssyncadd.s32 @!p0 $0xFFFFFB1E  }
0x33: {  	[bflag:$0x0] =	sbarrier.arrive $0xFFFF  }
0x34: {  	s12 =	simm.s32 $0x0  }
.LBB2_11:
0x35: {  	s12 =	sadd.s32 $0x1, s12  }
0x36: {  	p1 =	sne.s32 s12, $0xFA  }
.Ltmp3:
0x37: {  	_ = 	snop;
	(pc) =	sbr.rel @!p1 .LBB2_12-.Ltmp3, $4  }
0x38: {  	[spmem:s1] =	stream.indirect.scatter.add.f32 [tilespmem:s31], [sflag:$0x2], $0xA0, s25, s25, $0xb8;
	[tilespmem:$0x1EF50] =	vst v63  }
0x39: {  	_ =	swait.ge [sflag:s24], $0x3200  }
0x3a: {  	[sflag:s24] =	ssyncset.done $0x0  }
0x3b: {  	[sflag:s24] =	ssyncadd.s32 $0xFFFFCE00  }
.LBB2_2:
0x3c: {  	s13 =	smul.u32 $0x50, s12;
	_ =	sdelay $0x1  }
0x3d: {  	s13 =	sadd.s32 s16, s13  }
0x3e: {  	s13 =	sshrl.u32 s13, $0x3  }
0x3f: {  	s15 =	simm.s32 $0x0;
	s14 =	sadd.s32 s5, s13  }
0x40: {  	[tilespmem:s15], [sflag:$0x2] =	stream.linear.gather [hbm4b:s14+s15], $0x50, $0x38;
	[tilespmem:$0x1EF50] =	vst v63  }
0x41: {  	_ =	swait.ge [sflag:s24], $0x50  }
0x42: {  	[sflag:s24] =	ssyncset.done $0x0  }
0x43: {  	s13 =	sadd.s32 s6, s13;
	[sflag:s24] =	ssyncadd.s32 $0xFFFFFFB0  }
0x44: {  	[tilespmem:s25], [sflag:$0x2] =	stream.linear.gather [hbm4b:s13+s15], $0x50, $0x38;
	[tilespmem:$0x1EF50] =	vst v63  }
0x45: {  	_ =	swait.ge [sflag:s24], $0x50  }
0x46: {  	[sflag:s24] =	ssyncset.done $0x0  }
0x47: {  	[sflag:s24] =	ssyncadd.s32 $0xFFFFFFB0  }
0x48: {  	[tilespmem:s26], [sflag:$0x1] =	stream.indirect.gather [hbm4b:s7+s25], $0x10, s15, s25, $0xb8;
	[tilespmem:$0x1EF50] =	vst v63  }
0x49: {  	_ = 	snop  }
0x4a: {  	[tilespmem:s28], [sflag:$0x1] =	stream.indirect.gather [hbm4b:s8+s25], $0x10, s25, s25, $0xb8;
	[tilespmem:$0x1EF50] =	vst v63  }
0x4b: {  	_ =	swait.ge [sflag:s29], $0x500  }
0x4c: {  	[sflag:s29] =	ssyncset.done $0x0  }
0x4d: {  	[sflag:s29] =	ssyncadd.s32 $0xFFFFFB00  }
0x4e: {  	_ =	swait.ge [sflag:s29], $0x500  }
0x4f: {  	[sflag:s29] =	ssyncset.done $0x0  }
0x50: {  	s13 =	simm.s32 $0x0;
	[sflag:s29] =	ssyncadd.s32 $0xFFFFFB00  }
0x51: {  	v0 =	vld [tilespmem:s13+$0xA0]  }
0x52: {  	v1 =	vld [tilespmem:s13+$0x5A0];
	_ =	sdelay $0x4  }
0x53: {  	v0 =	vadd.f32 v1, v0;
	_ =	sdelay $0x1  }
0x54: {  	s14 =	simm.s32 $0x10;
	v1 =	vmul.f32 $2.000000030e-01, v0  }
0x55: {  	v2 =	vld [tilespmem:s14+$0xA0]  }
0x56: {  	v3 =	vld [tilespmem:s14+$0x5A0];
	v0 =	vmax.f32 v0, v1  }
0x57: {  	s17 =	simm.s32 $0x20;
	v0 =	vmul.f32 $1.442695020e+00, v0  }
0x58: {  	v1 =	vld [tilespmem:s17+$0xA0]  }
0x59: {  	(erf) = vpow2.f32 v0;
	v0 =	vld [tilespmem:s17+$0x5A0];
	_ =	sdelay $0x1  }
0x5a: {  	v2 =	vadd.f32 v3, v2;
	_ =	sdelay $0x1  }
0x5b: {  	v3 =	vmul.f32 $2.000000030e-01, v2  }
0x5c: {  	v4 =	vadd.f32 v0, v1  }
0x5d: {  	v0 =	vmax.f32 v2, v3  }
0x5e: {  	s15 =	simm.s32 $0x30;
	v1 =	vmul.f32 $1.442695020e+00, v0;
	v2 =	vmul.f32 $2.000000030e-01, v4  }
0x5f: {  	v0 =	vld [tilespmem:s15+$0xA0]  }
0x60: {  	(erf) = vpow2.f32 v1;
	v1 =	vld [tilespmem:s15+$0x5A0];
	_ =	sdelay $0x1  }
0x61: {  	s18 =	simm.s32 $0x100;
	v3 =	vmax.f32 v4, v2;
	v2 =	vpop (erf)  }
.LBB2_3:
0x62: {  	s19 =	sshra.s32 s18, $0x2  }
0x63: {  	v3 =	vmul.f32 $1.442695020e+00, v3;
	[tilespmem:s13+$0xAA0] =	vst v2;
	s13 =	smov.u32 s14;
	s14 =	smov.u32 s17;
	p1 =	sne.s32 s18, $0x13C0  }
.Ltmp4:
0x64: {  	s18 =	sadd.s32 $0x40, s18;
	v2 =	vadd.f32 v1, v0;
	v0 =	vld [tilespmem:s19+$0xA0];
	(pc) =	sbr.rel @p1 .LBB2_3-.Ltmp4, $3  }
0x65: {  	s17 =	smov.u32 s15;
	s15 =	smov.u32 s19;
	v1 =	vld [tilespmem:s19+$0x5A0];
	(erf) = vpow2.f32 v3  }
0x66: {  	v3 =	vmul.f32 $2.000000030e-01, v2;
	_ =	sdelay $0x1  }
0x67: {  	v3 =	vmax.f32 v2, v3;
	v2 =	vpop (erf)  }
0x68: {  	_ = 	snop  }
0x69: {  	v0 =	vadd.f32 v1, v0;
	_ =	sdelay $0x1  }
0x6a: {  	v1 =	vmul.f32 $2.000000030e-01, v0;
	_ =	sdelay $0x1  }
0x6b: {  	v3 =	vmul.f32 $1.442695020e+00, v3;
	v0 =	vmax.f32 v0, v1  }
0x6c: {  	v0 =	vmul.f32 $1.442695020e+00, v0  }
0x6d: {  	(erf) = vpow2.f32 v3  }
0x6e: {  	(erf) = vpow2.f32 v0;
	_ =	sdelay $0x5  }
.Ltmp5:
0x6f: {  	_ = 	snop;
	(pc) =	sbr.rel @p0 .LBB2_8-.Ltmp5, $4  }
0x70: {  	[tilespmem:s13+$0xAA0] =	vst v2;
	v61 =	vpop (erf)  }
0x71: {  	[tilespmem:s14+$0xAA0] =	vst v61;
	v62 =	vpop (erf)  }
0x72: {  	[tilespmem:s17+$0xAA0] =	vst v62;
	v63 =	vpop (erf)  }
0x73: {  	[tilespmem:s15+$0xAA0] =	vst v63  }
0x74: {  	[spmem:s2] =	stream.indirect.scatter.add.f32 [tilespmem:s30], [sflag:$0x2], $0x10, s25, s25, $0xb8;
	[tilespmem:$0x1EF50] =	vst v63  }
0x75: {  	_ =	swait.ge [sflag:s24], $0x500  }
0x76: {  	[sflag:s24] =	ssyncset.done $0x0  }
0x77: {  	s13 =	simm.s32 $0x0;
	[sflag:s24] =	ssyncadd.s32 $0xFFFFFB00  }
0x78: {  	[tilespmem:s31], [sflag:$0x2] =	stream.indirect.gather [hbm4b:s9+s25], $0xA0, s13, s25, $0xb8;
	[tilespmem:$0x1EF50] =	vst v63  }
0x79: {  	_ =	swait.ge [sflag:s24], $0x3200  }
0x7a: {  	[sflag:s24] =	ssyncset.done $0x0  }
0x7b: {  	s13 =	simm.s32 $0xFF0;
	[sflag:s24] =	ssyncadd.s32 $0xFFFFCE00  }
0x7c: {  	s14 =	simm.s32 $0x0;
	v6 =	vld [tilespmem:s13+$0xFFFFFFF0]  }
0x7d: {  	v0 =	vmov s14;
	v7 =	vld [tilespmem:s13+$0xFFFFFFE0]  }
0x7e: {  	v1 =	vor.u32 $0x1, v0;
	v5 =	vld [tilespmem:s13+$0xFFFFFFB0]  }
0x7f: {  	v3 =	vor.u32 $0x2, v0;
	v10 =	vld [tilespmem:s13+$0x0]  }
0x80: {  	v8 =	vld [tilespmem:s13+$0xFFFFFFC0]  }
0x81: {  	v12 =	vld [tilespmem:s13+$0x30]  }
0x82: {  	v2 =	vld.idx.msk [tilespmem:v0+s30+$0x0], $0xffff  }
0x83: {  	v1 =	vld.idx.msk [tilespmem:v1+s30+$0x0], $0xffff  }
0x84: {  	v3 =	vld.idx.msk [tilespmem:v3+s30+$0x0], $0xffff  }
0x85: {  	v0 =	vld [tilespmem:s13+$0xFFFFFFD0]  }
0x86: {  	v4 =	vld [tilespmem:s13+$0x20]  }
0x87: {  	v13 =	vmul.f32 v5, v2;
	v5 =	vld [tilespmem:s13+$0x40]  }
0x88: {  	v9 =	vmul.f32 v6, v1;
	v6 =	vld [tilespmem:s13+$0x10]  }
0x89: {  	v8 =	vmul.f32 v8, v2;
	v11 =	vmul.f32 v7, v2  }
0x8a: {  	s15 =	simm.s32 $0xFF0;
	s14 =	simm.s32 $0x1;
	v10 =	vmul.f32 v10, v1;
	v7 =	vmul.f32 v12, v3;
	[tilespmem:s13+$0xFFFFFFB0] =	vst v13  }
.LBB2_6:
0x8b: {  	p1 =	seq.s32 s14, $0x4F  }
0x8c: {  	[tilespmem:s13+$0xFFFFFFE0] =	vst v11;
	v4 =	vmul.f32 v4, v1;
	v3 =	vmul.f32 v5, v3;
	s15 =	sadd.s32 $0xA0, s15;
	s17 =	smov.u32 s14;
	s14 =	sadd.s32 $0x1, s14  }
0x8d: {  	v0 =	vmul.f32 v0, v2;
	[tilespmem:s13+$0xFFFFFFC0] =	vst v8;
	v1 =	vmul.f32 v6, v1  }
0x8e: {  	v12 =	vld [tilespmem:s15+$0xFFFFFFF0];
	[tilespmem:s13+$0xFFFFFFF0] =	vst v9  }
0x8f: {  	s17 =	sshll.u32 s17, $0x4;
	v9 =	vld [tilespmem:s15+$0xFFFFFFE0];
	[tilespmem:s13+$0x0] =	vst v10  }
0x90: {  	v2 =	vmov s17;
	v8 =	vld [tilespmem:s15+$0xFFFFFFB0];
	[tilespmem:s13+$0x30] =	vst v7  }
0x91: {  	v5 =	vor.u32 $0x1, v2;
	v6 =	vor.u32 $0x2, v2;
	v7 =	vld [tilespmem:s15+$0x0];
	[tilespmem:s13+$0xFFFFFFD0] =	vst v0  }
0x92: {  	v0 =	vld [tilespmem:s15+$0xFFFFFFD0];
	[tilespmem:s13+$0x20] =	vst v4  }
0x93: {  	v10 =	vld [tilespmem:s15+$0xFFFFFFC0];
	[tilespmem:s13+$0x10] =	vst v1  }
0x94: {  	v13 =	vld [tilespmem:s15+$0x30];
	[tilespmem:s13+$0x40] =	vst v3;
	s13 =	smov.u32 s15  }
0x95: {  	v2 =	vld.idx.msk [tilespmem:v2+s30+$0x0], $0xffff  }
0x96: {  	v1 =	vld.idx.msk [tilespmem:v5+s30+$0x0], $0xffff  }
0x97: {  	v3 =	vld.idx.msk [tilespmem:v6+s30+$0x0], $0xffff  }
0x98: {  	v4 =	vld [tilespmem:s15+$0x20]  }
.Ltmp6:
0x99: {  	v5 =	vld [tilespmem:s15+$0x40];
	(pc) =	sbr.rel @!p1 .LBB2_6-.Ltmp6, $4  }
0x9a: {  	v6 =	vld [tilespmem:s15+$0x10]  }
0x9b: {  	v14 =	vmul.f32 v8, v2;
	v8 =	vmul.f32 v10, v2  }
0x9c: {  	v11 =	vmul.f32 v9, v2;
	v9 =	vmul.f32 v12, v1  }
0x9d: {  	v10 =	vmul.f32 v7, v1;
	v7 =	vmul.f32 v13, v3;
	[tilespmem:s15+$0xFFFFFFB0] =	vst v14  }
0x9e: {  	[tilespmem:s13+$0xFFFFFFE0] =	vst v11  }
0x9f: {  	[tilespmem:s13+$0xFFFFFFC0] =	vst v8  }
0xa0: {  	[tilespmem:s13+$0xFFFFFFF0] =	vst v9  }
0xa1: {  	v0 =	vmul.f32 v0, v2;
	[tilespmem:s13+$0x0] =	vst v10  }
.Ltmp7:
0xa2: {  	v61 =	vmul.f32 v4, v1;
	[tilespmem:s13+$0x30] =	vst v7;
	(pc) =	sbr.rel .LBB2_11-.Ltmp7, $4  }
0xa3: {  	v63 =	vmul.f32 v5, v3;
	[tilespmem:s13+$0xFFFFFFD0] =	vst v0  }
0xa4: {  	v62 =	vmul.f32 v6, v1;
	[tilespmem:s13+$0x20] =	vst v61  }
0xa5: {  	[tilespmem:s13+$0x40] =	vst v63  }
0xa6: {  	[tilespmem:s13+$0x10] =	vst v62  }
.LBB2_8:
0xa7: {  	s13 =	simm.s32 $0x0  }
0xa8: {  	[tilespmem:s31], [sflag:$0x2] =	stream.indirect.gather [hbm4b:s10+s25], $0xA0, s13, s25, $0xb8;
	[tilespmem:$0x1EF50] =	vst v63  }
0xa9: {  	_ =	swait.ge [sflag:s24], $0x3200  }
0xaa: {  	[sflag:s24] =	ssyncset.done $0x0  }
0xab: {  	s13 =	simm.s32 $0xFF0;
	[sflag:s24] =	ssyncadd.s32 $0xFFFFCE00  }
0xac: {  	s14 =	simm.s32 $0x0;
	v0 =	vld [tilespmem:s13+$0xFFFFFFF0]  }
0xad: {  	v1 =	vmov s14;
	v12 =	vld [tilespmem:s13+$0x20]  }
0xae: {  	v2 =	vor.u32 $0x4, v1;
	v10 =	vld [tilespmem:s13+$0xFFFFFFB0]  }
0xaf: {  	v4 =	vor.u32 $0x2, v1;
	v6 =	vld [tilespmem:s13+$0x10]  }
0xb0: {  	v3 =	vld [tilespmem:s13+$0x40]  }
0xb1: {  	v7 =	vor.u32 $0x3, v1;
	v13 =	vld [tilespmem:s13+$0x30]  }
0xb2: {  	v1 =	vld [tilespmem:s13+$0x0]  }
0xb3: {  	v5 =	vld.idx.msk [tilespmem:v2+s30+$0x0], $0xffff  }
0xb4: {  	v8 =	vld.idx.msk [tilespmem:v4+s30+$0x0], $0xffff  }
0xb5: {  	v9 =	vld [tilespmem:s13+$0xFFFFFFC0]  }
0xb6: {  	v2 =	vld.idx.msk [tilespmem:v7+s30+$0x0], $0xffff  }
0xb7: {  	v4 =	vld [tilespmem:s13+$0xFFFFFFE0]  }
0xb8: {  	v11 =	vmul.f32 v6, v5;
	v7 =	vmul.f32 v13, v5;
	v6 =	vld [tilespmem:s13+$0xFFFFFFD0]  }
0xb9: {  	s15 =	simm.s32 $0xFF0;
	s14 =	simm.s32 $0x1;
	v10 =	vmul.f32 v10, v8;
	v12 =	vmul.f32 v12, v5  }
.LBB2_9:
0xba: {  	p1 =	sne.s32 s14, $0x4F  }
0xbb: {  	v8 =	vmul.f32 v9, v8;
	[tilespmem:s13+$0x10] =	vst v11;
	v3 =	vmul.f32 v3, v5;
	s15 =	sadd.s32 $0xA0, s15;
	s17 =	smov.u32 s14;
	s14 =	sadd.s32 $0x1, s14  }
0xbc: {  	v5 =	vmul.f32 v0, v2;
	v4 =	vmul.f32 v4, v2;
	[tilespmem:s13+$0x20] =	vst v12  }
0xbd: {  	v1 =	vmul.f32 v1, v2;
	[tilespmem:s13+$0xFFFFFFB0] =	vst v10;
	v6 =	vmul.f32 v6, v2  }
0xbe: {  	s17 =	sshll.u32 s17, $0x4;
	v0 =	vld [tilespmem:s15+$0xFFFFFFF0];
	[tilespmem:s13+$0x30] =	vst v7  }
0xbf: {  	v2 =	vmov s17;
	v12 =	vld [tilespmem:s15+$0x20];
	[tilespmem:s13+$0x40] =	vst v3  }
0xc0: {  	v7 =	vor.u32 $0x2, v2;
	v9 =	vor.u32 $0x3, v2;
	v2 =	vor.u32 $0x4, v2;
	v10 =	vld [tilespmem:s15+$0xFFFFFFB0];
	[tilespmem:s13+$0xFFFFFFC0] =	vst v8  }
0xc1: {  	v11 =	vld [tilespmem:s15+$0x10];
	[tilespmem:s13+$0xFFFFFFF0] =	vst v5  }
0xc2: {  	v3 =	vld [tilespmem:s15+$0x40];
	[tilespmem:s13+$0x0] =	vst v1  }
0xc3: {  	v1 =	vld [tilespmem:s15+$0x0];
	[tilespmem:s13+$0xFFFFFFD0] =	vst v6  }
0xc4: {  	v13 =	vld [tilespmem:s15+$0x30];
	[tilespmem:s13+$0xFFFFFFE0] =	vst v4;
	s13 =	smov.u32 s15  }
0xc5: {  	v5 =	vld.idx.msk [tilespmem:v2+s30+$0x0], $0xffff  }
0xc6: {  	v8 =	vld.idx.msk [tilespmem:v7+s30+$0x0], $0xffff  }
0xc7: {  	v2 =	vld.idx.msk [tilespmem:v9+s30+$0x0], $0xffff  }
.Ltmp8:
0xc8: {  	v9 =	vld [tilespmem:s15+$0xFFFFFFC0];
	(pc) =	sbr.rel @p1 .LBB2_9-.Ltmp8, $4  }
0xc9: {  	v4 =	vld [tilespmem:s15+$0xFFFFFFE0]  }
0xca: {  	v6 =	vld [tilespmem:s15+$0xFFFFFFD0]  }
0xcb: {  	v11 =	vmul.f32 v11, v5;
	v7 =	vmul.f32 v13, v5  }
0xcc: {  	v12 =	vmul.f32 v12, v5;
	v10 =	vmul.f32 v10, v8  }
0xcd: {  	[tilespmem:s13+$0x10] =	vst v11  }
0xce: {  	[tilespmem:s13+$0x30] =	vst v7  }
0xcf: {  	v3 =	vmul.f32 v3, v5;
	[tilespmem:s13+$0x20] =	vst v12  }
0xd0: {  	v61 =	vmul.f32 v9, v8;
	[tilespmem:s13+$0xFFFFFFB0] =	vst v10  }
0xd1: {  	v0 =	vmul.f32 v0, v2;
	[tilespmem:s13+$0x40] =	vst v3  }
.Ltmp9:
0xd2: {  	v1 =	vmul.f32 v1, v2;
	[tilespmem:s13+$0xFFFFFFC0] =	vst v61;
	(pc) =	sbr.rel .LBB2_11-.Ltmp9, $4  }
0xd3: {  	v63 =	vmul.f32 v4, v2;
	[tilespmem:s13+$0xFFFFFFF0] =	vst v0  }
0xd4: {  	v62 =	vmul.f32 v6, v2;
	[tilespmem:s13+$0x0] =	vst v1  }
0xd5: {  	[tilespmem:s13+$0xFFFFFFE0] =	vst v63  }
0xd6: {  	[tilespmem:s13+$0xFFFFFFD0] =	vst v62  }
.LBB2_13:
0xd7: {  	_ =	sfence.sel $0x180000  }
0xd8: {  	[bflag:$0x0] =	sbarrier.arrive $0xFFFF  }
0xd9: {  	_ =	strace $0x90000047  }
0xda: {  	s0 =	stileid.u32;
	[bflag:$0x2] =	sbarrier.arrive $0xFFFF  }
0xdb: {  	p0 =	sne.s32 s0, $0x0;
	s0 =	rddreg [dreg:$0x3]  }
0xdc: {  	s0 =	sadd.s32 @!p0 $0x100000, s0  }
0xdd: {  	[sflag:s0] =	ssyncadd.tile.s32 @!p0 $0x1;
	_ =	shalt  }
.Lfunc_end2:
_tile_overlayer_lowered:
.L_overlay_start_2:
0xde: {  	(tag) =	ssettag $0x2  }
0xdf: {  	s0 =	rddreg [dreg:$0x0];
	s2 =	stileid.u32  }
0xe0: {  	s1 =	rddreg [dreg:$0x1];
	p0 =	sne.s32 s2, $0x0  }
0xe1: {  	s3 =	rddreg [dreg:$0x2];
	[bflag:$0x3] =	sbarrier.arrive $0xFFFF;
	s2 =	simm.s32 @!p0 $0x1C02  }
0xe2: {  	[timem:s3], [sflag:s2] =	dma.local @!p0 [hbm:s0], s1  }
0xe3: {  	s0 =	simm.s32 @!p0 $0x2  }
0xe4: {  	_ =	swait.ge @!p0 [sflag:s0], s1  }
0xe5: {  	s1 =	ssub.s32 @!p0 $0x0, s1;
	[sflag:s0] =	ssyncset.done @!p0 $0x0  }
0xe6: {  	[sflag:s0] =	ssyncadd.s32 @!p0 s1  }
0xe7: {  	[bflag:$0x3] =	sbarrier.arrive $0xFFFF  }
0xe8: {  	_ =	shalt  }

// kernel: kernel.13.cloned.1.call-start
scs
__scs_entry_jumppad:
0x0: {  	(pc) =	sbr.rel $0x88, $3  }
0x1: {  	(tag) =	ssettag $0x0;
	lr =	simm.s32 $0x1  }
0x2: {  	[smem:$0x3F96] =	sst lr;
	_ =	strace $0xD0000000  }
0x3: {  	_ = 	snop  }
0x4: {  	_ = 	snop  }
0x5: {  	_ = 	snop  }
0x6: {  	_ = 	snop  }
0x7: {  	_ = 	snop  }
__scs_overlays_trampoline_lowered:
0x8: {  	[smem:$0x3FA5] =	sst s0  }
0x9: {  	[smem:$0x3FA6] =	sst s1  }
0xa: {  	[smem:$0x3FA7] =	sst s2  }
0xb: {  	[smem:$0x3FA8] =	sst s3  }
0xc: {  	[smem:$0x3FA9] =	sst s4  }
0xd: {  	[smem:$0x3FAA] =	sst s5  }
0xe: {  	[smem:$0x3FAB] =	sst s6  }
0xf: {  	[smem:$0x3FAC] =	sst s7  }
0x10: {  	[smem:$0x3FAD] =	sst s8  }
0x11: {  	[smem:$0x3FAE] =	sst s9;
	s0 =	simm.s32 @!p0 $0x0  }
0x12: {  	s1 =	sld [smem:$0x3F94];
	s0 =	simm.s32 @p0 $0x1  }
0x13: {  	[smem:$0x3FAF] =	sst s0;
	s0 =	simm.s32 @!p1 $0x0  }
0x14: {  	s2 =	sld [smem:$0x3F93];
	s0 =	simm.s32 @p1 $0x1  }
0x15: {  	[smem:$0x3FB0] =	sst s0;
	s0 =	simm.s32 @!p2 $0x0  }
0x16: {  	s3 =	sld [smem:$0x3FDB];
	s0 =	simm.s32 @p2 $0x1  }
0x17: {  	s4 =	simm.s32 $0x1BF5;
	[smem:$0x3FB2] =	sst s0  }
0x18: {  	s0 =	sld [smem:$0x3F95];
	_ =	swait.ge [sflag:s4], $0x0  }
0x19: {  	s7 =	sld [smem:$0x3F96]  }
0x1a: {  	s8 =	sadd.s32 $0xFFFFE003, lr  }
0x1b: {  	s9 =	sadd.s32 $0xFFFFFEF7, lr;
	s5 =	simm.s32 $0xFFFFFFFF;
	p2 =	slt.u32 s8, $0xFFFFF086  }
0x1c: {  	p1 =	slt.u32 s9, $0xF7A;
	s5 =	simm.s32 @!p2 $0x0  }
0x1d: {  	s5 =	simm.s32 @p1 $0x1;
	p0 =	seq.s32 s7, s2  }
0x1e: {  	s7 =	smul.u32 @!p0 $0xF7A, s2;
	p2 =	seq.s32 @!p0 s5, $0x0  }
0x1f: {  	s9 =	smul.u32 $0xF7A, s1;
	s8 =	simm.s32 @!p0 $0x1BF5;
	p2 =	por !p2, p0  }
0x20: {  	[sflag:s8] =	ssyncset.s32 @!p0 $0xFFFFF086;
	s6 =	sadd.s32 @!p0 s3, s7;
	s7 =	simm.s32 @!p0 $0x108  }
0x21: {  	s3 =	sadd.s32 s3, s9;
	s6 =	sadd.s32 @!p0 $0x88, s6;
	s7 =	simm.s32 @p2 $0x1082  }
0x22: {  	[simem:s7], [sflag:s8] =	dma.local @!p0 [hbm:s6], $0xF7A  }
0x23: {  	s9 =	sor.u32 $0xD0000000, s2;
	s6 =	simm.s32 $0x108;
	_ =	swait.ge @!p0 [sflag:s8], $0x0  }
0x24: {  	s3 =	sadd.s32 $0x88, s3;
	s6 =	simm.s32 @!p1 $0x1082;
	[sflag:s4] =	ssyncset.s32 $0xFFFFF086  }
0x25: {  	[simem:s6], [sflag:s4] =	dma.local [hbm:s3], $0xF7A  }
0x26: {  	[smem:$0x3F96] =	sst s1;
	(tag) =	ssettag s2;
	_ =	strace s9  }
0x27: {  	s1 =	sld [smem:$0x3FA6]  }
0x28: {  	s2 =	sld [smem:$0x3FA7]  }
0x29: {  	s4 =	sld [smem:$0x3FA9]  }
0x2a: {  	p0 =	seq.s32 s5, $0x0;
	s5 =	sld [smem:$0x3FAA]  }
0x2b: {  	s6 =	sld [smem:$0x3FAB]  }
0x2c: {  	s7 =	sld [smem:$0x3FAC]  }
0x2d: {  	s3 =	simm.s32 $0x108;
	s8 =	sld [smem:$0x3FAD]  }
0x2e: {  	s3 =	simm.s32 @!p0 $0x1082;
	s9 =	sld [smem:$0x3FAE]  }
0x2f: {  	lr =	sadd.s32 s0, s3;
	s0 =	sld [smem:$0x3FA5]  }
0x30: {  	s3 =	sld [smem:$0x3FA8]  }
0x31: {  	[smem:$0x3FB1] =	sst s10  }
0x32: {  	s10 =	sld [smem:$0x3FAF];
	_ =	sdelay $0x3  }
0x33: {  	p0 =	seq.s32 s10, $0x1;
	s10 =	sld [smem:$0x3FB1];
	_ =	sdelay $0x3  }
0x34: {  	[smem:$0x3FB1] =	sst s10  }
0x35: {  	s10 =	sld [smem:$0x3FB0];
	_ =	sdelay $0x3  }
0x36: {  	p1 =	seq.s32 s10, $0x1;
	s10 =	sld [smem:$0x3FB1];
	_ =	sdelay $0x3  }
0x37: {  	[smem:$0x3FB1] =	sst s10  }
0x38: {  	s10 =	sld [smem:$0x3FB2]  }
0x39: {  	_ = 	snop;
	(pc) =	sbr.ind lr, $3  }
0x3a: {  	_ = 	snop  }
0x3b: {  	_ = 	snop  }
0x3c: {  	p2 =	seq.s32 s10, $0x1;
	s10 =	sld [smem:$0x3FB1]  }
0x3d: {  	_ =	shalt  }
0x3e: {  	_ =	shalt  }
0x3f: {  	_ =	shalt  }
0x40: {  	_ =	shalt  }
0x41: {  	_ =	shalt  }
0x42: {  	_ =	shalt  }
0x43: {  	_ =	shalt  }
0x44: {  	_ =	shalt  }
0x45: {  	_ =	shalt  }
0x46: {  	_ =	shalt  }
0x47: {  	_ =	shalt  }
0x48: {  	_ =	shalt  }
0x49: {  	_ =	shalt  }
0x4a: {  	_ =	shalt  }
0x4b: {  	_ =	shalt  }
0x4c: {  	_ =	shalt  }
0x4d: {  	_ =	shalt  }
0x4e: {  	_ =	shalt  }
0x4f: {  	_ =	shalt  }
0x50: {  	_ =	shalt  }
0x51: {  	_ =	shalt  }
0x52: {  	_ =	shalt  }
0x53: {  	_ =	shalt  }
0x54: {  	_ =	shalt  }
0x55: {  	_ =	shalt  }
0x56: {  	_ =	shalt  }
0x57: {  	_ =	shalt  }
0x58: {  	_ =	shalt  }
0x59: {  	_ =	shalt  }
0x5a: {  	_ =	shalt  }
0x5b: {  	_ =	shalt  }
0x5c: {  	_ =	shalt  }
0x5d: {  	_ =	shalt  }
0x5e: {  	_ =	shalt  }
0x5f: {  	_ =	shalt  }
0x60: {  	_ =	shalt  }
0x61: {  	_ =	shalt  }
0x62: {  	_ =	shalt  }
0x63: {  	_ =	shalt  }
0x64: {  	_ =	shalt  }
0x65: {  	_ =	shalt  }
0x66: {  	_ =	shalt  }
0x67: {  	_ =	shalt  }
0x68: {  	_ =	shalt  }
0x69: {  	_ =	shalt  }
0x6a: {  	_ =	shalt  }
0x6b: {  	_ =	shalt  }
0x6c: {  	_ =	shalt  }
0x6d: {  	_ =	shalt  }
0x6e: {  	_ =	shalt  }
0x6f: {  	_ =	shalt  }
0x70: {  	_ =	shalt  }
0x71: {  	_ =	shalt  }
0x72: {  	_ =	shalt  }
0x73: {  	_ =	shalt  }
0x74: {  	_ =	shalt  }
0x75: {  	_ =	shalt  }
0x76: {  	_ =	shalt  }
0x77: {  	_ =	shalt  }
0x78: {  	_ =	shalt  }
0x79: {  	_ =	shalt  }
0x7a: {  	_ =	shalt  }
0x7b: {  	_ =	shalt  }
0x7c: {  	_ =	shalt  }
0x7d: {  	_ =	shalt  }
0x7e: {  	_ =	shalt  }
0x7f: {  	_ =	shalt  }
0x80: {  	_ =	shalt  }
0x81: {  	_ =	shalt  }
0x82: {  	_ =	shalt  }
0x83: {  	_ =	shalt  }
0x84: {  	_ =	shalt  }
0x85: {  	_ =	shalt  }
0x86: {  	_ =	shalt  }
0x87: {  	_ =	shalt  }
.Lfunc_end0:
.L_simem_size_0:
called_computation.1_lowered:
.L_overlay_start_0:
0x88: {  	s2 =	sld [smem:$0x3FD9]  }
0x89: {  	s3 =	sld [smem:$0x3FFE];
	_ =	sdelay $0x1  }
0x8a: {  	s1 =	srdreg.scid  }
0x8b: {  	s0 =	sand.u32 $0x1, s1  }
0x8c: {  	s17 =	sshll.u32 s0, $0xA;
	s2 =	sadd.s32 s3, s2  }
0x8d: {  	s2 =	sadd.s32 s2, s17  }
0x8e: {  	[smem:$0x3FBD] =	sst s2  }
0x8f: {  	_ = 	snop  }
0x90: {  	(tm) =	ssettm $0x1  }
0x91: {  	s18 =	sld [smem:$0x3FFB];
	_ =	sdelay $0x3  }
0x92: {  	_ =	strace s18  }
0x93: {  	s2 =	sld [smem:$0x3FFC];
	_ =	sdelay $0x3  }
0x94: {  	_ =	strace s2  }
0x95: {  	s2 =	sld [smem:$0x3FFD];
	_ =	sdelay $0x3  }
0x96: {  	_ =	strace s2  }
0x97: {  	_ =	strace $0x8FFFFFFF  }
0x98: {  	s19 =	sld [smem:$0x3FDB];
	_ =	sdelay $0x1  }
0x99: {  	s20 =	simm.s32 $_scs_section_size  }
0x9a: {  	s4 =	simm.s32 $_size__tile_overlayer_lowered;
	s5 =	simm.s32 $_tile_overlayer_lowered  }
0x9b: {  	s6 =	simm.s32 $0x1BFF;
	s21 =	sshll.u32 s5, $0x1;
	s3 =	sadd.s32 s20, s19  }
0x9c: {  	s22 =	simm.s32 $0x0;
	s4 =	sshll.u32 s4, $0x1;
	s5 =	sadd.s32 s21, s3  }
0x9d: {  	[timem:s22], [sflag:s6] =	dma.local [hbm:s5], s4  }
0x9e: {  	_ =	swait.ge [sflag:s6], s4  }
0x9f: {  	s4 =	ssub.s32 $0x0, s4;
	[sflag:s6] =	ssyncset.done $0x0  }
0xa0: {  	[sflag:s6] =	ssyncadd.s32 s4;
	_ =	sdelay $0x1  }
0xa1: {  	s23 =	simm.s32 $0x1B8B  }
0xa2: {  	_ =	swait.ge [sflag:s23], $0x1  }
0xa3: {  	[sflag:s23] =	ssyncset.done $0x0  }
0xa4: {  	[sflag:s23] =	ssyncadd.s32 $0xFFFFFFFF  }
0xa5: {  	s4 =	sld [smem:$0x0]  }
0xa6: {  	s5 =	sand.u32 $0xFFFFFFFE, s1  }
0xa7: {  	p0 =	sne.s32 s1, s5  }
0xa8: {  	s5 =	sshll.u32 @p0 s5, $0xE  }
0xa9: {  	s5 =	sadd.s32 @p0 $0x11B8D, s5;
	s6 =	sshll.u32 @p0 s4, $0x11  }
0xaa: {  	s5 =	sor.u32 @p0 s6, s5  }
0xab: {  	[sflag:s5] =	ssyncadd.remote.s32 @p0 $0x1;
	_ =	sdelay $0x1  }
0xac: {  	s5 =	simm.s32 @p0 $0x1B8D  }
0xad: {  	_ =	swait.eq @p0 [sflag:s5], $0x1  }
0xae: {  	[sflag:s5] =	ssyncadd.s32 @p0 $0xFFFFFFFF  }
0xaf: {  	s6 =	sshll.u32 @!p0 s1, $0xE  }
0xb0: {  	s6 =	sor.u32 @!p0 $0x4000, s6;
	s5 =	simm.s32 @!p0 $0x1B8D  }
0xb1: {  	s4 =	sshll.u32 @!p0 s4, $0x11;
	s6 =	sadd.s32 @!p0 $0x11B8D, s6;
	_ =	swait.eq @!p0 [sflag:s5], $0x1  }
0xb2: {  	s4 =	sor.u32 @!p0 s4, s6;
	[sflag:s5] =	ssyncadd.s32 @!p0 $0xFFFFFFFF  }
0xb3: {  	s25 =	simm.s32 $0x1B8E;
	s24 =	sld [smem:$0x3FFE];
	[sflag:s4] =	ssyncadd.remote.s32 @!p0 $0x1  }
0xb4: {  	s26 =	simm.s32 $execute0_lowered;
	[smem:$0x3FD2] =	sst s25  }
0xb5: {  	s5 =	sshll.u32 s26, $0x1;
	_ =	strace $0x8000004C;
	[dreg:$0x1] =	wrdreg $0xFFFFFFFF  }
0xb6: {  	s28 =	simm.s32 $_size_execute0_lowered;
	s3 =	sadd.s32 s3, s5;
	[dreg:$0x0] =	wrdreg $0x0  }
0xb7: {  	s5 =	sshll.u32 s28, $0x1;
	[dreg:$0x2] =	wrdreg s3  }
0xb8: {  	[dreg:$0x3] =	wrdreg s5  }
0xb9: {  	[dreg:$0x4] =	wrdreg $0xC0  }
0xba: {  	_ =	task [dreg:s22], $0x5FFFF  }
0xbb: {  	[dreg:$0x1] =	wrdreg $0xFFFFFFFF  }
0xbc: {  	[dreg:$0x0] =	wrdreg $0x60  }
0xbd: {  	[dreg:$0x2] =	wrdreg s24  }
0xbe: {  	[dreg:$0x3] =	wrdreg $0x25D00  }
0xbf: {  	[dreg:$0x4] =	wrdreg $0x9  }
0xc0: {  	_ =	task.clear_ibuf [dreg:s22], $0x5FFFF;
	_ =	strace $0x9000004C  }
0xc1: {  	s29 =	simm.s32 $0x9;
	_ =	strace $0x8000004E  }
0xc2: {  	_ =	swait.ge [sflag:s29], $0x1  }
0xc3: {  	[sflag:s29] =	ssyncadd.s32 $0xFFFFFFFF  }
0xc4: {  	_ =	strace $0x9000004E  }
0xc5: {  	_ =	sfence  }
0xc6: {  	s30 =	sld [smem:$0x0];
	_ =	sdelay $0x2  }
0xc7: {  	s31 =	sshll.u32 s1, $0xD;
	s1 =	sshrl.u32 s1, $0x2  }
0xc8: {  	s4 =	sand.u32 $0x4000, s31;
	s1 =	sadd.s32 s1, s30  }
0xc9: {  	s0 =	sor.u32 s4, s0;
	s1 =	sshll.u32 s1, $0x11  }
0xca: {  	s0 =	sor.u32 s1, s0  }
0xcb: {  	s0 =	sadd.s32 $0x8F2B, s0  }
0xcc: {  	[sflag:s0] =	ssyncadd.remote.s32 $0x1  }
0xcd: {  	_ =	sfence.sel $0xFFFF  }
0xce: {  	[dreg:$0x0] =	wrdreg $0xFFFFFFFF;
	(pc) =	sbr.abs _section_cstart, $3  }
0xcf: {  	[dreg:$0x1] =	wrdreg $0xFFFFFFFF  }
0xd0: {  	_ =	task.clear_ibuf [dreg:s22], $0x2FFFF;
	_ =	strace $0x9FFFFFFF  }
0xd1: {  	(tm) =	ssettm $0x7FFFFFFF  }
tec
execute0_lowered:
.L_overlay_start_1:
0x0: {  	(tag) =	ssettag $0x1  }
0x1: {  	s10 =	rddreg [dreg:$0x0]  }
0x2: {  	s1 =	rddreg [dreg:$0x1]  }
0x3: {  	s0 =	rddreg [dreg:$0x2];
	s2 =	simm.s32 $0x0;
	s11 =	srdreg.scid  }
0x4: {  	s7 =	stileid.u32;
	s19 =	simm.s32 $0x2D0;
	s20 =	simm.s32 $0x1  }
0x5: {  	s22 =	simm.s32 $0x550;
	[smem:$0x7FF] =	sst s2;
	s3 =	sadd.s32 $0xB2200, s10  }
0x6: {  	s4 =	sadd.s32 $0xA8400, s10;
	s5 =	sadd.s32 $0xC1000, s10;
	s6 =	sadd.s32 $0xBC000, s10  }
0x7: {  	s8 =	sadd.s32 $0x10FA00, s10;
	s9 =	sadd.s32 $0x41400, s10;
	s12 =	sadd.s32 $0xD5000, s10  }
0x8: {  	s21 =	sand.u32 $0x1, s11;
	s14 =	smul.u32 $0x1D4C0, s7;
	s15 =	sadd.s32 $0x184E00, s10  }
0x9: {  	s13 =	sadd.s32 $0x6A00, s10;
	s16 =	sadd.s32 $0x14A400, s10;
	s10 =	smul.u32 $0x4E20, s7  }
0xa: {  	s18 =	sshll.u32 s7, $0x6;
	_ =	strace $0x8000004D;
	s11 =	ssub.s32 $0x2, s21  }
0xb: {  	p0 =	seq.s32 s21, $0x0;
	s31 =	sshrl.u32 s11, $0x1;
	s17 =	sadd.s32 s14, s1  }
.Ltmp0:
0xc: {  	s14 =	sshrl.u32 s14, $0x3;
	s13 =	smov.u32 @p0 s12;
	(pc) =	sbr.rel .LBB2_1-.Ltmp0, $4  }
0xd: {  	s16 =	smov.u32 @p0 s15;
	p0 =	sne.s32 s21, $0x0;
	s21 =	simm.s32 $0x7D0  }
0xe: {  	s11 =	ssub.s32 s11, s31;
	s12 =	sadd.s32 s13, s14;
	s13 =	sor.u32 $0x1C02, s18  }
0xf: {  	s14 =	sadd.s32 s16, s14;
	s15 =	sshrl.u32 s17, $0x3;
	s16 =	simm.s32 $0x2  }
0x10: {  	s17 =	simm.s32 $0x28;
	s18 =	simm.s32 $0x50;
	s11 =	smax.u32 s11, $0x1  }
.LBB2_12:
0x11: {  	s2 =	sadd.s32 $0x1, s2  }
0x12: {  	p1 =	sne.s32 s2, s11  }
.Ltmp1:
0x13: {  	[bflag:$0x0] =	sbarrier.arrive $0xFFFF;
	(pc) =	sbr.rel @!p1 .LBB2_13-.Ltmp1, $4  }
0x14: {  	[hbm:s14], [sflag:s13] =	dma.local [spmem:s15], $0x3A98  }
0x15: {  	_ =	swait.ge [sflag:s16], $0x3A98  }
0x16: {  	[sflag:s16] =	ssyncset.done $0x0  }
0x17: {  	[sflag:s16] =	ssyncadd.s32 $0xFFFFC568  }
.LBB2_1:
0x18: {  	[spmem:s15], [sflag:s13] =	dma.local [hbm:s12], $0x3A98  }
.Ltmp2:
0x19: {  	_ =	swait.ge [sflag:s16], $0x3A98;
	(pc) =	sbr.rel .LBB2_2-.Ltmp2, $4  }
0x1a: {  	[sflag:s16] =	ssyncset.done $0x0  }
0x1b: {  	[sflag:s16] =	ssyncadd.s32 $0xFFFFC568  }
0x1c: {  	[bflag:$0x0] =	sbarrier.arrive $0xFFFF  }
0x1d: {  	s23 =	simm.s32 $0x0  }
.LBB2_11:
0x1e: {  	s23 =	sadd.s32 $0x1, s23  }
0x1f: {  	p1 =	sne.s32 s23, $0x1F4  }
.Ltmp3:
0x20: {  	_ = 	snop;
	(pc) =	sbr.rel @!p1 .LBB2_12-.Ltmp3, $4  }
0x21: {  	[spmem:s1] =	stream.indirect.scatter.add.f32 [tilespmem:s21], [sflag:$0x2], $0xC0, s17, s17, $0xb8;
	[tilespmem:$0x1FA90] =	vst v63  }
0x22: {  	_ =	swait.ge [sflag:s16], $0x1E00  }
0x23: {  	[sflag:s16] =	ssyncset.done $0x0  }
0x24: {  	[sflag:s16] =	ssyncadd.s32 $0xFFFFE200  }
.LBB2_2:
0x25: {  	s24 =	smul.u32 $0x28, s23;
	_ =	sdelay $0x1  }
0x26: {  	s24 =	sadd.s32 s10, s24  }
0x27: {  	s24 =	sshrl.u32 s24, $0x3  }
0x28: {  	s26 =	simm.s32 $0x0;
	s25 =	sadd.s32 s3, s24  }
0x29: {  	[tilespmem:s26], [sflag:$0x2] =	stream.linear.gather [hbm4b:s25+s26], $0x28, $0x38;
	[tilespmem:$0x1FA90] =	vst v63  }
0x2a: {  	_ =	swait.ge [sflag:s16], $0x28  }
0x2b: {  	[sflag:s16] =	ssyncset.done $0x0  }
0x2c: {  	s24 =	sadd.s32 s4, s24;
	[sflag:s16] =	ssyncadd.s32 $0xFFFFFFD8  }
0x2d: {  	[tilespmem:s17], [sflag:$0x2] =	stream.linear.gather [hbm4b:s24+s26], $0x28, $0x38;
	[tilespmem:$0x1FA90] =	vst v63  }
0x2e: {  	_ =	swait.ge [sflag:s16], $0x28  }
0x2f: {  	[sflag:s16] =	ssyncset.done $0x0  }
0x30: {  	[sflag:s16] =	ssyncadd.s32 $0xFFFFFFD8  }
0x31: {  	[tilespmem:s18], [sflag:$0x1] =	stream.indirect.gather [hbm4b:s5+s17], $0x10, s26, s17, $0xb8;
	[tilespmem:$0x1FA90] =	vst v63  }
0x32: {  	_ = 	snop  }
0x33: {  	[tilespmem:s19], [sflag:$0x1] =	stream.indirect.gather [hbm4b:s6+s17], $0x10, s17, s17, $0xb8;
	[tilespmem:$0x1FA90] =	vst v63  }
0x34: {  	_ =	swait.ge [sflag:s20], $0x280  }
0x35: {  	[sflag:s20] =	ssyncset.done $0x0  }
0x36: {  	[sflag:s20] =	ssyncadd.s32 $0xFFFFFD80  }
0x37: {  	_ =	swait.ge [sflag:s20], $0x280  }
0x38: {  	[sflag:s20] =	ssyncset.done $0x0  }
0x39: {  	s24 =	simm.s32 $0x0;
	[sflag:s20] =	ssyncadd.s32 $0xFFFFFD80  }
0x3a: {  	v0 =	vld [tilespmem:s24+$0x50]  }
0x3b: {  	v1 =	vld [tilespmem:s24+$0x2D0];
	_ =	sdelay $0x4  }
0x3c: {  	v0 =	vadd.f32 v1, v0;
	_ =	sdelay $0x1  }
0x3d: {  	s25 =	simm.s32 $0x10;
	v1 =	vmul.f32 $2.000000030e-01, v0  }
0x3e: {  	v2 =	vld [tilespmem:s25+$0x50]  }
0x3f: {  	v3 =	vld [tilespmem:s25+$0x2D0];
	v0 =	vmax.f32 v0, v1  }
0x40: {  	s28 =	simm.s32 $0x20;
	v0 =	vmul.f32 $1.442695020e+00, v0  }
0x41: {  	v1 =	vld [tilespmem:s28+$0x50]  }
0x42: {  	(erf) = vpow2.f32 v0;
	v0 =	vld [tilespmem:s28+$0x2D0];
	_ =	sdelay $0x1  }
0x43: {  	v2 =	vadd.f32 v3, v2;
	_ =	sdelay $0x1  }
0x44: {  	v3 =	vmul.f32 $2.000000030e-01, v2  }
0x45: {  	v4 =	vadd.f32 v0, v1  }
0x46: {  	v0 =	vmax.f32 v2, v3  }
0x47: {  	s26 =	simm.s32 $0x30;
	v1 =	vmul.f32 $1.442695020e+00, v0;
	v2 =	vmul.f32 $2.000000030e-01, v4  }
0x48: {  	v0 =	vld [tilespmem:s26+$0x50]  }
0x49: {  	(erf) = vpow2.f32 v1;
	v1 =	vld [tilespmem:s26+$0x2D0];
	_ =	sdelay $0x1  }
0x4a: {  	s29 =	simm.s32 $0x100;
	v3 =	vmax.f32 v4, v2;
	v2 =	vpop (erf)  }
.LBB2_3:
0x4b: {  	s30 =	sshra.s32 s29, $0x2  }
0x4c: {  	v3 =	vmul.f32 $1.442695020e+00, v3;
	[tilespmem:s24+$0x550] =	vst v2;
	s24 =	smov.u32 s25;
	s25 =	smov.u32 s28;
	p1 =	sne.s32 s29, $0x9C0  }
.Ltmp4:
0x4d: {  	s29 =	sadd.s32 $0x40, s29;
	v2 =	vadd.f32 v1, v0;
	v0 =	vld [tilespmem:s30+$0x50];
	(pc) =	sbr.rel @p1 .LBB2_3-.Ltmp4, $3  }
0x4e: {  	s28 =	smov.u32 s26;
	s26 =	smov.u32 s30;
	v1 =	vld [tilespmem:s30+$0x2D0];
	(erf) = vpow2.f32 v3  }
0x4f: {  	v3 =	vmul.f32 $2.000000030e-01, v2;
	_ =	sdelay $0x1  }
0x50: {  	v3 =	vmax.f32 v2, v3;
	v2 =	vpop (erf)  }
0x51: {  	_ = 	snop  }
0x52: {  	v0 =	vadd.f32 v1, v0;
	_ =	sdelay $0x1  }
0x53: {  	v1 =	vmul.f32 $2.000000030e-01, v0;
	_ =	sdelay $0x1  }
0x54: {  	v3 =	vmul.f32 $1.442695020e+00, v3;
	v0 =	vmax.f32 v0, v1  }
0x55: {  	v0 =	vmul.f32 $1.442695020e+00, v0  }
0x56: {  	(erf) = vpow2.f32 v3  }
0x57: {  	(erf) = vpow2.f32 v0;
	_ =	sdelay $0x5  }
.Ltmp5:
0x58: {  	_ = 	snop;
	(pc) =	sbr.rel @p0 .LBB2_8-.Ltmp5, $4  }
0x59: {  	[tilespmem:s24+$0x550] =	vst v2;
	v61 =	vpop (erf)  }
0x5a: {  	[tilespmem:s25+$0x550] =	vst v61;
	v62 =	vpop (erf)  }
0x5b: {  	[tilespmem:s28+$0x550] =	vst v62;
	v63 =	vpop (erf)  }
0x5c: {  	s24 =	simm.s32 $0x0;
	[tilespmem:s26+$0x550] =	vst v63  }
0x5d: {  	[tilespmem:s21], [sflag:$0x2] =	stream.indirect.gather [hbm4b:s8+s17], $0xC0, s24, s17, $0xb8;
	[tilespmem:$0x1FA90] =	vst v63  }
0x5e: {  	_ =	swait.ge [sflag:s16], $0x1E00  }
0x5f: {  	s31 =	simm.s32 $0x0;
	[sflag:s16] =	ssyncset.done $0x0  }
0x60: {  	s24 =	simm.s32 $0x830;
	v0 =	vmov s31;
	[sflag:s16] =	ssyncadd.s32 $0xFFFFE200  }
0x61: {  	v3 =	vld [tilespmem:s24+$0xFFFFFFF0]  }
0x62: {  	v1 =	vld [tilespmem:s24+$0xFFFFFFB0]  }
0x63: {  	v2 =	vld [tilespmem:s24+$0xFFFFFFA0]  }
0x64: {  	v5 =	vld [tilespmem:s24+$0xFFFFFFC0]  }
0x65: {  	v4 =	vld.idx.msk [tilespmem:v0+s22+$0x0], $0xffff;
	v0 =	vor.u32 $0x1, v0  }
0x66: {  	v6 =	vld [tilespmem:s24+$0xFFFFFFD0]  }
0x67: {  	v7 =	vld [tilespmem:s24+$0xFFFFFFE0]  }
0x68: {  	v8 =	vld [tilespmem:s24+$0x10]  }
0x69: {  	v9 =	vld [tilespmem:s24+$0x0]  }
0x6a: {  	v2 =	vmul.f32 v2, v4;
	v0 =	vld.idx.msk [tilespmem:v0+s22+$0x0], $0xffff  }
0x6b: {  	v5 =	vmul.f32 v5, v4;
	v10 =	vmul.f32 v3, v4;
	v3 =	vld [tilespmem:s24+$0x40]  }
0x6c: {  	v1 =	vmul.f32 v1, v4;
	[tilespmem:s24+$0xFFFFFFA0] =	vst v2;
	v2 =	vld [tilespmem:s24+$0x30]  }
0x6d: {  	v6 =	vmul.f32 v6, v4;
	[tilespmem:s24+$0xFFFFFFC0] =	vst v5;
	v5 =	vld [tilespmem:s24+$0x20]  }
0x6e: {  	v7 =	vmul.f32 v7, v4;
	[tilespmem:s24+$0xFFFFFFB0] =	vst v1;
	v1 =	vld [tilespmem:s24+$0x50]  }
0x6f: {  	[tilespmem:s24+$0xFFFFFFD0] =	vst v6  }
0x70: {  	[tilespmem:s24+$0xFFFFFFE0] =	vst v7;
	v6 =	vmul.f32 v9, v4  }
0x71: {  	s26 =	simm.s32 $0x1;
	s28 =	simm.s32 $0x2;
	s25 =	simm.s32 $0x830;
	v4 =	vmul.f32 v8, v4;
	[tilespmem:s24+$0xFFFFFFF0] =	vst v10  }
.LBB2_6:
0x72: {  	p1 =	seq.s32 s28, $0x27;
	s29 =	sshll.u32 s26, $0x4;
	[tilespmem:s24+$0x0] =	vst v6;
	v5 =	vmul.f32 v5, v0;
	v2 =	vmul.f32 v2, v0;
	s26 =	smov.u32 s28  }
0x73: {  	s24 =	sadd.s32 $0xC0, s24;
	v6 =	vmov s29;
	[tilespmem:s25+$0x10] =	vst v4;
	v3 =	vmul.f32 v3, v0;
	v0 =	vmul.f32 v1, v0  }
0x74: {  	v4 =	vld [tilespmem:s24+$0xFFFFFFF0];
	[tilespmem:s25+$0x20] =	vst v5  }
0x75: {  	v5 =	vld [tilespmem:s24+$0x10];
	[tilespmem:s25+$0x30] =	vst v2  }
0x76: {  	v2 =	vld [tilespmem:s24+$0xFFFFFFD0];
	[tilespmem:s25+$0x40] =	vst v3  }
0x77: {  	v1 =	vld [tilespmem:s24+$0xFFFFFFB0];
	[tilespmem:s25+$0x50] =	vst v0;
	s25 =	smov.u32 s24  }
0x78: {  	v3 =	vld.idx.msk [tilespmem:v6+s22+$0x0], $0xffff  }
0x79: {  	v0 =	vld [tilespmem:s24+$0xFFFFFFA0]  }
0x7a: {  	v7 =	vld [tilespmem:s24+$0xFFFFFFC0]  }
0x7b: {  	v6 =	vor.u32 $0x1, v6;
	v8 =	vld [tilespmem:s24+$0xFFFFFFE0]  }
0x7c: {  	v9 =	vld [tilespmem:s24+$0x0];
	_ =	sdelay $0x1  }
0x7d: {  	v11 =	vmul.f32 v1, v3;
	v10 =	vmul.f32 v0, v3;
	v1 =	vld [tilespmem:s24+$0x50]  }
0x7e: {  	v12 =	vmul.f32 v2, v3;
	v7 =	vmul.f32 v7, v3;
	v2 =	vld [tilespmem:s24+$0x30]  }
0x7f: {  	v0 =	vld.idx.msk [tilespmem:v6+s22+$0x0], $0xffff;
	[tilespmem:s24+$0xFFFFFFB0] =	vst v11;
	v8 =	vmul.f32 v8, v3;
	v11 =	vmul.f32 v4, v3  }
.Ltmp6:
0x80: {  	v4 =	vmul.f32 v5, v3;
	[tilespmem:s24+$0xFFFFFFA0] =	vst v10;
	v6 =	vmul.f32 v9, v3;
	v5 =	vld [tilespmem:s24+$0x20];
	(pc) =	sbr.rel @!p1 .LBB2_6-.Ltmp6, $4  }
0x81: {  	[tilespmem:s24+$0xFFFFFFC0] =	vst v7;
	v3 =	vld [tilespmem:s24+$0x40]  }
0x82: {  	[tilespmem:s24+$0xFFFFFFD0] =	vst v12  }
0x83: {  	[tilespmem:s24+$0xFFFFFFE0] =	vst v8  }
0x84: {  	s28 =	sadd.s32 $0x1, s28;
	[tilespmem:s24+$0xFFFFFFF0] =	vst v11  }
0x85: {  	[tilespmem:s24+$0x0] =	vst v6;
	v5 =	vmul.f32 v5, v0;
	s26 =	sshll.u32 s26, $0x4  }
0x86: {  	s31 =	sadd.s32 $0xC0, s24;
	v52 =	vmul.f32 v1, v0;
	[tilespmem:s25+$0x10] =	vst v4;
	v51 =	vmov s26  }
0x87: {  	v2 =	vmul.f32 v2, v0;
	v4 =	vld [tilespmem:s31+$0xFFFFFFF0];
	[tilespmem:s25+$0x20] =	vst v5  }
0x88: {  	v3 =	vmul.f32 v3, v0;
	[tilespmem:s25+$0x50] =	vst v52  }
0x89: {  	v5 =	vld [tilespmem:s31+$0x10];
	[tilespmem:s25+$0x30] =	vst v2  }
0x8a: {  	v53 =	vld [tilespmem:s31+$0xFFFFFFB0];
	[tilespmem:s25+$0x40] =	vst v3  }
0x8b: {  	v0 =	vld.idx.msk [tilespmem:v51+s22+$0x0], $0xffff  }
0x8c: {  	v54 =	vld [tilespmem:s31+$0xFFFFFFA0]  }
0x8d: {  	v56 =	vld [tilespmem:s31+$0xFFFFFFC0];
	v55 =	vor.u32 $0x1, v51  }
0x8e: {  	v7 =	vld [tilespmem:s31+$0xFFFFFFD0]  }
0x8f: {  	v8 =	vld [tilespmem:s31+$0xFFFFFFE0]  }
0x90: {  	v1 =	vmul.f32 v53, v0  }
0x91: {  	v9 =	vld [tilespmem:s31+$0x0];
	v2 =	vmul.f32 v54, v0  }
0x92: {  	v3 =	vld.idx.msk [tilespmem:v55+s22+$0x0], $0xffff;
	v6 =	vmul.f32 v56, v0;
	[tilespmem:s31+$0xFFFFFFB0] =	vst v1  }
0x93: {  	v59 =	vld [tilespmem:s31+$0x30];
	v57 =	vmul.f32 v7, v0;
	[tilespmem:s31+$0xFFFFFFA0] =	vst v2  }
0x94: {  	v60 =	vld [tilespmem:s31+$0x40];
	v8 =	vmul.f32 v8, v0;
	[tilespmem:s31+$0xFFFFFFC0] =	vst v6  }
0x95: {  	v58 =	vld [tilespmem:s31+$0x20];
	v4 =	vmul.f32 v4, v0;
	[tilespmem:s31+$0xFFFFFFD0] =	vst v57  }
0x96: {  	v61 =	vld [tilespmem:s31+$0x50];
	v9 =	vmul.f32 v9, v0;
	[tilespmem:s31+$0xFFFFFFE0] =	vst v8  }
0x97: {  	v0 =	vmul.f32 v5, v0;
	[tilespmem:s31+$0xFFFFFFF0] =	vst v4  }
0x98: {  	v62 =	vmul.f32 v59, v3;
	[tilespmem:s31+$0x0] =	vst v9  }
.Ltmp7:
0x99: {  	v63 =	vmul.f32 v60, v3;
	[tilespmem:s31+$0x10] =	vst v0;
	(pc) =	sbr.rel .LBB2_11-.Ltmp7, $4  }
0x9a: {  	v2 =	vmul.f32 v58, v3;
	[tilespmem:s31+$0x30] =	vst v62  }
0x9b: {  	v1 =	vmul.f32 v61, v3;
	[tilespmem:s31+$0x40] =	vst v63  }
0x9c: {  	[tilespmem:s31+$0x20] =	vst v2  }
0x9d: {  	[tilespmem:s31+$0x50] =	vst v1  }
.LBB2_8:
0x9e: {  	[tilespmem:s21], [sflag:$0x2] =	stream.indirect.gather [hbm4b:s9+s17], $0xC0, s24, s17, $0xb8;
	[tilespmem:$0x1FA90] =	vst v63  }
0x9f: {  	_ =	swait.ge [sflag:s16], $0x1E00  }
0xa0: {  	[sflag:s16] =	ssyncset.done $0x0  }
0xa1: {  	s24 =	simm.s32 $0x830;
	[sflag:s16] =	ssyncadd.s32 $0xFFFFE200  }
0xa2: {  	s25 =	simm.s32 $0x0;
	v0 =	vld [tilespmem:s24+$0xFFFFFFF0]  }
0xa3: {  	v1 =	vmov s25;
	v11 =	vld [tilespmem:s24+$0xFFFFFFD0]  }
0xa4: {  	v3 =	vor.u32 $0x1, v1;
	v6 =	vld [tilespmem:s24+$0xFFFFFFA0]  }
0xa5: {  	v4 =	vor.u32 $0x2, v1;
	v1 =	vld [tilespmem:s24+$0x30]  }
0xa6: {  	v2 =	vld [tilespmem:s24+$0x20]  }
0xa7: {  	v10 =	vld [tilespmem:s24+$0xFFFFFFB0]  }
0xa8: {  	v14 =	vld [tilespmem:s24+$0xFFFFFFE0]  }
0xa9: {  	v7 =	vld.idx.msk [tilespmem:v3+s22+$0x0], $0xffff  }
0xaa: {  	v3 =	vld.idx.msk [tilespmem:v4+s22+$0x0], $0xffff  }
0xab: {  	v5 =	vld [tilespmem:s24+$0xFFFFFFC0]  }
0xac: {  	v8 =	vld [tilespmem:s24+$0x0]  }
0xad: {  	v9 =	vld [tilespmem:s24+$0x50]  }
0xae: {  	v4 =	vld [tilespmem:s24+$0x10];
	v12 =	vmul.f32 v6, v7;
	v10 =	vmul.f32 v10, v7  }
0xaf: {  	s26 =	simm.s32 $0x830;
	s25 =	simm.s32 $0x1;
	v6 =	vld [tilespmem:s24+$0x40];
	v13 =	vmul.f32 v11, v7;
	v11 =	vmul.f32 v14, v3  }
.LBB2_9:
0xb0: {  	p1 =	sne.s32 s25, $0x27  }
0xb1: {  	[tilespmem:s24+$0xFFFFFFA0] =	vst v12;
	v5 =	vmul.f32 v5, v7;
	v7 =	vmul.f32 v8, v3;
	s26 =	sadd.s32 $0xC0, s26;
	s28 =	smov.u32 s25;
	s25 =	sadd.s32 $0x1, s25  }
0xb2: {  	v8 =	vmul.f32 v0, v3;
	[tilespmem:s24+$0xFFFFFFD0] =	vst v13;
	v9 =	vmul.f32 v9, v3  }
0xb3: {  	v2 =	vmul.f32 v2, v3;
	[tilespmem:s24+$0xFFFFFFB0] =	vst v10;
	v4 =	vmul.f32 v4, v3  }
0xb4: {  	v1 =	vmul.f32 v1, v3;
	[tilespmem:s24+$0xFFFFFFE0] =	vst v11;
	v3 =	vmul.f32 v6, v3  }
0xb5: {  	[tilespmem:s24+$0xFFFFFFC0] =	vst v5  }
0xb6: {  	s28 =	sshll.u32 s28, $0x4;
	v0 =	vld [tilespmem:s26+$0xFFFFFFF0];
	[tilespmem:s24+$0x50] =	vst v9  }
0xb7: {  	v5 =	vmov s28;
	v11 =	vld [tilespmem:s26+$0xFFFFFFD0];
	[tilespmem:s24+$0x20] =	vst v2  }
0xb8: {  	v6 =	vor.u32 $0x1, v5;
	v9 =	vor.u32 $0x2, v5;
	v10 =	vld [tilespmem:s26+$0xFFFFFFA0];
	[tilespmem:s24+$0x30] =	vst v1  }
0xb9: {  	v1 =	vld [tilespmem:s26+$0x30];
	[tilespmem:s24+$0x0] =	vst v7  }
0xba: {  	v2 =	vld [tilespmem:s26+$0x20];
	[tilespmem:s24+$0x40] =	vst v3  }
0xbb: {  	v5 =	vld [tilespmem:s26+$0xFFFFFFC0];
	[tilespmem:s24+$0x10] =	vst v4  }
0xbc: {  	v13 =	vld [tilespmem:s26+$0xFFFFFFB0];
	[tilespmem:s24+$0xFFFFFFF0] =	vst v8;
	s24 =	smov.u32 s26  }
0xbd: {  	v7 =	vld.idx.msk [tilespmem:v6+s22+$0x0], $0xffff  }
0xbe: {  	v3 =	vld.idx.msk [tilespmem:v9+s22+$0x0], $0xffff  }
0xbf: {  	v14 =	vld [tilespmem:s26+$0xFFFFFFE0]  }
.Ltmp8:
0xc0: {  	v8 =	vld [tilespmem:s26+$0x0];
	(pc) =	sbr.rel @p1 .LBB2_9-.Ltmp8, $4  }
0xc1: {  	v9 =	vld [tilespmem:s26+$0x50]  }
0xc2: {  	v4 =	vld [tilespmem:s26+$0x10]  }
0xc3: {  	v12 =	vmul.f32 v10, v7;
	v10 =	vmul.f32 v13, v7;
	v6 =	vld [tilespmem:s26+$0x40]  }
0xc4: {  	v13 =	vmul.f32 v11, v7;
	v11 =	vmul.f32 v14, v3  }
0xc5: {  	[tilespmem:s24+$0xFFFFFFA0] =	vst v12  }
0xc6: {  	[tilespmem:s24+$0xFFFFFFB0] =	vst v10  }
0xc7: {  	v5 =	vmul.f32 v5, v7;
	[tilespmem:s24+$0xFFFFFFD0] =	vst v13  }
0xc8: {  	v2 =	vmul.f32 v2, v3;
	[tilespmem:s24+$0xFFFFFFE0] =	vst v11  }
0xc9: {  	v1 =	vmul.f32 v1, v3;
	[tilespmem:s24+$0xFFFFFFC0] =	vst v5  }
0xca: {  	v61 =	vmul.f32 v8, v3;
	[tilespmem:s24+$0x20] =	vst v2  }
0xcb: {  	v0 =	vmul.f32 v0, v3;
	[tilespmem:s24+$0x30] =	vst v1  }
.Ltmp9:
0xcc: {  	v60 =	vmul.f32 v9, v3;
	[tilespmem:s24+$0x0] =	vst v61;
	(pc) =	sbr.rel .LBB2_11-.Ltmp9, $4  }
0xcd: {  	v63 =	vmul.f32 v4, v3;
	[tilespmem:s24+$0xFFFFFFF0] =	vst v0  }
0xce: {  	[tilespmem:s24+$0x50] =	vst v60;
	v62 =	vmul.f32 v6, v3  }
0xcf: {  	[tilespmem:s24+$0x10] =	vst v63  }
0xd0: {  	[tilespmem:s24+$0x40] =	vst v62  }
.LBB2_13:
0xd1: {  	_ =	sfence.sel $0x180000  }
0xd2: {  	[bflag:$0x0] =	sbarrier.arrive $0xFFFF  }
0xd3: {  	p0 =	sne.s32 s7, $0x0;
	_ =	strace $0x9000004D  }
0xd4: {  	s0 =	sadd.s32 @!p0 $0x100000, s0;
	[bflag:$0x2] =	sbarrier.arrive $0xFFFF  }
0xd5: {  	[sflag:s0] =	ssyncadd.tile.s32 @!p0 $0x1;
	_ =	shalt  }
.Lfunc_end2:
_tile_overlayer_lowered:
.L_overlay_start_2:
0xd6: {  	(tag) =	ssettag $0x2  }
0xd7: {  	s0 =	rddreg [dreg:$0x0];
	s2 =	stileid.u32  }
0xd8: {  	s1 =	rddreg [dreg:$0x1];
	p0 =	sne.s32 s2, $0x0  }
0xd9: {  	s3 =	rddreg [dreg:$0x2];
	[bflag:$0x3] =	sbarrier.arrive $0xFFFF;
	s2 =	simm.s32 @!p0 $0x1C02  }
0xda: {  	[timem:s3], [sflag:s2] =	dma.local @!p0 [hbm:s0], s1  }
0xdb: {  	s0 =	simm.s32 @!p0 $0x2  }
0xdc: {  	_ =	swait.ge @!p0 [sflag:s0], s1  }
0xdd: {  	s1 =	ssub.s32 @!p0 $0x0, s1;
	[sflag:s0] =	ssyncset.done @!p0 $0x0  }
0xde: {  	[sflag:s0] =	ssyncadd.s32 @!p0 s1  }
0xdf: {  	[bflag:$0x3] =	sbarrier.arrive $0xFFFF  }
0xe0: {  	_ =	shalt  }

// kernel: kernel.16.cloned.1.call-start
scs
__scs_entry_jumppad:
0x0: {  	(pc) =	sbr.rel $0x88, $3  }
0x1: {  	(tag) =	ssettag $0x0;
	lr =	simm.s32 $0x1  }
0x2: {  	[smem:$0x3F96] =	sst lr;
	_ =	strace $0xD0000000  }
0x3: {  	_ = 	snop  }
0x4: {  	_ = 	snop  }
0x5: {  	_ = 	snop  }
0x6: {  	_ = 	snop  }
0x7: {  	_ = 	snop  }
__scs_overlays_trampoline_lowered:
0x8: {  	[smem:$0x3FA5] =	sst s0  }
0x9: {  	[smem:$0x3FA6] =	sst s1  }
0xa: {  	[smem:$0x3FA7] =	sst s2  }
0xb: {  	[smem:$0x3FA8] =	sst s3  }
0xc: {  	[smem:$0x3FA9] =	sst s4  }
0xd: {  	[smem:$0x3FAA] =	sst s5  }
0xe: {  	[smem:$0x3FAB] =	sst s6  }
0xf: {  	[smem:$0x3FAC] =	sst s7  }
0x10: {  	[smem:$0x3FAD] =	sst s8  }
0x11: {  	[smem:$0x3FAE] =	sst s9;
	s0 =	simm.s32 @!p0 $0x0  }
0x12: {  	s1 =	sld [smem:$0x3F94];
	s0 =	simm.s32 @p0 $0x1  }
0x13: {  	[smem:$0x3FAF] =	sst s0;
	s0 =	simm.s32 @!p1 $0x0  }
0x14: {  	s2 =	sld [smem:$0x3F93];
	s0 =	simm.s32 @p1 $0x1  }
0x15: {  	[smem:$0x3FB0] =	sst s0;
	s0 =	simm.s32 @!p2 $0x0  }
0x16: {  	s3 =	sld [smem:$0x3FDB];
	s0 =	simm.s32 @p2 $0x1  }
0x17: {  	s4 =	simm.s32 $0x1BF5;
	[smem:$0x3FB2] =	sst s0  }
0x18: {  	s0 =	sld [smem:$0x3F95];
	_ =	swait.ge [sflag:s4], $0x0  }
0x19: {  	s7 =	sld [smem:$0x3F96]  }
0x1a: {  	s8 =	sadd.s32 $0xFFFFE003, lr  }
0x1b: {  	s9 =	sadd.s32 $0xFFFFFEF7, lr;
	s5 =	simm.s32 $0xFFFFFFFF;
	p2 =	slt.u32 s8, $0xFFFFF086  }
0x1c: {  	p1 =	slt.u32 s9, $0xF7A;
	s5 =	simm.s32 @!p2 $0x0  }
0x1d: {  	s5 =	simm.s32 @p1 $0x1;
	p0 =	seq.s32 s7, s2  }
0x1e: {  	s7 =	smul.u32 @!p0 $0xF7A, s2;
	p2 =	seq.s32 @!p0 s5, $0x0  }
0x1f: {  	s9 =	smul.u32 $0xF7A, s1;
	s8 =	simm.s32 @!p0 $0x1BF5;
	p2 =	por !p2, p0  }
0x20: {  	[sflag:s8] =	ssyncset.s32 @!p0 $0xFFFFF086;
	s6 =	sadd.s32 @!p0 s3, s7;
	s7 =	simm.s32 @!p0 $0x108  }
0x21: {  	s3 =	sadd.s32 s3, s9;
	s6 =	sadd.s32 @!p0 $0x88, s6;
	s7 =	simm.s32 @p2 $0x1082  }
0x22: {  	[simem:s7], [sflag:s8] =	dma.local @!p0 [hbm:s6], $0xF7A  }
0x23: {  	s9 =	sor.u32 $0xD0000000, s2;
	s6 =	simm.s32 $0x108;
	_ =	swait.ge @!p0 [sflag:s8], $0x0  }
0x24: {  	s3 =	sadd.s32 $0x88, s3;
	s6 =	simm.s32 @!p1 $0x1082;
	[sflag:s4] =	ssyncset.s32 $0xFFFFF086  }
0x25: {  	[simem:s6], [sflag:s4] =	dma.local [hbm:s3], $0xF7A  }
0x26: {  	[smem:$0x3F96] =	sst s1;
	(tag) =	ssettag s2;
	_ =	strace s9  }
0x27: {  	s1 =	sld [smem:$0x3FA6]  }
0x28: {  	s2 =	sld [smem:$0x3FA7]  }
0x29: {  	s4 =	sld [smem:$0x3FA9]  }
0x2a: {  	p0 =	seq.s32 s5, $0x0;
	s5 =	sld [smem:$0x3FAA]  }
0x2b: {  	s6 =	sld [smem:$0x3FAB]  }
0x2c: {  	s7 =	sld [smem:$0x3FAC]  }
0x2d: {  	s3 =	simm.s32 $0x108;
	s8 =	sld [smem:$0x3FAD]  }
0x2e: {  	s3 =	simm.s32 @!p0 $0x1082;
	s9 =	sld [smem:$0x3FAE]  }
0x2f: {  	lr =	sadd.s32 s0, s3;
	s0 =	sld [smem:$0x3FA5]  }
0x30: {  	s3 =	sld [smem:$0x3FA8]  }
0x31: {  	[smem:$0x3FB1] =	sst s10  }
0x32: {  	s10 =	sld [smem:$0x3FAF];
	_ =	sdelay $0x3  }
0x33: {  	p0 =	seq.s32 s10, $0x1;
	s10 =	sld [smem:$0x3FB1];
	_ =	sdelay $0x3  }
0x34: {  	[smem:$0x3FB1] =	sst s10  }
0x35: {  	s10 =	sld [smem:$0x3FB0];
	_ =	sdelay $0x3  }
0x36: {  	p1 =	seq.s32 s10, $0x1;
	s10 =	sld [smem:$0x3FB1];
	_ =	sdelay $0x3  }
0x37: {  	[smem:$0x3FB1] =	sst s10  }
0x38: {  	s10 =	sld [smem:$0x3FB2]  }
0x39: {  	_ = 	snop;
	(pc) =	sbr.ind lr, $3  }
0x3a: {  	_ = 	snop  }
0x3b: {  	_ = 	snop  }
0x3c: {  	p2 =	seq.s32 s10, $0x1;
	s10 =	sld [smem:$0x3FB1]  }
0x3d: {  	_ =	shalt  }
0x3e: {  	_ =	shalt  }
0x3f: {  	_ =	shalt  }
0x40: {  	_ =	shalt  }
0x41: {  	_ =	shalt  }
0x42: {  	_ =	shalt  }
0x43: {  	_ =	shalt  }
0x44: {  	_ =	shalt  }
0x45: {  	_ =	shalt  }
0x46: {  	_ =	shalt  }
0x47: {  	_ =	shalt  }
0x48: {  	_ =	shalt  }
0x49: {  	_ =	shalt  }
0x4a: {  	_ =	shalt  }
0x4b: {  	_ =	shalt  }
0x4c: {  	_ =	shalt  }
0x4d: {  	_ =	shalt  }
0x4e: {  	_ =	shalt  }
0x4f: {  	_ =	shalt  }
0x50: {  	_ =	shalt  }
0x51: {  	_ =	shalt  }
0x52: {  	_ =	shalt  }
0x53: {  	_ =	shalt  }
0x54: {  	_ =	shalt  }
0x55: {  	_ =	shalt  }
0x56: {  	_ =	shalt  }
0x57: {  	_ =	shalt  }
0x58: {  	_ =	shalt  }
0x59: {  	_ =	shalt  }
0x5a: {  	_ =	shalt  }
0x5b: {  	_ =	shalt  }
0x5c: {  	_ =	shalt  }
0x5d: {  	_ =	shalt  }
0x5e: {  	_ =	shalt  }
0x5f: {  	_ =	shalt  }
0x60: {  	_ =	shalt  }
0x61: {  	_ =	shalt  }
0x62: {  	_ =	shalt  }
0x63: {  	_ =	shalt  }
0x64: {  	_ =	shalt  }
0x65: {  	_ =	shalt  }
0x66: {  	_ =	shalt  }
0x67: {  	_ =	shalt  }
0x68: {  	_ =	shalt  }
0x69: {  	_ =	shalt  }
0x6a: {  	_ =	shalt  }
0x6b: {  	_ =	shalt  }
0x6c: {  	_ =	shalt  }
0x6d: {  	_ =	shalt  }
0x6e: {  	_ =	shalt  }
0x6f: {  	_ =	shalt  }
0x70: {  	_ =	shalt  }
0x71: {  	_ =	shalt  }
0x72: {  	_ =	shalt  }
0x73: {  	_ =	shalt  }
0x74: {  	_ =	shalt  }
0x75: {  	_ =	shalt  }
0x76: {  	_ =	shalt  }
0x77: {  	_ =	shalt  }
0x78: {  	_ =	shalt  }
0x79: {  	_ =	shalt  }
0x7a: {  	_ =	shalt  }
0x7b: {  	_ =	shalt  }
0x7c: {  	_ =	shalt  }
0x7d: {  	_ =	shalt  }
0x7e: {  	_ =	shalt  }
0x7f: {  	_ =	shalt  }
0x80: {  	_ =	shalt  }
0x81: {  	_ =	shalt  }
0x82: {  	_ =	shalt  }
0x83: {  	_ =	shalt  }
0x84: {  	_ =	shalt  }
0x85: {  	_ =	shalt  }
0x86: {  	_ =	shalt  }
0x87: {  	_ =	shalt  }
.Lfunc_end0:
.L_simem_size_0:
called_computation.2_lowered:
.L_overlay_start_0:
0x88: {  	s2 =	sld [smem:$0x3FD9]  }
0x89: {  	s3 =	sld [smem:$0x3FFE];
	_ =	sdelay $0x1  }
0x8a: {  	s1 =	srdreg.scid  }
0x8b: {  	s0 =	sand.u32 $0x1, s1  }
0x8c: {  	s16 =	sshll.u32 s0, $0xA;
	s2 =	sadd.s32 s3, s2  }
0x8d: {  	s2 =	sadd.s32 s2, s16  }
0x8e: {  	[smem:$0x3FBD] =	sst s2  }
0x8f: {  	_ = 	snop  }
0x90: {  	(tm) =	ssettm $0x1  }
0x91: {  	s17 =	sld [smem:$0x3FFB];
	_ =	sdelay $0x3  }
0x92: {  	_ =	strace s17  }
0x93: {  	s2 =	sld [smem:$0x3FFC];
	_ =	sdelay $0x3  }
0x94: {  	_ =	strace s2  }
0x95: {  	s2 =	sld [smem:$0x3FFD];
	_ =	sdelay $0x3  }
0x96: {  	_ =	strace s2  }
0x97: {  	_ =	strace $0x8FFFFFFF  }
0x98: {  	s18 =	sld [smem:$0x3FDB];
	_ =	sdelay $0x1  }
0x99: {  	s19 =	simm.s32 $_scs_section_size  }
0x9a: {  	s4 =	simm.s32 $_size__tile_overlayer_lowered;
	s5 =	simm.s32 $_tile_overlayer_lowered  }
0x9b: {  	s22 =	simm.s32 $0x1BFF;
	s21 =	sshll.u32 s5, $0x1;
	s2 =	sadd.s32 s19, s18  }
0x9c: {  	s6 =	simm.s32 $0x0;
	s20 =	sshll.u32 s4, $0x1;
	s4 =	sadd.s32 s21, s2  }
0x9d: {  	[timem:s6], [sflag:s22] =	dma.local [hbm:s4], s20  }
0x9e: {  	_ =	swait.ge [sflag:s22], s20  }
0x9f: {  	s3 =	ssub.s32 $0x0, s20;
	[sflag:s22] =	ssyncset.done $0x0  }
0xa0: {  	[sflag:s22] =	ssyncadd.s32 s3;
	_ =	sdelay $0x1  }
0xa1: {  	s23 =	simm.s32 $0x1B8B  }
0xa2: {  	_ =	swait.ge [sflag:s23], $0x1  }
0xa3: {  	[sflag:s23] =	ssyncset.done $0x0  }
0xa4: {  	s25 =	simm.s32 $0x1B8E;
	s24 =	sld [smem:$0x3FFE];
	[sflag:s23] =	ssyncadd.s32 $0xFFFFFFFF  }
0xa5: {  	s26 =	simm.s32 $execute0_lowered;
	[smem:$0x3FD2] =	sst s25  }
0xa6: {  	s4 =	sshll.u32 s26, $0x1;
	_ =	strace $0x80000049;
	[dreg:$0x1] =	wrdreg $0xFFFFFFFF  }
0xa7: {  	s28 =	simm.s32 $_size_execute0_lowered;
	s2 =	sadd.s32 s2, s4;
	[dreg:$0x0] =	wrdreg $0x0  }
0xa8: {  	s4 =	sshll.u32 s28, $0x1;
	[dreg:$0x2] =	wrdreg s2  }
0xa9: {  	[dreg:$0x3] =	wrdreg s4  }
0xaa: {  	[dreg:$0x4] =	wrdreg $0xC0  }
0xab: {  	_ =	task [dreg:s6], $0x5FFFF  }
0xac: {  	[dreg:$0x1] =	wrdreg $0xFFFFFFFF  }
0xad: {  	[dreg:$0x0] =	wrdreg $0x60  }
0xae: {  	[dreg:$0x2] =	wrdreg s24  }
0xaf: {  	[dreg:$0x3] =	wrdreg $0xFA00  }
0xb0: {  	[dreg:$0x4] =	wrdreg $0xA  }
0xb1: {  	_ =	task.clear_ibuf [dreg:s6], $0x5FFFF;
	_ =	strace $0x90000049  }
0xb2: {  	s29 =	simm.s32 $0xA;
	_ =	strace $0x8000004B  }
0xb3: {  	_ =	swait.ge [sflag:s29], $0x1  }
0xb4: {  	[sflag:s29] =	ssyncadd.s32 $0xFFFFFFFF  }
0xb5: {  	_ =	strace $0x9000004B  }
0xb6: {  	_ =	sfence  }
0xb7: {  	s30 =	sld [smem:$0x0];
	_ =	sdelay $0x2  }
0xb8: {  	s31 =	sshll.u32 s1, $0xD;
	s1 =	sshrl.u32 s1, $0x2  }
0xb9: {  	s3 =	sand.u32 $0x4000, s31;
	s1 =	sadd.s32 s1, s30  }
0xba: {  	s0 =	sor.u32 s3, s0;
	s1 =	sshll.u32 s1, $0x11  }
0xbb: {  	s0 =	sor.u32 s1, s0  }
0xbc: {  	s0 =	sadd.s32 $0x8F2B, s0  }
0xbd: {  	[sflag:s0] =	ssyncadd.remote.s32 $0x1  }
0xbe: {  	_ =	sfence.sel $0xFFFF  }
0xbf: {  	[dreg:$0x0] =	wrdreg $0xFFFFFFFF;
	(pc) =	sbr.abs _section_cstart, $3  }
0xc0: {  	[dreg:$0x1] =	wrdreg $0xFFFFFFFF  }
0xc1: {  	_ =	task.clear_ibuf [dreg:s6], $0x2FFFF;
	_ =	strace $0x9FFFFFFF  }
0xc2: {  	(tm) =	ssettm $0x7FFFFFFF  }
0xc3: {  	_ =	shalt  }
tec
execute0_lowered:
.L_overlay_start_1:
0x0: {  	(tag) =	ssettag $0x1  }
0x1: {  	s8 =	rddreg [dreg:$0x0]  }
0x2: {  	s1 =	rddreg [dreg:$0x1]  }
0x3: {  	s0 =	rddreg [dreg:$0x2];
	s2 =	simm.s32 $0x0;
	s7 =	srdreg.scid  }
0x4: {  	s17 =	simm.s32 $0x5A0;
	s18 =	simm.s32 $0x1;
	s19 =	simm.s32 $0xAA0  }
0x5: {  	[smem:$0x7FF] =	sst s2;
	s3 =	sadd.s32 $0xB2200, s8;
	s4 =	sadd.s32 $0xA8400, s8  }
0x6: {  	s5 =	sadd.s32 $0xC1000, s8;
	s6 =	sadd.s32 $0xBC000, s8;
	s10 =	sadd.s32 $0xA2E00, s8  }
0x7: {  	s11 =	sadd.s32 $0xC6000, s8;
	s9 =	sand.u32 $0x1, s7;
	s12 =	sadd.s32 $0xD0000, s8  }
0x8: {  	s7 =	stileid.u32;
	s14 =	sadd.s32 $0xCB000, s8;
	_ =	strace $0x8000004A  }
0x9: {  	s13 =	ssub.s32 $0x2, s9;
	s15 =	smul.u32 $0x2710, s7;
	p0 =	seq.s32 s9, $0x0  }
0xa: {  	s30 =	sshll.u32 s7, $0x1;
	s31 =	sshll.u32 s7, $0x6;
	s29 =	sshrl.u32 s13, $0x1  }
0xb: {  	s8 =	sor.u32 s9, s30;
	s11 =	smov.u32 @p0 s10;
	s14 =	smov.u32 @p0 s12  }
0xc: {  	s13 =	ssub.s32 s13, s29;
	s16 =	sadd.s32 s15, s1;
	s15 =	sshrl.u32 s15, $0x3  }
0xd: {  	s8 =	smul.u32 $0x2710, s8;
	s9 =	smax.u32 s13, $0x1;
	s10 =	sadd.s32 s11, s15  }
0xe: {  	s11 =	sor.u32 $0x1C02, s31;
	s12 =	sadd.s32 s14, s15;
	s13 =	sshrl.u32 s16, $0x3  }
0xf: {  	s14 =	simm.s32 $0x2;
	s15 =	simm.s32 $0x50;
	s16 =	simm.s32 $0xA0  }
.LBB2_1:
0x10: {  	[spmem:s13], [sflag:s11] =	dma.local [hbm:s10], $0x4E2  }
0x11: {  	_ =	swait.ge [sflag:s14], $0x4E2  }
0x12: {  	[sflag:s14] =	ssyncset.done $0x0  }
0x13: {  	[sflag:s14] =	ssyncadd.s32 $0xFFFFFB1E  }
0x14: {  	s20 =	simm.s32 $0x0;
	[bflag:$0x0] =	sbarrier.arrive $0xFFFF  }
.LBB2_2:
0x15: {  	s21 =	smul.u32 $0x50, s20;
	_ =	sdelay $0x1  }
0x16: {  	s21 =	sadd.s32 s8, s21  }
0x17: {  	s21 =	sshrl.u32 s21, $0x3  }
0x18: {  	s23 =	simm.s32 $0x0;
	s22 =	sadd.s32 s3, s21  }
0x19: {  	[tilespmem:s23], [sflag:$0x2] =	stream.linear.gather [hbm4b:s22+s23], $0x50, $0x38;
	[tilespmem:$0x36B0] =	vst v63  }
0x1a: {  	_ =	swait.ge [sflag:s14], $0x50  }
0x1b: {  	[sflag:s14] =	ssyncset.done $0x0  }
0x1c: {  	s21 =	sadd.s32 s4, s21;
	[sflag:s14] =	ssyncadd.s32 $0xFFFFFFB0  }
0x1d: {  	[tilespmem:s15], [sflag:$0x2] =	stream.linear.gather [hbm4b:s21+s23], $0x50, $0x38;
	[tilespmem:$0x36B0] =	vst v63  }
0x1e: {  	_ =	swait.ge [sflag:s14], $0x50  }
0x1f: {  	[sflag:s14] =	ssyncset.done $0x0  }
0x20: {  	[sflag:s14] =	ssyncadd.s32 $0xFFFFFFB0  }
0x21: {  	[tilespmem:s16], [sflag:$0x1] =	stream.indirect.gather [hbm4b:s5+s15], $0x10, s23, s15, $0xb8;
	[tilespmem:$0x36B0] =	vst v63  }
0x22: {  	_ = 	snop  }
0x23: {  	[tilespmem:s17], [sflag:$0x1] =	stream.indirect.gather [hbm4b:s6+s15], $0x10, s15, s15, $0xb8;
	[tilespmem:$0x36B0] =	vst v63  }
0x24: {  	_ =	swait.ge [sflag:s18], $0x500  }
0x25: {  	[sflag:s18] =	ssyncset.done $0x0  }
0x26: {  	[sflag:s18] =	ssyncadd.s32 $0xFFFFFB00  }
0x27: {  	_ =	swait.ge [sflag:s18], $0x500  }
0x28: {  	[sflag:s18] =	ssyncset.done $0x0  }
0x29: {  	s21 =	simm.s32 $0x0;
	[sflag:s18] =	ssyncadd.s32 $0xFFFFFB00  }
0x2a: {  	v0 =	vld [tilespmem:s21+$0xA0]  }
0x2b: {  	v1 =	vld [tilespmem:s21+$0x5A0];
	_ =	sdelay $0x4  }
0x2c: {  	v0 =	vadd.f32 v1, v0;
	_ =	sdelay $0x1  }
0x2d: {  	s22 =	simm.s32 $0x10;
	v1 =	vmul.f32 $2.000000030e-01, v0  }
0x2e: {  	v2 =	vld [tilespmem:s22+$0xA0]  }
0x2f: {  	v3 =	vld [tilespmem:s22+$0x5A0];
	v0 =	vmax.f32 v0, v1  }
0x30: {  	s24 =	simm.s32 $0x20;
	v0 =	vmul.f32 $1.442695020e+00, v0  }
0x31: {  	v1 =	vld [tilespmem:s24+$0xA0]  }
0x32: {  	(erf) = vpow2.f32 v0;
	v0 =	vld [tilespmem:s24+$0x5A0];
	_ =	sdelay $0x1  }
0x33: {  	v2 =	vadd.f32 v3, v2;
	_ =	sdelay $0x1  }
0x34: {  	v3 =	vmul.f32 $2.000000030e-01, v2  }
0x35: {  	v4 =	vadd.f32 v0, v1  }
0x36: {  	v0 =	vmax.f32 v2, v3  }
0x37: {  	s23 =	simm.s32 $0x30;
	v1 =	vmul.f32 $1.442695020e+00, v0;
	v2 =	vmul.f32 $2.000000030e-01, v4  }
0x38: {  	v0 =	vld [tilespmem:s23+$0xA0]  }
0x39: {  	(erf) = vpow2.f32 v1;
	v1 =	vld [tilespmem:s23+$0x5A0];
	_ =	sdelay $0x1  }
0x3a: {  	s25 =	simm.s32 $0x100;
	v3 =	vmax.f32 v4, v2;
	v2 =	vpop (erf)  }
.LBB2_3:
0x3b: {  	s26 =	sshra.s32 s25, $0x2  }
0x3c: {  	v3 =	vmul.f32 $1.442695020e+00, v3;
	[tilespmem:s21+$0xAA0] =	vst v2;
	s21 =	smov.u32 s22;
	s22 =	smov.u32 s24;
	p0 =	sne.s32 s25, $0x13C0  }
.Ltmp0:
0x3d: {  	s25 =	sadd.s32 $0x40, s25;
	v2 =	vadd.f32 v1, v0;
	v0 =	vld [tilespmem:s26+$0xA0];
	(pc) =	sbr.rel @p0 .LBB2_3-.Ltmp0, $3  }
0x3e: {  	s24 =	smov.u32 s23;
	s23 =	smov.u32 s26;
	v1 =	vld [tilespmem:s26+$0x5A0];
	(erf) = vpow2.f32 v3  }
0x3f: {  	v3 =	vmul.f32 $2.000000030e-01, v2;
	_ =	sdelay $0x1  }
0x40: {  	v3 =	vmax.f32 v2, v3;
	v2 =	vpop (erf)  }
0x41: {  	_ = 	snop  }
0x42: {  	v0 =	vadd.f32 v1, v0;
	_ =	sdelay $0x1  }
0x43: {  	v1 =	vmul.f32 $2.000000030e-01, v0;
	_ =	sdelay $0x1  }
0x44: {  	v3 =	vmul.f32 $1.442695020e+00, v3;
	v0 =	vmax.f32 v0, v1  }
0x45: {  	v0 =	vmul.f32 $1.442695020e+00, v0  }
0x46: {  	(erf) = vpow2.f32 v3  }
0x47: {  	(erf) = vpow2.f32 v0;
	_ =	sdelay $0x6  }
0x48: {  	[tilespmem:s21+$0xAA0] =	vst v2;
	v61 =	vpop (erf)  }
0x49: {  	s20 =	sadd.s32 $0x1, s20;
	[tilespmem:s22+$0xAA0] =	vst v61;
	v62 =	vpop (erf)  }
0x4a: {  	p0 =	sne.s32 s20, $0x7D;
	[tilespmem:s24+$0xAA0] =	vst v62;
	v63 =	vpop (erf)  }
.Ltmp1:
0x4b: {  	[tilespmem:s23+$0xAA0] =	vst v63;
	(pc) =	sbr.rel @p0 .LBB2_2-.Ltmp1, $4  }
0x4c: {  	[spmem:s1] =	stream.indirect.scatter.add.f32 [tilespmem:s19], [sflag:$0x2], $0x10, s15, s15, $0xb8;
	[tilespmem:$0x36B0] =	vst v63  }
0x4d: {  	_ =	swait.ge [sflag:s14], $0x500  }
0x4e: {  	[sflag:s14] =	ssyncset.done $0x0  }
0x4f: {  	[sflag:s14] =	ssyncadd.s32 $0xFFFFFB00  }
0x50: {  	s2 =	sadd.s32 $0x1, s2  }
0x51: {  	p0 =	sne.s32 s2, s9  }
.Ltmp2:
0x52: {  	[bflag:$0x0] =	sbarrier.arrive $0xFFFF;
	(pc) =	sbr.rel @p0 .LBB2_1-.Ltmp2, $4  }
0x53: {  	[hbm:s12], [sflag:s11] =	dma.local [spmem:s13], $0x4E2  }
0x54: {  	_ =	swait.ge [sflag:s14], $0x4E2  }
0x55: {  	[sflag:s14] =	ssyncset.done $0x0  }
0x56: {  	[sflag:s14] =	ssyncadd.s32 $0xFFFFFB1E  }
0x57: {  	_ =	sfence.sel $0x180000  }
0x58: {  	[bflag:$0x0] =	sbarrier.arrive $0xFFFF  }
0x59: {  	p0 =	sne.s32 s7, $0x0;
	_ =	strace $0x9000004A  }
0x5a: {  	s0 =	sadd.s32 @!p0 $0x100000, s0;
	[bflag:$0x2] =	sbarrier.arrive $0xFFFF  }
0x5b: {  	[sflag:s0] =	ssyncadd.tile.s32 @!p0 $0x1;
	_ =	shalt  }
.Lfunc_end2:
_tile_overlayer_lowered:
.L_overlay_start_2:
0x5c: {  	(tag) =	ssettag $0x2  }
0x5d: {  	s0 =	rddreg [dreg:$0x0];
	s2 =	stileid.u32  }
0x5e: {  	s1 =	rddreg [dreg:$0x1];
	p0 =	sne.s32 s2, $0x0  }
0x5f: {  	s3 =	rddreg [dreg:$0x2];
	[bflag:$0x3] =	sbarrier.arrive $0xFFFF;
	s2 =	simm.s32 @!p0 $0x1C02  }
0x60: {  	[timem:s3], [sflag:s2] =	dma.local @!p0 [hbm:s0], s1  }
0x61: {  	s0 =	simm.s32 @!p0 $0x2  }
0x62: {  	_ =	swait.ge @!p0 [sflag:s0], s1  }
0x63: {  	s1 =	ssub.s32 @!p0 $0x0, s1;
	[sflag:s0] =	ssyncset.done @!p0 $0x0  }
0x64: {  	[sflag:s0] =	ssyncadd.s32 @!p0 s1  }
0x65: {  	[bflag:$0x3] =	sbarrier.arrive $0xFFFF  }
0x66: {  	_ =	shalt  }

// kernel: kernel.19.cloned.1.call-start
scs
__scs_entry_jumppad:
0x0: {  	(pc) =	sbr.rel $0x88, $3  }
0x1: {  	(tag) =	ssettag $0x0;
	lr =	simm.s32 $0x1  }
0x2: {  	[smem:$0x3F96] =	sst lr;
	_ =	strace $0xD0000000  }
0x3: {  	_ = 	snop  }
0x4: {  	_ = 	snop  }
0x5: {  	_ = 	snop  }
0x6: {  	_ = 	snop  }
0x7: {  	_ = 	snop  }
__scs_overlays_trampoline_lowered:
0x8: {  	[smem:$0x3FA5] =	sst s0  }
0x9: {  	[smem:$0x3FA6] =	sst s1  }
0xa: {  	[smem:$0x3FA7] =	sst s2  }
0xb: {  	[smem:$0x3FA8] =	sst s3  }
0xc: {  	[smem:$0x3FA9] =	sst s4  }
0xd: {  	[smem:$0x3FAA] =	sst s5  }
0xe: {  	[smem:$0x3FAB] =	sst s6  }
0xf: {  	[smem:$0x3FAC] =	sst s7  }
0x10: {  	[smem:$0x3FAD] =	sst s8  }
0x11: {  	[smem:$0x3FAE] =	sst s9;
	s0 =	simm.s32 @!p0 $0x0  }
0x12: {  	s1 =	sld [smem:$0x3F94];
	s0 =	simm.s32 @p0 $0x1  }
0x13: {  	[smem:$0x3FAF] =	sst s0;
	s0 =	simm.s32 @!p1 $0x0  }
0x14: {  	s2 =	sld [smem:$0x3F93];
	s0 =	simm.s32 @p1 $0x1  }
0x15: {  	[smem:$0x3FB0] =	sst s0;
	s0 =	simm.s32 @!p2 $0x0  }
0x16: {  	s3 =	sld [smem:$0x3FDB];
	s0 =	simm.s32 @p2 $0x1  }
0x17: {  	s4 =	simm.s32 $0x1BF5;
	[smem:$0x3FB2] =	sst s0  }
0x18: {  	s0 =	sld [smem:$0x3F95];
	_ =	swait.ge [sflag:s4], $0x0  }
0x19: {  	s7 =	sld [smem:$0x3F96]  }
0x1a: {  	s8 =	sadd.s32 $0xFFFFE003, lr  }
0x1b: {  	s9 =	sadd.s32 $0xFFFFFEF7, lr;
	s5 =	simm.s32 $0xFFFFFFFF;
	p2 =	slt.u32 s8, $0xFFFFF086  }
0x1c: {  	p1 =	slt.u32 s9, $0xF7A;
	s5 =	simm.s32 @!p2 $0x0  }
0x1d: {  	s5 =	simm.s32 @p1 $0x1;
	p0 =	seq.s32 s7, s2  }
0x1e: {  	s7 =	smul.u32 @!p0 $0xF7A, s2;
	p2 =	seq.s32 @!p0 s5, $0x0  }
0x1f: {  	s9 =	smul.u32 $0xF7A, s1;
	s8 =	simm.s32 @!p0 $0x1BF5;
	p2 =	por !p2, p0  }
0x20: {  	[sflag:s8] =	ssyncset.s32 @!p0 $0xFFFFF086;
	s6 =	sadd.s32 @!p0 s3, s7;
	s7 =	simm.s32 @!p0 $0x108  }
0x21: {  	s3 =	sadd.s32 s3, s9;
	s6 =	sadd.s32 @!p0 $0x88, s6;
	s7 =	simm.s32 @p2 $0x1082  }
0x22: {  	[simem:s7], [sflag:s8] =	dma.local @!p0 [hbm:s6], $0xF7A  }
0x23: {  	s9 =	sor.u32 $0xD0000000, s2;
	s6 =	simm.s32 $0x108;
	_ =	swait.ge @!p0 [sflag:s8], $0x0  }
0x24: {  	s3 =	sadd.s32 $0x88, s3;
	s6 =	simm.s32 @!p1 $0x1082;
	[sflag:s4] =	ssyncset.s32 $0xFFFFF086  }
0x25: {  	[simem:s6], [sflag:s4] =	dma.local [hbm:s3], $0xF7A  }
0x26: {  	[smem:$0x3F96] =	sst s1;
	(tag) =	ssettag s2;
	_ =	strace s9  }
0x27: {  	s1 =	sld [smem:$0x3FA6]  }
0x28: {  	s2 =	sld [smem:$0x3FA7]  }
0x29: {  	s4 =	sld [smem:$0x3FA9]  }
0x2a: {  	p0 =	seq.s32 s5, $0x0;
	s5 =	sld [smem:$0x3FAA]  }
0x2b: {  	s6 =	sld [smem:$0x3FAB]  }
0x2c: {  	s7 =	sld [smem:$0x3FAC]  }
0x2d: {  	s3 =	simm.s32 $0x108;
	s8 =	sld [smem:$0x3FAD]  }
0x2e: {  	s3 =	simm.s32 @!p0 $0x1082;
	s9 =	sld [smem:$0x3FAE]  }
0x2f: {  	lr =	sadd.s32 s0, s3;
	s0 =	sld [smem:$0x3FA5]  }
0x30: {  	s3 =	sld [smem:$0x3FA8]  }
0x31: {  	[smem:$0x3FB1] =	sst s10  }
0x32: {  	s10 =	sld [smem:$0x3FAF];
	_ =	sdelay $0x3  }
0x33: {  	p0 =	seq.s32 s10, $0x1;
	s10 =	sld [smem:$0x3FB1];
	_ =	sdelay $0x3  }
0x34: {  	[smem:$0x3FB1] =	sst s10  }
0x35: {  	s10 =	sld [smem:$0x3FB0];
	_ =	sdelay $0x3  }
0x36: {  	p1 =	seq.s32 s10, $0x1;
	s10 =	sld [smem:$0x3FB1];
	_ =	sdelay $0x3  }
0x37: {  	[smem:$0x3FB1] =	sst s10  }
0x38: {  	s10 =	sld [smem:$0x3FB2]  }
0x39: {  	_ = 	snop;
	(pc) =	sbr.ind lr, $3  }
0x3a: {  	_ = 	snop  }
0x3b: {  	_ = 	snop  }
0x3c: {  	p2 =	seq.s32 s10, $0x1;
	s10 =	sld [smem:$0x3FB1]  }
0x3d: {  	_ =	shalt  }
0x3e: {  	_ =	shalt  }
0x3f: {  	_ =	shalt  }
0x40: {  	_ =	shalt  }
0x41: {  	_ =	shalt  }
0x42: {  	_ =	shalt  }
0x43: {  	_ =	shalt  }
0x44: {  	_ =	shalt  }
0x45: {  	_ =	shalt  }
0x46: {  	_ =	shalt  }
0x47: {  	_ =	shalt  }
0x48: {  	_ =	shalt  }
0x49: {  	_ =	shalt  }
0x4a: {  	_ =	shalt  }
0x4b: {  	_ =	shalt  }
0x4c: {  	_ =	shalt  }
0x4d: {  	_ =	shalt  }
0x4e: {  	_ =	shalt  }
0x4f: {  	_ =	shalt  }
0x50: {  	_ =	shalt  }
0x51: {  	_ =	shalt  }
0x52: {  	_ =	shalt  }
0x53: {  	_ =	shalt  }
0x54: {  	_ =	shalt  }
0x55: {  	_ =	shalt  }
0x56: {  	_ =	shalt  }
0x57: {  	_ =	shalt  }
0x58: {  	_ =	shalt  }
0x59: {  	_ =	shalt  }
0x5a: {  	_ =	shalt  }
0x5b: {  	_ =	shalt  }
0x5c: {  	_ =	shalt  }
0x5d: {  	_ =	shalt  }
0x5e: {  	_ =	shalt  }
0x5f: {  	_ =	shalt  }
0x60: {  	_ =	shalt  }
0x61: {  	_ =	shalt  }
0x62: {  	_ =	shalt  }
0x63: {  	_ =	shalt  }
0x64: {  	_ =	shalt  }
0x65: {  	_ =	shalt  }
0x66: {  	_ =	shalt  }
0x67: {  	_ =	shalt  }
0x68: {  	_ =	shalt  }
0x69: {  	_ =	shalt  }
0x6a: {  	_ =	shalt  }
0x6b: {  	_ =	shalt  }
0x6c: {  	_ =	shalt  }
0x6d: {  	_ =	shalt  }
0x6e: {  	_ =	shalt  }
0x6f: {  	_ =	shalt  }
0x70: {  	_ =	shalt  }
0x71: {  	_ =	shalt  }
0x72: {  	_ =	shalt  }
0x73: {  	_ =	shalt  }
0x74: {  	_ =	shalt  }
0x75: {  	_ =	shalt  }
0x76: {  	_ =	shalt  }
0x77: {  	_ =	shalt  }
0x78: {  	_ =	shalt  }
0x79: {  	_ =	shalt  }
0x7a: {  	_ =	shalt  }
0x7b: {  	_ =	shalt  }
0x7c: {  	_ =	shalt  }
0x7d: {  	_ =	shalt  }
0x7e: {  	_ =	shalt  }
0x7f: {  	_ =	shalt  }
0x80: {  	_ =	shalt  }
0x81: {  	_ =	shalt  }
0x82: {  	_ =	shalt  }
0x83: {  	_ =	shalt  }
0x84: {  	_ =	shalt  }
0x85: {  	_ =	shalt  }
0x86: {  	_ =	shalt  }
0x87: {  	_ =	shalt  }
.Lfunc_end0:
.L_simem_size_0:
called_computation.3_lowered:
.L_overlay_start_0:
0x88: {  	s2 =	sld [smem:$0x3FD9]  }
0x89: {  	s3 =	sld [smem:$0x3FFE];
	_ =	sdelay $0x1  }
0x8a: {  	s1 =	srdreg.scid  }
0x8b: {  	s0 =	sand.u32 $0x1, s1  }
0x8c: {  	s17 =	sshll.u32 s0, $0xA;
	s2 =	sadd.s32 s3, s2  }
0x8d: {  	s2 =	sadd.s32 s2, s17  }
0x8e: {  	[smem:$0x3FBD] =	sst s2  }
0x8f: {  	_ = 	snop  }
0x90: {  	s2 =	sld [smem:$0x3FD0];
	(tm) =	ssettm $0x1  }
0x91: {  	s18 =	sld [smem:$0x3FFB];
	_ =	sdelay $0x3  }
0x92: {  	_ =	strace s18  }
0x93: {  	s3 =	sld [smem:$0x3FFC];
	_ =	sdelay $0x3  }
0x94: {  	_ =	strace s3  }
0x95: {  	s3 =	sld [smem:$0x3FFD];
	_ =	sdelay $0x3  }
0x96: {  	_ =	strace s3  }
0x97: {  	_ =	strace $0x8FFFFFFF  }
0x98: {  	s19 =	sld [smem:$0x3FDB];
	_ =	sdelay $0x1  }
0x99: {  	s4 =	simm.s32 $_scs_section_size  }
0x9a: {  	s5 =	simm.s32 $_size__tile_overlayer_lowered;
	s6 =	simm.s32 $_tile_overlayer_lowered  }
0x9b: {  	s22 =	simm.s32 $0x1BFF;
	s21 =	sshll.u32 s6, $0x1;
	s3 =	sadd.s32 s4, s19  }
0x9c: {  	s7 =	simm.s32 $0x0;
	s20 =	sshll.u32 s5, $0x1;
	s5 =	sadd.s32 s21, s3  }
0x9d: {  	[timem:s7], [sflag:s22] =	dma.local [hbm:s5], s20  }
0x9e: {  	_ =	swait.ge [sflag:s22], s20  }
0x9f: {  	s4 =	ssub.s32 $0x0, s20;
	[sflag:s22] =	ssyncset.done $0x0  }
0xa0: {  	[sflag:s22] =	ssyncadd.s32 s4;
	_ =	sdelay $0x1  }
0xa1: {  	s23 =	simm.s32 $0x1B8B  }
0xa2: {  	_ =	swait.ge [sflag:s23], $0x1  }
0xa3: {  	[sflag:s23] =	ssyncset.done $0x0  }
0xa4: {  	s25 =	simm.s32 $0x1B8E;
	s24 =	sld [smem:$0x3FFE];
	[sflag:s23] =	ssyncadd.s32 $0xFFFFFFFF  }
0xa5: {  	s26 =	simm.s32 $execute0_lowered;
	[smem:$0x3FD2] =	sst s25  }
0xa6: {  	s5 =	sshll.u32 s26, $0x1;
	_ =	strace $0x8000004F;
	[dreg:$0x1] =	wrdreg $0xFFFFFFFF  }
0xa7: {  	s28 =	simm.s32 $_size_execute0_lowered;
	s3 =	sadd.s32 s3, s5;
	[dreg:$0x0] =	wrdreg $0x0  }
0xa8: {  	s5 =	sshll.u32 s28, $0x1;
	[dreg:$0x2] =	wrdreg s3  }
0xa9: {  	[dreg:$0x3] =	wrdreg s5  }
0xaa: {  	[dreg:$0x4] =	wrdreg $0xC0  }
0xab: {  	_ =	task [dreg:s7], $0x5FFFF  }
0xac: {  	[dreg:$0x1] =	wrdreg $0xFFFFFFFF  }
0xad: {  	[dreg:$0x0] =	wrdreg $0x60  }
0xae: {  	[dreg:$0x2] =	wrdreg s24  }
0xaf: {  	[dreg:$0x3] =	wrdreg s2  }
0xb0: {  	[dreg:$0x4] =	wrdreg $0x9  }
0xb1: {  	_ =	task.clear_ibuf [dreg:s7], $0x5FFFF;
	_ =	strace $0x9000004F  }
0xb2: {  	s29 =	simm.s32 $0x9;
	_ =	strace $0x80000051  }
0xb3: {  	_ =	swait.ge [sflag:s29], $0x1  }
0xb4: {  	[sflag:s29] =	ssyncadd.s32 $0xFFFFFFFF  }
0xb5: {  	_ =	strace $0x90000051  }
0xb6: {  	_ =	sfence  }
0xb7: {  	s30 =	sld [smem:$0x0];
	_ =	sdelay $0x2  }
0xb8: {  	s31 =	sshll.u32 s1, $0xD;
	s1 =	sshrl.u32 s1, $0x2  }
0xb9: {  	s3 =	sand.u32 $0x4000, s31;
	s1 =	sadd.s32 s1, s30  }
0xba: {  	s0 =	sor.u32 s3, s0;
	s1 =	sshll.u32 s1, $0x11  }
0xbb: {  	s0 =	sor.u32 s1, s0  }
0xbc: {  	s0 =	sadd.s32 $0x8F2B, s0  }
0xbd: {  	[sflag:s0] =	ssyncadd.remote.s32 $0x1  }
0xbe: {  	_ =	sfence.sel $0xFFFF  }
0xbf: {  	[dreg:$0x0] =	wrdreg $0xFFFFFFFF;
	(pc) =	sbr.abs _section_cstart, $3  }
0xc0: {  	[dreg:$0x1] =	wrdreg $0xFFFFFFFF  }
0xc1: {  	_ =	task.clear_ibuf [dreg:s7], $0x2FFFF;
	_ =	strace $0x9FFFFFFF  }
0xc2: {  	(tm) =	ssettm $0x7FFFFFFF  }
0xc3: {  	_ =	shalt  }
tec
execute0_lowered:
.L_overlay_start_1:
0x0: {  	(tag) =	ssettag $0x1  }
0x1: {  	s1 =	srdreg.scid  }
0x2: {  	s8 =	rddreg [dreg:$0x0];
	s0 =	stileid.u32  }
0x3: {  	s3 =	rddreg [dreg:$0x1];
	s2 =	simm.s32 $0x0;
	s6 =	sand.u32 $0x1, s1  }
0x4: {  	s4 =	sshll.u32 s0, $0x6;
	s1 =	rddreg [dreg:$0x2];
	s5 =	sshll.u32 s6, $0x5  }
0x5: {  	s7 =	simm.s32 $0x1;
	[smem:$0x7FF] =	sst s2;
	s9 =	sor.u32 s5, s4  }
0x6: {  	_ =	strace $0x80000050;
	s10 =	ssub.s32 $0x2, s6;
	s4 =	sshrl.u32 s9, $0x3  }
0x7: {  	s6 =	simm.s32 $0x20;
	s4 =	sadd.s32 s3, s4;
	s3 =	simm.s32 $0x2  }
0x8: {  	[tilespmem:s2], [sflag:$0x2] =	stream.linear.gather [hbm4b:s4+s2], $0x20, $0x38;
	[tilespmem:$0x1020] =	vst v63  }
0x9: {  	s5 =	sadd.s32 $0x6A00, s8;
	s11 =	sshrl.u32 s10, $0x1;
	_ =	swait.ge [sflag:s3], $0x20  }
0xa: {  	s9 =	sshll.u32 s9, $0x4;
	s31 =	ssub.s32 s10, s11;
	[sflag:s3] =	ssyncset.done $0x0  }
0xb: {  	s8 =	sadd.s32 s9, s8;
	s9 =	smax.u32 s31, $0x1;
	[sflag:s3] =	ssyncadd.s32 $0xFFFFFFE0  }
0xc: {  	[tilespmem:s6], [sflag:$0x1] =	stream.indirect.gather [hbm4b:s5+s6], $0x80, s2, s6, $0xb8;
	[tilespmem:$0x1020] =	vst v63  }
0xd: {  	p0 =	sne.s32 s9, $0x1;
	_ =	swait.ge [sflag:s7], $0x1000  }
.Ltmp0:
0xe: {  	[sflag:s7] =	ssyncset.done $0x0;
	(pc) =	sbr.rel @!p0 .LBB2_2-.Ltmp0, $4  }
0xf: {  	s8 =	sadd.s32 $0x2DC00, s8;
	[sflag:s7] =	ssyncadd.s32 $0xFFFFF000  }
0x10: {  	[hbm4b:s8+s2] =	stream.linear.scatter [tilespmem:s6], [sflag:$0x2], $0x1000, $0x38;
	[tilespmem:$0x1020] =	vst v63  }
0x11: {  	_ =	swait.ge [sflag:s3], $0x1000  }
0x12: {  	s9 =	sadd.s32 $0xFFFFFFFF, s9;
	[sflag:s3] =	ssyncset.done $0x0  }
.LBB2_1:
0x13: {  	p0 =	sne.s32 s9, $0x1;
	s9 =	sadd.s32 $0xFFFFFFFF, s9;
	[sflag:s3] =	ssyncadd.s32 $0xFFFFF000  }
0x14: {  	[tilespmem:s2], [sflag:$0x2] =	stream.linear.gather [hbm4b:s4+s2], $0x20, $0x38;
	[tilespmem:$0x1020] =	vst v63  }
0x15: {  	_ =	swait.ge [sflag:s3], $0x20  }
0x16: {  	[sflag:s3] =	ssyncset.done $0x0  }
0x17: {  	[sflag:s3] =	ssyncadd.s32 $0xFFFFFFE0  }
0x18: {  	[tilespmem:s6], [sflag:$0x1] =	stream.indirect.gather [hbm4b:s5+s6], $0x80, s2, s6, $0xb8;
	[tilespmem:$0x1020] =	vst v63  }
0x19: {  	_ =	swait.ge [sflag:s7], $0x1000  }
.Ltmp1:
0x1a: {  	[sflag:s7] =	ssyncset.done $0x0;
	(pc) =	sbr.rel @p0 .LBB2_1-.Ltmp1, $4  }
0x1b: {  	[sflag:s7] =	ssyncadd.s32 $0xFFFFF000  }
0x1c: {  	[hbm4b:s8+s2] =	stream.linear.scatter [tilespmem:s6], [sflag:$0x2], $0x1000, $0x38;
	[tilespmem:$0x1020] =	vst v63  }
0x1d: {  	_ =	swait.ge [sflag:s3], $0x1000  }
0x1e: {  	[sflag:s3] =	ssyncset.done $0x0  }
.LBB2_2:
0x1f: {  	[sflag:s3] =	ssyncadd.s32 $0xFFFFF000  }
0x20: {  	_ =	sfence.sel $0x180000  }
0x21: {  	[bflag:$0x0] =	sbarrier.arrive $0xFFFF  }
0x22: {  	p0 =	sne.s32 s0, $0x0;
	_ =	strace $0x90000050  }
0x23: {  	s0 =	sadd.s32 @!p0 $0x100000, s1;
	[bflag:$0x2] =	sbarrier.arrive $0xFFFF  }
0x24: {  	[sflag:s0] =	ssyncadd.tile.s32 @!p0 $0x1;
	_ =	shalt  }
.Lfunc_end2:
_tile_overlayer_lowered:
.L_overlay_start_2:
0x25: {  	(tag) =	ssettag $0x2  }
0x26: {  	s0 =	rddreg [dreg:$0x0];
	s2 =	stileid.u32  }
0x27: {  	s1 =	rddreg [dreg:$0x1];
	p0 =	sne.s32 s2, $0x0  }
0x28: {  	s3 =	rddreg [dreg:$0x2];
	[bflag:$0x3] =	sbarrier.arrive $0xFFFF;
	s2 =	simm.s32 @!p0 $0x1C02  }
0x29: {  	[timem:s3], [sflag:s2] =	dma.local @!p0 [hbm:s0], s1  }
0x2a: {  	s0 =	simm.s32 @!p0 $0x2  }
0x2b: {  	_ =	swait.ge @!p0 [sflag:s0], s1  }
0x2c: {  	s1 =	ssub.s32 @!p0 $0x0, s1;
	[sflag:s0] =	ssyncset.done @!p0 $0x0  }
0x2d: {  	[sflag:s0] =	ssyncadd.s32 @!p0 s1  }
0x2e: {  	[bflag:$0x3] =	sbarrier.arrive $0xFFFF  }
0x2f: {  	_ =	shalt  }

</sc_bundles>
